<compile_context>
chip_gen: v7x
topology: tpu7x:2x2x1
jax: 0.10.2.dev20260603
libtpu: 0.0.44.dev20260713+nightly
codegen_flags: <defaults>
</compile_context>

<pallas_src>
import functools

import jax
import jax.numpy as jnp
from jax import lax
from jax.experimental import pallas as pl
from jax.experimental.pallas import tpu as pltpu
from jax.experimental.pallas import tpu_sc as plsc

BATCH = 1024
NT = 200
D = 128
ROWS = BATCH * NT
NC, NS, L = 2, 16, 16
NW = NC * NS
B_PER_W = ROWS // NW
CHUNK = 128
NCHUNK = B_PER_W // CHUNK
VECS = CHUNK // L
NBUF = 5
ROUNDS = NCHUNK // NBUF
TBL_ROWS = 158


def _sc_gather(idx_hbm, seq_hbm, table_hbm):
    mesh = plsc.VectorSubcoreMesh(core_axis_name="c", subcore_axis_name="s")

    @functools.partial(
        pl.kernel,
        out_type=jax.ShapeDtypeStruct((ROWS, D), jnp.float32),
        mesh=mesh,
        scratch_types=[
            pltpu.VMEM((NCHUNK, CHUNK), jnp.int32),
            pltpu.VMEM((NBUF, CHUNK, D), jnp.float32),
            pltpu.VMEM((L,), jnp.int32),
            pltpu.VMEM_SHARED((TBL_ROWS, D), jnp.float32),
            pltpu.SemaphoreType.DMA((NBUF,)),
            pltpu.SemaphoreType.DMA((NBUF,)),
        ],
    )
    def body(idx_ref, seq_ref, tbl_ref, out_ref,
             idx_v, rows_v, seq_v, tbl_sh, gsem, psem):
        sid = lax.axis_index("s")
        wid = sid * NC + lax.axis_index("c")
        base = wid * B_PER_W

        @pl.when(sid == 0)
        def _():
            pltpu.sync_copy(tbl_ref, tbl_sh)

        pltpu.sync_copy(idx_ref.at[wid], idx_v)
        pltpu.sync_copy(seq_ref, seq_v)
        seq = seq_v[...]
        lane = lax.iota(jnp.int32, L)

        def xform(j):
            for k in range(VECS):
                pos0 = base + j * CHUNK + k * L
                t = lax.rem(pos0 + lane, NT)
                v = idx_v[j, pl.ds(k * L, L)]
                idx_v[j, pl.ds(k * L, L)] = jnp.where(t < seq, v + 1, 0)

        for j in range(NBUF):
            xform(j)
        plsc.subcore_barrier()

        def gather_cp(b, j):
            return pltpu.make_async_copy(
                tbl_sh.at[idx_v.at[j]], rows_v.at[b], gsem.at[b])

        def put_cp(b, j):
            return pltpu.make_async_copy(
                rows_v.at[b], out_ref.at[pl.ds(base + j * CHUNK, CHUNK)],
                psem.at[b])

        for b in range(NBUF):
            gather_cp(b, b).start()

        def round_body(r, _):
            for b in range(NBUF):
                j = r * NBUF + b
                gather_cp(b, j).wait()
                put_cp(b, j).start()
                jn = j + NBUF

                @pl.when(jn < NCHUNK)
                def _():
                    xform(jn)
                    put_cp(b, j).wait()
                    gather_cp(b, jn).start()
            return 0

        lax.fori_loop(0, ROUNDS, round_body, 0)

        for b in range(NBUF):
            put_cp(b, (ROUNDS - 1) * NBUF + b).wait()

    return body(idx_hbm, seq_hbm, table_hbm)


def kernel(text, seq_len, text_embed, text_embed_ko):
    del text_embed
    idx = text.reshape(NW, NCHUNK, CHUNK).astype(jnp.int32)
    seq = jnp.full((L,), seq_len, dtype=jnp.int32)
    out = _sc_gather(idx, seq, text_embed_ko)
    return out.reshape(BATCH, NT, D)

# --- scband reference (transcript-rebuilt; emitter-appended) ---
"""Pipeline reference for scband-text-embedding-orig-23656679867666 (READ-ONLY COPY).

The authoritative reference and input builder live on the scoring server;
editing this copy changes nothing except your own understanding.
"""

import jax, jax.numpy as jnp
import numpy as np

BATCH = 1024
NT = 200
TEXT_DIM = 128
PRETRAINED_VOCAB = 2545
SIG_EN = 88
JAMO = 69


def setup_inputs(seed: int = 0) -> dict:
    key = jax.random.key(seed)
    k1, k2, k3 = jax.random.split(key, 3)
    # indices must satisfy text+1 < 158 (smaller ko table), so max value 156 -> randint upper 157
    text = jax.random.randint(k1, (BATCH, NT), 0, 157, dtype=jnp.int64)
    text_embed = jax.random.normal(k2, (PRETRAINED_VOCAB + 1, TEXT_DIM), dtype=jnp.float32)
    text_embed_ko = jax.random.normal(k3, (SIG_EN + JAMO + 1, TEXT_DIM), dtype=jnp.float32)
    return {"text": text, "seq_len": 200, "text_embed": text_embed, "text_embed_ko": text_embed_ko}


def reference(text, seq_len, text_embed, text_embed_ko):
    # module config: mask_padding=True, conv_layers=0 (extra_modeling=False), ko=True -> alpha=1, drop_text=False
    alpha = 1
    text = text + 1
    batch, text_len = text.shape[0], text.shape[1]
    col = jnp.arange(text_len)
    text = jnp.where(col[None, :] < seq_len, text, 0)
    text_mask = text == 0  # computed because mask_padding=True (unused since extra_modeling=False)
    zh_en = jnp.take(text_embed, text, axis=0)
    ko = jnp.take(text_embed_ko, text, axis=0)
    out = (1 - alpha) * zh_en + alpha * ko
    return out

if __name__ == "__main__":
    import jax
    _d = setup_inputs()
    print(jax.jit(kernel)(*tuple(_d.values())))

</pallas_src>

<mosaic_0001>
#map = affine_map<(d0, d1) -> (0, 0, 0)>
#map1 = affine_map<(d0, d1) -> (0)>
#map2 = affine_map<(d0, d1) -> (0, 0)>
module attributes {stable_mosaic.version = 14 : i64} {
  func.func @body(%arg0: i32, %arg1: i32, %arg2: memref<32x50x128xi32, #tpu.memory_space<hbm>>, %arg3: memref<16xi32, #tpu.memory_space<hbm>>, %arg4: memref<158x128xf32, #tpu.memory_space<hbm>>, %arg5: memref<204800x128xf32, #tpu.memory_space<hbm>>, %arg6: memref<50x128xi32, #tpu.memory_space<vmem>>, %arg7: memref<5x128x128xf32, #tpu.memory_space<vmem>>, %arg8: memref<16xi32, #tpu.memory_space<vmem>>, %arg9: memref<158x128xf32, #tpu.memory_space<vmem_shared>>, %arg10: memref<5x!tpu.dma_semaphore, #tpu.memory_space<semaphore_mem>>, %arg11: memref<5x!tpu.dma_semaphore, #tpu.memory_space<semaphore_mem>>) attributes {dimension_semantics = [#tpu.dimension_semantics<core_parallel>, #tpu.dimension_semantics<subcore_parallel>], iteration_bounds = array<i64: 2, 16>, scalar_prefetch = 0 : i64, scratch_operands = 6 : i64, tpu.core_type = #tpu.core_type<sc_vector_subcore>, window_params = [{transform_indices = #map}, {transform_indices = #map1}, {transform_indices = #map2}, {transform_indices = #map2}]} {
    %mul3A = arith.constant 2 : i32
    %mul3A_0 = arith.muli %arg1, %mul3A : i32
    %add3A = arith.addi %mul3A_0, %arg0 : i32
    %mul3A_1 = arith.constant 6400 : i32
    %mul3A_2 = arith.muli %add3A, %mul3A_1 : i32
    %eq3A = arith.constant 0 : i32
    %eq3A_3 = arith.cmpi eq, %arg1, %eq3A : i32
    %convert_element_type3A = arith.extui %eq3A_3 : i1 to i32
    %cond3A = arith.constant 0 : i32
    %cond3A_4 = arith.cmpi ne, %convert_element_type3A, %cond3A : i32
    scf.if %cond3A_4 {
      "tpu.region"() ({
        %run_scoped3A = tpu.sem_alloc : memref<!tpu.dma_semaphore, #tpu.memory_space<semaphore_mem>>
        tpu.enqueue_dma source(%arg4 : memref<158x128xf32, #tpu.memory_space<hbm>>) target(%arg9 : memref<158x128xf32, #tpu.memory_space<vmem_shared>>) target_semaphore(%run_scoped3A : memref<!tpu.dma_semaphore, #tpu.memory_space<semaphore_mem>>)
        tpu.wait_dma2 semaphore(%run_scoped3A : memref<!tpu.dma_semaphore, #tpu.memory_space<semaphore_mem>>) src(%arg4 : memref<158x128xf32, #tpu.memory_space<hbm>>) dst(%arg9 : memref<158x128xf32, #tpu.memory_space<vmem_shared>>)
        tpu.yield
      }) : () -> ()
    } else {
    }
    "tpu.region"() ({
      %run_scoped3A = tpu.sem_alloc : memref<!tpu.dma_semaphore, #tpu.memory_space<semaphore_mem>>
      %dma_start3A_1250 = arith.constant 0 : i32
      %dma_start3A_1251 = arith.constant 0 : i32
      %dma_start3A_1252 = tpu.memref_slice %arg2[%add3A, %dma_start3A_1250, %dma_start3A_1251] : memref<32x50x128xi32, #tpu.memory_space<hbm>> -> memref<1x50x128xi32, #tpu.memory_space<hbm>>
      %dma_start3A_1253 = tpu.memref_squeeze %dma_start3A_1252 : memref<1x50x128xi32, #tpu.memory_space<hbm>> -> memref<50x128xi32, #tpu.memory_space<hbm>>
      %dma_start3A_1254 = arith.constant 0 : i32
      %dma_start3A_1255 = arith.constant 0 : i32
      %dma_start3A_1256 = tpu.memref_slice %arg2[%add3A, %dma_start3A_1254, %dma_start3A_1255] : memref<32x50x128xi32, #tpu.memory_space<hbm>> -> memref<1x50x128xi32, #tpu.memory_space<hbm>>
      %dma_start3A_1257 = tpu.memref_squeeze %dma_start3A_1256 : memref<1x50x128xi32, #tpu.memory_space<hbm>> -> memref<50x128xi32, #tpu.memory_space<hbm>>
      tpu.enqueue_dma source(%dma_start3A_1257 : memref<50x128xi32, #tpu.memory_space<hbm>>) target(%arg6 : memref<50x128xi32, #tpu.memory_space<vmem>>) target_semaphore(%run_scoped3A : memref<!tpu.dma_semaphore, #tpu.memory_space<semaphore_mem>>)
      %dma_wait3A_1258 = arith.constant 0 : i32
      %dma_wait3A_1259 = arith.constant 0 : i32
      %dma_wait3A_1260 = tpu.memref_slice %arg2[%add3A, %dma_wait3A_1258, %dma_wait3A_1259] : memref<32x50x128xi32, #tpu.memory_space<hbm>> -> memref<1x50x128xi32, #tpu.memory_space<hbm>>
      %dma_wait3A_1261 = tpu.memref_squeeze %dma_wait3A_1260 : memref<1x50x128xi32, #tpu.memory_space<hbm>> -> memref<50x128xi32, #tpu.memory_space<hbm>>
      %dma_wait3A_1262 = arith.constant 0 : i32
      %dma_wait3A_1263 = arith.constant 0 : i32
      %dma_wait3A_1264 = tpu.memref_slice %arg2[%add3A, %dma_wait3A_1262, %dma_wait3A_1263] : memref<32x50x128xi32, #tpu.memory_space<hbm>> -> memref<1x50x128xi32, #tpu.memory_space<hbm>>
      %dma_wait3A_1265 = tpu.memref_squeeze %dma_wait3A_1264 : memref<1x50x128xi32, #tpu.memory_space<hbm>> -> memref<50x128xi32, #tpu.memory_space<hbm>>
      tpu.wait_dma2 semaphore(%run_scoped3A : memref<!tpu.dma_semaphore, #tpu.memory_space<semaphore_mem>>) src(%dma_wait3A_1265 : memref<50x128xi32, #tpu.memory_space<hbm>>) dst(%arg6 : memref<50x128xi32, #tpu.memory_space<vmem>>)
      tpu.yield
    }) : () -> ()
    "tpu.region"() ({
      %run_scoped3A = tpu.sem_alloc : memref<!tpu.dma_semaphore, #tpu.memory_space<semaphore_mem>>
      tpu.enqueue_dma source(%arg3 : memref<16xi32, #tpu.memory_space<hbm>>) target(%arg8 : memref<16xi32, #tpu.memory_space<vmem>>) target_semaphore(%run_scoped3A : memref<!tpu.dma_semaphore, #tpu.memory_space<semaphore_mem>>)
      tpu.wait_dma2 semaphore(%run_scoped3A : memref<!tpu.dma_semaphore, #tpu.memory_space<semaphore_mem>>) src(%arg3 : memref<16xi32, #tpu.memory_space<hbm>>) dst(%arg8 : memref<16xi32, #tpu.memory_space<vmem>>)
      tpu.yield
    }) : () -> ()
    %get3A = arith.constant 0 : index
    %get3A_5 = tpu.vector_load %arg8[%get3A] {strides = array<i32>} : memref<16xi32, #tpu.memory_space<vmem>>, vector<16xi32>,
    %get3A_6 = vector.shape_cast %get3A_5 : vector<16xi32> to vector<16xi32>
    %iota3A = tpu.iota {dimensions = array<i32: 0>} : vector<16xi32>
    %add3A_7 = arith.constant 0 : i32
    %add3A_8 = arith.addi %mul3A_2, %add3A_7 : i32
    %add3A_9 = arith.constant 0 : i32
    %add3A_10 = arith.addi %add3A_8, %add3A_9 : i32
    %add3A_11 = vector.broadcast %add3A_10 : i32 to vector<16xi32>
    %add3A_12 = arith.addi %add3A_11, %iota3A : vector<16xi32>
    %rem3A = arith.constant 200 : i32
    %rem3A_13 = vector.broadcast %rem3A : i32 to vector<16xi32>
    %rem3A_14 = arith.remsi %add3A_12, %rem3A_13 : vector<16xi32>
    %get3A_15 = arith.constant 0 : i32
    %get3A_16 = arith.index_cast %get3A_15 : i32 to index
    %get3A_17 = arith.constant 0 : index
    %get3A_18 = tpu.vector_load %arg6[%get3A_16, %get3A_17] {strides = array<i32>} : memref<50x128xi32, #tpu.memory_space<vmem>>, vector<1x16xi32>,
    %get3A_19 = vector.shape_cast %get3A_18 : vector<1x16xi32> to vector<16xi32>
    %lt3A = arith.cmpi slt, %rem3A_14, %get3A_6 : vector<16xi32>
    %add3A_20 = arith.constant 1 : i32
    %add3A_21 = vector.broadcast %add3A_20 : i32 to vector<16xi32>
    %add3A_22 = arith.addi %get3A_19, %add3A_21 : vector<16xi32>
    %jit3A = arith.constant 0 : i32
    %broadcast_in_dim3A = vector.broadcast %jit3A : i32 to vector<16xi32>
    %select_n3A = arith.select %lt3A, %add3A_22, %broadcast_in_dim3A : vector<16xi1>, vector<16xi32>
    %swap3A = arith.constant 0 : i32
    %swap3A_23 = arith.index_cast %swap3A : i32 to index
    %swap3A_24 = arith.constant 0 : index
    %swap3A_25 = tpu.vector_load %arg6[%swap3A_23, %swap3A_24] {strides = array<i32>} : memref<50x128xi32, #tpu.memory_space<vmem>>, vector<1x16xi32>,
    %swap3A_26 = vector.shape_cast %swap3A_25 : vector<1x16xi32> to vector<16xi32>
    %swap3A_27 = vector.shape_cast %select_n3A : vector<16xi32> to vector<1x16xi32>
    tpu.vector_store %arg6[%swap3A_23, %swap3A_24], %swap3A_27 {strides = array<i32>} : memref<50x128xi32, #tpu.memory_space<vmem>>, vector<1x16xi32>,
    %add3A_28 = arith.constant 0 : i32
    %add3A_29 = arith.addi %mul3A_2, %add3A_28 : i32
    %add3A_30 = arith.constant 16 : i32
    %add3A_31 = arith.addi %add3A_29, %add3A_30 : i32
    %add3A_32 = vector.broadcast %add3A_31 : i32 to vector<16xi32>
    %add3A_33 = arith.addi %add3A_32, %iota3A : vector<16xi32>
    %rem3A_34 = arith.constant 200 : i32
    %rem3A_35 = vector.broadcast %rem3A_34 : i32 to vector<16xi32>
    %rem3A_36 = arith.remsi %add3A_33, %rem3A_35 : vector<16xi32>
    %get3A_37 = arith.constant 0 : i32
    %get3A_38 = arith.index_cast %get3A_37 : i32 to index
    %get3A_39 = arith.constant 16 : index
    %get3A_40 = tpu.vector_load %arg6[%get3A_38, %get3A_39] {strides = array<i32>} : memref<50x128xi32, #tpu.memory_space<vmem>>, vector<1x16xi32>,
    %get3A_41 = vector.shape_cast %get3A_40 : vector<1x16xi32> to vector<16xi32>
    %lt3A_42 = arith.cmpi slt, %rem3A_36, %get3A_6 : vector<16xi32>
    %add3A_43 = arith.constant 1 : i32
    %add3A_44 = vector.broadcast %add3A_43 : i32 to vector<16xi32>
    %add3A_45 = arith.addi %get3A_41, %add3A_44 : vector<16xi32>
    %jit3A_46 = arith.constant 0 : i32
    %broadcast_in_dim3A_47 = vector.broadcast %jit3A_46 : i32 to vector<16xi32>
    %select_n3A_48 = arith.select %lt3A_42, %add3A_45, %broadcast_in_dim3A_47 : vector<16xi1>, vector<16xi32>
    %swap3A_49 = arith.constant 0 : i32
    %swap3A_50 = arith.index_cast %swap3A_49 : i32 to index
    %swap3A_51 = arith.constant 16 : index
    %swap3A_52 = tpu.vector_load %arg6[%swap3A_50, %swap3A_51] {strides = array<i32>} : memref<50x128xi32, #tpu.memory_space<vmem>>, vector<1x16xi32>,
    %swap3A_53 = vector.shape_cast %swap3A_52 : vector<1x16xi32> to vector<16xi32>
    %swap3A_54 = vector.shape_cast %select_n3A_48 : vector<16xi32> to vector<1x16xi32>
    tpu.vector_store %arg6[%swap3A_50, %swap3A_51], %swap3A_54 {strides = array<i32>} : memref<50x128xi32, #tpu.memory_space<vmem>>, vector<1x16xi32>,
    %add3A_55 = arith.constant 0 : i32
    %add3A_56 = arith.addi %mul3A_2, %add3A_55 : i32
    %add3A_57 = arith.constant 32 : i32
    %add3A_58 = arith.addi %add3A_56, %add3A_57 : i32
    %add3A_59 = vector.broadcast %add3A_58 : i32 to vector<16xi32>
    %add3A_60 = arith.addi %add3A_59, %iota3A : vector<16xi32>
    %rem3A_61 = arith.constant 200 : i32
    %rem3A_62 = vector.broadcast %rem3A_61 : i32 to vector<16xi32>
    %rem3A_63 = arith.remsi %add3A_60, %rem3A_62 : vector<16xi32>
    %get3A_64 = arith.constant 0 : i32
    %get3A_65 = arith.index_cast %get3A_64 : i32 to index
    %get3A_66 = arith.constant 32 : index
    %get3A_67 = tpu.vector_load %arg6[%get3A_65, %get3A_66] {strides = array<i32>} : memref<50x128xi32, #tpu.memory_space<vmem>>, vector<1x16xi32>,
    %get3A_68 = vector.shape_cast %get3A_67 : vector<1x16xi32> to vector<16xi32>
    %lt3A_69 = arith.cmpi slt, %rem3A_63, %get3A_6 : vector<16xi32>
    %add3A_70 = arith.constant 1 : i32
    %add3A_71 = vector.broadcast %add3A_70 : i32 to vector<16xi32>
    %add3A_72 = arith.addi %get3A_68, %add3A_71 : vector<16xi32>
    %jit3A_73 = arith.constant 0 : i32
    %broadcast_in_dim3A_74 = vector.broadcast %jit3A_73 : i32 to vector<16xi32>
    %select_n3A_75 = arith.select %lt3A_69, %add3A_72, %broadcast_in_dim3A_74 : vector<16xi1>, vector<16xi32>
    %swap3A_76 = arith.constant 0 : i32
    %swap3A_77 = arith.index_cast %swap3A_76 : i32 to index
    %swap3A_78 = arith.constant 32 : index
    %swap3A_79 = tpu.vector_load %arg6[%swap3A_77, %swap3A_78] {strides = array<i32>} : memref<50x128xi32, #tpu.memory_space<vmem>>, vector<1x16xi32>,
    %swap3A_80 = vector.shape_cast %swap3A_79 : vector<1x16xi32> to vector<16xi32>
    %swap3A_81 = vector.shape_cast %select_n3A_75 : vector<16xi32> to vector<1x16xi32>
    tpu.vector_store %arg6[%swap3A_77, %swap3A_78], %swap3A_81 {strides = array<i32>} : memref<50x128xi32, #tpu.memory_space<vmem>>, vector<1x16xi32>,
    %add3A_82 = arith.constant 0 : i32
    %add3A_83 = arith.addi %mul3A_2, %add3A_82 : i32
    %add3A_84 = arith.constant 48 : i32
    %add3A_85 = arith.addi %add3A_83, %add3A_84 : i32
    %add3A_86 = vector.broadcast %add3A_85 : i32 to vector<16xi32>
    %add3A_87 = arith.addi %add3A_86, %iota3A : vector<16xi32>
    %rem3A_88 = arith.constant 200 : i32
    %rem3A_89 = vector.broadcast %rem3A_88 : i32 to vector<16xi32>
    %rem3A_90 = arith.remsi %add3A_87, %rem3A_89 : vector<16xi32>
    %get3A_91 = arith.constant 0 : i32
    %get3A_92 = arith.index_cast %get3A_91 : i32 to index
    %get3A_93 = arith.constant 48 : index
    %get3A_94 = tpu.vector_load %arg6[%get3A_92, %get3A_93] {strides = array<i32>} : memref<50x128xi32, #tpu.memory_space<vmem>>, vector<1x16xi32>,
    %get3A_95 = vector.shape_cast %get3A_94 : vector<1x16xi32> to vector<16xi32>
    %lt3A_96 = arith.cmpi slt, %rem3A_90, %get3A_6 : vector<16xi32>
    %add3A_97 = arith.constant 1 : i32
    %add3A_98 = vector.broadcast %add3A_97 : i32 to vector<16xi32>
    %add3A_99 = arith.addi %get3A_95, %add3A_98 : vector<16xi32>
    %jit3A_100 = arith.constant 0 : i32
    %broadcast_in_dim3A_101 = vector.broadcast %jit3A_100 : i32 to vector<16xi32>
    %select_n3A_102 = arith.select %lt3A_96, %add3A_99, %broadcast_in_dim3A_101 : vector<16xi1>, vector<16xi32>
    %swap3A_103 = arith.constant 0 : i32
    %swap3A_104 = arith.index_cast %swap3A_103 : i32 to index
    %swap3A_105 = arith.constant 48 : index
    %swap3A_106 = tpu.vector_load %arg6[%swap3A_104, %swap3A_105] {strides = array<i32>} : memref<50x128xi32, #tpu.memory_space<vmem>>, vector<1x16xi32>,
    %swap3A_107 = vector.shape_cast %swap3A_106 : vector<1x16xi32> to vector<16xi32>
    %swap3A_108 = vector.shape_cast %select_n3A_102 : vector<16xi32> to vector<1x16xi32>
    tpu.vector_store %arg6[%swap3A_104, %swap3A_105], %swap3A_108 {strides = array<i32>} : memref<50x128xi32, #tpu.memory_space<vmem>>, vector<1x16xi32>,
    %add3A_109 = arith.constant 0 : i32
    %add3A_110 = arith.addi %mul3A_2, %add3A_109 : i32
    %add3A_111 = arith.constant 64 : i32
    %add3A_112 = arith.addi %add3A_110, %add3A_111 : i32
    %add3A_113 = vector.broadcast %add3A_112 : i32 to vector<16xi32>
    %add3A_114 = arith.addi %add3A_113, %iota3A : vector<16xi32>
    %rem3A_115 = arith.constant 200 : i32
    %rem3A_116 = vector.broadcast %rem3A_115 : i32 to vector<16xi32>
    %rem3A_117 = arith.remsi %add3A_114, %rem3A_116 : vector<16xi32>
    %get3A_118 = arith.constant 0 : i32
    %get3A_119 = arith.index_cast %get3A_118 : i32 to index
    %get3A_120 = arith.constant 64 : index
    %get3A_121 = tpu.vector_load %arg6[%get3A_119, %get3A_120] {strides = array<i32>} : memref<50x128xi32, #tpu.memory_space<vmem>>, vector<1x16xi32>,
    %get3A_122 = vector.shape_cast %get3A_121 : vector<1x16xi32> to vector<16xi32>
    %lt3A_123 = arith.cmpi slt, %rem3A_117, %get3A_6 : vector<16xi32>
    %add3A_124 = arith.constant 1 : i32
    %add3A_125 = vector.broadcast %add3A_124 : i32 to vector<16xi32>
    %add3A_126 = arith.addi %get3A_122, %add3A_125 : vector<16xi32>
    %jit3A_127 = arith.constant 0 : i32
    %broadcast_in_dim3A_128 = vector.broadcast %jit3A_127 : i32 to vector<16xi32>
    %select_n3A_129 = arith.select %lt3A_123, %add3A_126, %broadcast_in_dim3A_128 : vector<16xi1>, vector<16xi32>
    %swap3A_130 = arith.constant 0 : i32
    %swap3A_131 = arith.index_cast %swap3A_130 : i32 to index
    %swap3A_132 = arith.constant 64 : index
    %swap3A_133 = tpu.vector_load %arg6[%swap3A_131, %swap3A_132] {strides = array<i32>} : memref<50x128xi32, #tpu.memory_space<vmem>>, vector<1x16xi32>,
    %swap3A_134 = vector.shape_cast %swap3A_133 : vector<1x16xi32> to vector<16xi32>
    %swap3A_135 = vector.shape_cast %select_n3A_129 : vector<16xi32> to vector<1x16xi32>
    tpu.vector_store %arg6[%swap3A_131, %swap3A_132], %swap3A_135 {strides = array<i32>} : memref<50x128xi32, #tpu.memory_space<vmem>>, vector<1x16xi32>,
    %add3A_136 = arith.constant 0 : i32
    %add3A_137 = arith.addi %mul3A_2, %add3A_136 : i32
    %add3A_138 = arith.constant 80 : i32
    %add3A_139 = arith.addi %add3A_137, %add3A_138 : i32
    %add3A_140 = vector.broadcast %add3A_139 : i32 to vector<16xi32>
    %add3A_141 = arith.addi %add3A_140, %iota3A : vector<16xi32>
    %rem3A_142 = arith.constant 200 : i32
    %rem3A_143 = vector.broadcast %rem3A_142 : i32 to vector<16xi32>
    %rem3A_144 = arith.remsi %add3A_141, %rem3A_143 : vector<16xi32>
    %get3A_145 = arith.constant 0 : i32
    %get3A_146 = arith.index_cast %get3A_145 : i32 to index
    %get3A_147 = arith.constant 80 : index
    %get3A_148 = tpu.vector_load %arg6[%get3A_146, %get3A_147] {strides = array<i32>} : memref<50x128xi32, #tpu.memory_space<vmem>>, vector<1x16xi32>,
    %get3A_149 = vector.shape_cast %get3A_148 : vector<1x16xi32> to vector<16xi32>
    %lt3A_150 = arith.cmpi slt, %rem3A_144, %get3A_6 : vector<16xi32>
    %add3A_151 = arith.constant 1 : i32
    %add3A_152 = vector.broadcast %add3A_151 : i32 to vector<16xi32>
    %add3A_153 = arith.addi %get3A_149, %add3A_152 : vector<16xi32>
    %jit3A_154 = arith.constant 0 : i32
    %broadcast_in_dim3A_155 = vector.broadcast %jit3A_154 : i32 to vector<16xi32>
    %select_n3A_156 = arith.select %lt3A_150, %add3A_153, %broadcast_in_dim3A_155 : vector<16xi1>, vector<16xi32>
    %swap3A_157 = arith.constant 0 : i32
    %swap3A_158 = arith.index_cast %swap3A_157 : i32 to index
    %swap3A_159 = arith.constant 80 : index
    %swap3A_160 = tpu.vector_load %arg6[%swap3A_158, %swap3A_159] {strides = array<i32>} : memref<50x128xi32, #tpu.memory_space<vmem>>, vector<1x16xi32>,
    %swap3A_161 = vector.shape_cast %swap3A_160 : vector<1x16xi32> to vector<16xi32>
    %swap3A_162 = vector.shape_cast %select_n3A_156 : vector<16xi32> to vector<1x16xi32>
    tpu.vector_store %arg6[%swap3A_158, %swap3A_159], %swap3A_162 {strides = array<i32>} : memref<50x128xi32, #tpu.memory_space<vmem>>, vector<1x16xi32>,
    %add3A_163 = arith.constant 0 : i32
    %add3A_164 = arith.addi %mul3A_2, %add3A_163 : i32
    %add3A_165 = arith.constant 96 : i32
    %add3A_166 = arith.addi %add3A_164, %add3A_165 : i32
    %add3A_167 = vector.broadcast %add3A_166 : i32 to vector<16xi32>
    %add3A_168 = arith.addi %add3A_167, %iota3A : vector<16xi32>
    %rem3A_169 = arith.constant 200 : i32
    %rem3A_170 = vector.broadcast %rem3A_169 : i32 to vector<16xi32>
    %rem3A_171 = arith.remsi %add3A_168, %rem3A_170 : vector<16xi32>
    %get3A_172 = arith.constant 0 : i32
    %get3A_173 = arith.index_cast %get3A_172 : i32 to index
    %get3A_174 = arith.constant 96 : index
    %get3A_175 = tpu.vector_load %arg6[%get3A_173, %get3A_174] {strides = array<i32>} : memref<50x128xi32, #tpu.memory_space<vmem>>, vector<1x16xi32>,
    %get3A_176 = vector.shape_cast %get3A_175 : vector<1x16xi32> to vector<16xi32>
    %lt3A_177 = arith.cmpi slt, %rem3A_171, %get3A_6 : vector<16xi32>
    %add3A_178 = arith.constant 1 : i32
    %add3A_179 = vector.broadcast %add3A_178 : i32 to vector<16xi32>
    %add3A_180 = arith.addi %get3A_176, %add3A_179 : vector<16xi32>
    %jit3A_181 = arith.constant 0 : i32
    %broadcast_in_dim3A_182 = vector.broadcast %jit3A_181 : i32 to vector<16xi32>
    %select_n3A_183 = arith.select %lt3A_177, %add3A_180, %broadcast_in_dim3A_182 : vector<16xi1>, vector<16xi32>
    %swap3A_184 = arith.constant 0 : i32
    %swap3A_185 = arith.index_cast %swap3A_184 : i32 to index
    %swap3A_186 = arith.constant 96 : index
    %swap3A_187 = tpu.vector_load %arg6[%swap3A_185, %swap3A_186] {strides = array<i32>} : memref<50x128xi32, #tpu.memory_space<vmem>>, vector<1x16xi32>,
    %swap3A_188 = vector.shape_cast %swap3A_187 : vector<1x16xi32> to vector<16xi32>
    %swap3A_189 = vector.shape_cast %select_n3A_183 : vector<16xi32> to vector<1x16xi32>
    tpu.vector_store %arg6[%swap3A_185, %swap3A_186], %swap3A_189 {strides = array<i32>} : memref<50x128xi32, #tpu.memory_space<vmem>>, vector<1x16xi32>,
    %add3A_190 = arith.constant 0 : i32
    %add3A_191 = arith.addi %mul3A_2, %add3A_190 : i32
    %add3A_192 = arith.constant 112 : i32
    %add3A_193 = arith.addi %add3A_191, %add3A_192 : i32
    %add3A_194 = vector.broadcast %add3A_193 : i32 to vector<16xi32>
    %add3A_195 = arith.addi %add3A_194, %iota3A : vector<16xi32>
    %rem3A_196 = arith.constant 200 : i32
    %rem3A_197 = vector.broadcast %rem3A_196 : i32 to vector<16xi32>
    %rem3A_198 = arith.remsi %add3A_195, %rem3A_197 : vector<16xi32>
    %get3A_199 = arith.constant 0 : i32
    %get3A_200 = arith.index_cast %get3A_199 : i32 to index
    %get3A_201 = arith.constant 112 : index
    %get3A_202 = tpu.vector_load %arg6[%get3A_200, %get3A_201] {strides = array<i32>} : memref<50x128xi32, #tpu.memory_space<vmem>>, vector<1x16xi32>,
    %get3A_203 = vector.shape_cast %get3A_202 : vector<1x16xi32> to vector<16xi32>
    %lt3A_204 = arith.cmpi slt, %rem3A_198, %get3A_6 : vector<16xi32>
    %add3A_205 = arith.constant 1 : i32
    %add3A_206 = vector.broadcast %add3A_205 : i32 to vector<16xi32>
    %add3A_207 = arith.addi %get3A_203, %add3A_206 : vector<16xi32>
    %jit3A_208 = arith.constant 0 : i32
    %broadcast_in_dim3A_209 = vector.broadcast %jit3A_208 : i32 to vector<16xi32>
    %select_n3A_210 = arith.select %lt3A_204, %add3A_207, %broadcast_in_dim3A_209 : vector<16xi1>, vector<16xi32>
    %swap3A_211 = arith.constant 0 : i32
    %swap3A_212 = arith.index_cast %swap3A_211 : i32 to index
    %swap3A_213 = arith.constant 112 : index
    %swap3A_214 = tpu.vector_load %arg6[%swap3A_212, %swap3A_213] {strides = array<i32>} : memref<50x128xi32, #tpu.memory_space<vmem>>, vector<1x16xi32>,
    %swap3A_215 = vector.shape_cast %swap3A_214 : vector<1x16xi32> to vector<16xi32>
    %swap3A_216 = vector.shape_cast %select_n3A_210 : vector<16xi32> to vector<1x16xi32>
    tpu.vector_store %arg6[%swap3A_212, %swap3A_213], %swap3A_216 {strides = array<i32>} : memref<50x128xi32, #tpu.memory_space<vmem>>, vector<1x16xi32>,
    %add3A_217 = arith.constant 128 : i32
    %add3A_218 = arith.addi %mul3A_2, %add3A_217 : i32
    %add3A_219 = arith.constant 0 : i32
    %add3A_220 = arith.addi %add3A_218, %add3A_219 : i32
    %add3A_221 = vector.broadcast %add3A_220 : i32 to vector<16xi32>
    %add3A_222 = arith.addi %add3A_221, %iota3A : vector<16xi32>
    %rem3A_223 = arith.constant 200 : i32
    %rem3A_224 = vector.broadcast %rem3A_223 : i32 to vector<16xi32>
    %rem3A_225 = arith.remsi %add3A_222, %rem3A_224 : vector<16xi32>
    %get3A_226 = arith.constant 1 : i32
    %get3A_227 = arith.index_cast %get3A_226 : i32 to index
    %get3A_228 = arith.constant 0 : index
    %get3A_229 = tpu.vector_load %arg6[%get3A_227, %get3A_228] {strides = array<i32>} : memref<50x128xi32, #tpu.memory_space<vmem>>, vector<1x16xi32>,
    %get3A_230 = vector.shape_cast %get3A_229 : vector<1x16xi32> to vector<16xi32>
    %lt3A_231 = arith.cmpi slt, %rem3A_225, %get3A_6 : vector<16xi32>
    %add3A_232 = arith.constant 1 : i32
    %add3A_233 = vector.broadcast %add3A_232 : i32 to vector<16xi32>
    %add3A_234 = arith.addi %get3A_230, %add3A_233 : vector<16xi32>
    %jit3A_235 = arith.constant 0 : i32
    %broadcast_in_dim3A_236 = vector.broadcast %jit3A_235 : i32 to vector<16xi32>
    %select_n3A_237 = arith.select %lt3A_231, %add3A_234, %broadcast_in_dim3A_236 : vector<16xi1>, vector<16xi32>
    %swap3A_238 = arith.constant 1 : i32
    %swap3A_239 = arith.index_cast %swap3A_238 : i32 to index
    %swap3A_240 = arith.constant 0 : index
    %swap3A_241 = tpu.vector_load %arg6[%swap3A_239, %swap3A_240] {strides = array<i32>} : memref<50x128xi32, #tpu.memory_space<vmem>>, vector<1x16xi32>,
    %swap3A_242 = vector.shape_cast %swap3A_241 : vector<1x16xi32> to vector<16xi32>
    %swap3A_243 = vector.shape_cast %select_n3A_237 : vector<16xi32> to vector<1x16xi32>
    tpu.vector_store %arg6[%swap3A_239, %swap3A_240], %swap3A_243 {strides = array<i32>} : memref<50x128xi32, #tpu.memory_space<vmem>>, vector<1x16xi32>,
    %add3A_244 = arith.constant 128 : i32
    %add3A_245 = arith.addi %mul3A_2, %add3A_244 : i32
    %add3A_246 = arith.constant 16 : i32
    %add3A_247 = arith.addi %add3A_245, %add3A_246 : i32
    %add3A_248 = vector.broadcast %add3A_247 : i32 to vector<16xi32>
    %add3A_249 = arith.addi %add3A_248, %iota3A : vector<16xi32>
    %rem3A_250 = arith.constant 200 : i32
    %rem3A_251 = vector.broadcast %rem3A_250 : i32 to vector<16xi32>
    %rem3A_252 = arith.remsi %add3A_249, %rem3A_251 : vector<16xi32>
    %get3A_253 = arith.constant 1 : i32
    %get3A_254 = arith.index_cast %get3A_253 : i32 to index
    %get3A_255 = arith.constant 16 : index
    %get3A_256 = tpu.vector_load %arg6[%get3A_254, %get3A_255] {strides = array<i32>} : memref<50x128xi32, #tpu.memory_space<vmem>>, vector<1x16xi32>,
    %get3A_257 = vector.shape_cast %get3A_256 : vector<1x16xi32> to vector<16xi32>
    %lt3A_258 = arith.cmpi slt, %rem3A_252, %get3A_6 : vector<16xi32>
    %add3A_259 = arith.constant 1 : i32
    %add3A_260 = vector.broadcast %add3A_259 : i32 to vector<16xi32>
    %add3A_261 = arith.addi %get3A_257, %add3A_260 : vector<16xi32>
    %jit3A_262 = arith.constant 0 : i32
    %broadcast_in_dim3A_263 = vector.broadcast %jit3A_262 : i32 to vector<16xi32>
    %select_n3A_264 = arith.select %lt3A_258, %add3A_261, %broadcast_in_dim3A_263 : vector<16xi1>, vector<16xi32>
    %swap3A_265 = arith.constant 1 : i32
    %swap3A_266 = arith.index_cast %swap3A_265 : i32 to index
    %swap3A_267 = arith.constant 16 : index
    %swap3A_268 = tpu.vector_load %arg6[%swap3A_266, %swap3A_267] {strides = array<i32>} : memref<50x128xi32, #tpu.memory_space<vmem>>, vector<1x16xi32>,
    %swap3A_269 = vector.shape_cast %swap3A_268 : vector<1x16xi32> to vector<16xi32>
    %swap3A_270 = vector.shape_cast %select_n3A_264 : vector<16xi32> to vector<1x16xi32>
    tpu.vector_store %arg6[%swap3A_266, %swap3A_267], %swap3A_270 {strides = array<i32>} : memref<50x128xi32, #tpu.memory_space<vmem>>, vector<1x16xi32>,
    %add3A_271 = arith.constant 128 : i32
    %add3A_272 = arith.addi %mul3A_2, %add3A_271 : i32
    %add3A_273 = arith.constant 32 : i32
    %add3A_274 = arith.addi %add3A_272, %add3A_273 : i32
    %add3A_275 = vector.broadcast %add3A_274 : i32 to vector<16xi32>
    %add3A_276 = arith.addi %add3A_275, %iota3A : vector<16xi32>
    %rem3A_277 = arith.constant 200 : i32
    %rem3A_278 = vector.broadcast %rem3A_277 : i32 to vector<16xi32>
    %rem3A_279 = arith.remsi %add3A_276, %rem3A_278 : vector<16xi32>
    %get3A_280 = arith.constant 1 : i32
    %get3A_281 = arith.index_cast %get3A_280 : i32 to index
    %get3A_282 = arith.constant 32 : index
    %get3A_283 = tpu.vector_load %arg6[%get3A_281, %get3A_282] {strides = array<i32>} : memref<50x128xi32, #tpu.memory_space<vmem>>, vector<1x16xi32>,
    %get3A_284 = vector.shape_cast %get3A_283 : vector<1x16xi32> to vector<16xi32>
    %lt3A_285 = arith.cmpi slt, %rem3A_279, %get3A_6 : vector<16xi32>
    %add3A_286 = arith.constant 1 : i32
    %add3A_287 = vector.broadcast %add3A_286 : i32 to vector<16xi32>
    %add3A_288 = arith.addi %get3A_284, %add3A_287 : vector<16xi32>
    %jit3A_289 = arith.constant 0 : i32
    %broadcast_in_dim3A_290 = vector.broadcast %jit3A_289 : i32 to vector<16xi32>
    %select_n3A_291 = arith.select %lt3A_285, %add3A_288, %broadcast_in_dim3A_290 : vector<16xi1>, vector<16xi32>
    %swap3A_292 = arith.constant 1 : i32
    %swap3A_293 = arith.index_cast %swap3A_292 : i32 to index
    %swap3A_294 = arith.constant 32 : index
    %swap3A_295 = tpu.vector_load %arg6[%swap3A_293, %swap3A_294] {strides = array<i32>} : memref<50x128xi32, #tpu.memory_space<vmem>>, vector<1x16xi32>,
    %swap3A_296 = vector.shape_cast %swap3A_295 : vector<1x16xi32> to vector<16xi32>
    %swap3A_297 = vector.shape_cast %select_n3A_291 : vector<16xi32> to vector<1x16xi32>
    tpu.vector_store %arg6[%swap3A_293, %swap3A_294], %swap3A_297 {strides = array<i32>} : memref<50x128xi32, #tpu.memory_space<vmem>>, vector<1x16xi32>,
    %add3A_298 = arith.constant 128 : i32
    %add3A_299 = arith.addi %mul3A_2, %add3A_298 : i32
    %add3A_300 = arith.constant 48 : i32
    %add3A_301 = arith.addi %add3A_299, %add3A_300 : i32
    %add3A_302 = vector.broadcast %add3A_301 : i32 to vector<16xi32>
    %add3A_303 = arith.addi %add3A_302, %iota3A : vector<16xi32>
    %rem3A_304 = arith.constant 200 : i32
    %rem3A_305 = vector.broadcast %rem3A_304 : i32 to vector<16xi32>
    %rem3A_306 = arith.remsi %add3A_303, %rem3A_305 : vector<16xi32>
    %get3A_307 = arith.constant 1 : i32
    %get3A_308 = arith.index_cast %get3A_307 : i32 to index
    %get3A_309 = arith.constant 48 : index
    %get3A_310 = tpu.vector_load %arg6[%get3A_308, %get3A_309] {strides = array<i32>} : memref<50x128xi32, #tpu.memory_space<vmem>>, vector<1x16xi32>,
    %get3A_311 = vector.shape_cast %get3A_310 : vector<1x16xi32> to vector<16xi32>
    %lt3A_312 = arith.cmpi slt, %rem3A_306, %get3A_6 : vector<16xi32>
    %add3A_313 = arith.constant 1 : i32
    %add3A_314 = vector.broadcast %add3A_313 : i32 to vector<16xi32>
    %add3A_315 = arith.addi %get3A_311, %add3A_314 : vector<16xi32>
    %jit3A_316 = arith.constant 0 : i32
    %broadcast_in_dim3A_317 = vector.broadcast %jit3A_316 : i32 to vector<16xi32>
    %select_n3A_318 = arith.select %lt3A_312, %add3A_315, %broadcast_in_dim3A_317 : vector<16xi1>, vector<16xi32>
    %swap3A_319 = arith.constant 1 : i32
    %swap3A_320 = arith.index_cast %swap3A_319 : i32 to index
    %swap3A_321 = arith.constant 48 : index
    %swap3A_322 = tpu.vector_load %arg6[%swap3A_320, %swap3A_321] {strides = array<i32>} : memref<50x128xi32, #tpu.memory_space<vmem>>, vector<1x16xi32>,
    %swap3A_323 = vector.shape_cast %swap3A_322 : vector<1x16xi32> to vector<16xi32>
    %swap3A_324 = vector.shape_cast %select_n3A_318 : vector<16xi32> to vector<1x16xi32>
    tpu.vector_store %arg6[%swap3A_320, %swap3A_321], %swap3A_324 {strides = array<i32>} : memref<50x128xi32, #tpu.memory_space<vmem>>, vector<1x16xi32>,
    %add3A_325 = arith.constant 128 : i32
    %add3A_326 = arith.addi %mul3A_2, %add3A_325 : i32
    %add3A_327 = arith.constant 64 : i32
    %add3A_328 = arith.addi %add3A_326, %add3A_327 : i32
    %add3A_329 = vector.broadcast %add3A_328 : i32 to vector<16xi32>
    %add3A_330 = arith.addi %add3A_329, %iota3A : vector<16xi32>
    %rem3A_331 = arith.constant 200 : i32
    %rem3A_332 = vector.broadcast %rem3A_331 : i32 to vector<16xi32>
    %rem3A_333 = arith.remsi %add3A_330, %rem3A_332 : vector<16xi32>
    %get3A_334 = arith.constant 1 : i32
    %get3A_335 = arith.index_cast %get3A_334 : i32 to index
    %get3A_336 = arith.constant 64 : index
    %get3A_337 = tpu.vector_load %arg6[%get3A_335, %get3A_336] {strides = array<i32>} : memref<50x128xi32, #tpu.memory_space<vmem>>, vector<1x16xi32>,
    %get3A_338 = vector.shape_cast %get3A_337 : vector<1x16xi32> to vector<16xi32>
    %lt3A_339 = arith.cmpi slt, %rem3A_333, %get3A_6 : vector<16xi32>
    %add3A_340 = arith.constant 1 : i32
    %add3A_341 = vector.broadcast %add3A_340 : i32 to vector<16xi32>
    %add3A_342 = arith.addi %get3A_338, %add3A_341 : vector<16xi32>
    %jit3A_343 = arith.constant 0 : i32
    %broadcast_in_dim3A_344 = vector.broadcast %jit3A_343 : i32 to vector<16xi32>
    %select_n3A_345 = arith.select %lt3A_339, %add3A_342, %broadcast_in_dim3A_344 : vector<16xi1>, vector<16xi32>
    %swap3A_346 = arith.constant 1 : i32
    %swap3A_347 = arith.index_cast %swap3A_346 : i32 to index
    %swap3A_348 = arith.constant 64 : index
    %swap3A_349 = tpu.vector_load %arg6[%swap3A_347, %swap3A_348] {strides = array<i32>} : memref<50x128xi32, #tpu.memory_space<vmem>>, vector<1x16xi32>,
    %swap3A_350 = vector.shape_cast %swap3A_349 : vector<1x16xi32> to vector<16xi32>
    %swap3A_351 = vector.shape_cast %select_n3A_345 : vector<16xi32> to vector<1x16xi32>
    tpu.vector_store %arg6[%swap3A_347, %swap3A_348], %swap3A_351 {strides = array<i32>} : memref<50x128xi32, #tpu.memory_space<vmem>>, vector<1x16xi32>,
    %add3A_352 = arith.constant 128 : i32
    %add3A_353 = arith.addi %mul3A_2, %add3A_352 : i32
    %add3A_354 = arith.constant 80 : i32
    %add3A_355 = arith.addi %add3A_353, %add3A_354 : i32
    %add3A_356 = vector.broadcast %add3A_355 : i32 to vector<16xi32>
    %add3A_357 = arith.addi %add3A_356, %iota3A : vector<16xi32>
    %rem3A_358 = arith.constant 200 : i32
    %rem3A_359 = vector.broadcast %rem3A_358 : i32 to vector<16xi32>
    %rem3A_360 = arith.remsi %add3A_357, %rem3A_359 : vector<16xi32>
    %get3A_361 = arith.constant 1 : i32
    %get3A_362 = arith.index_cast %get3A_361 : i32 to index
    %get3A_363 = arith.constant 80 : index
    %get3A_364 = tpu.vector_load %arg6[%get3A_362, %get3A_363] {strides = array<i32>} : memref<50x128xi32, #tpu.memory_space<vmem>>, vector<1x16xi32>,
    %get3A_365 = vector.shape_cast %get3A_364 : vector<1x16xi32> to vector<16xi32>
    %lt3A_366 = arith.cmpi slt, %rem3A_360, %get3A_6 : vector<16xi32>
    %add3A_367 = arith.constant 1 : i32
    %add3A_368 = vector.broadcast %add3A_367 : i32 to vector<16xi32>
    %add3A_369 = arith.addi %get3A_365, %add3A_368 : vector<16xi32>
    %jit3A_370 = arith.constant 0 : i32
    %broadcast_in_dim3A_371 = vector.broadcast %jit3A_370 : i32 to vector<16xi32>
    %select_n3A_372 = arith.select %lt3A_366, %add3A_369, %broadcast_in_dim3A_371 : vector<16xi1>, vector<16xi32>
    %swap3A_373 = arith.constant 1 : i32
    %swap3A_374 = arith.index_cast %swap3A_373 : i32 to index
    %swap3A_375 = arith.constant 80 : index
    %swap3A_376 = tpu.vector_load %arg6[%swap3A_374, %swap3A_375] {strides = array<i32>} : memref<50x128xi32, #tpu.memory_space<vmem>>, vector<1x16xi32>,
    %swap3A_377 = vector.shape_cast %swap3A_376 : vector<1x16xi32> to vector<16xi32>
    %swap3A_378 = vector.shape_cast %select_n3A_372 : vector<16xi32> to vector<1x16xi32>
    tpu.vector_store %arg6[%swap3A_374, %swap3A_375], %swap3A_378 {strides = array<i32>} : memref<50x128xi32, #tpu.memory_space<vmem>>, vector<1x16xi32>,
    %add3A_379 = arith.constant 128 : i32
    %add3A_380 = arith.addi %mul3A_2, %add3A_379 : i32
    %add3A_381 = arith.constant 96 : i32
    %add3A_382 = arith.addi %add3A_380, %add3A_381 : i32
    %add3A_383 = vector.broadcast %add3A_382 : i32 to vector<16xi32>
    %add3A_384 = arith.addi %add3A_383, %iota3A : vector<16xi32>
    %rem3A_385 = arith.constant 200 : i32
    %rem3A_386 = vector.broadcast %rem3A_385 : i32 to vector<16xi32>
    %rem3A_387 = arith.remsi %add3A_384, %rem3A_386 : vector<16xi32>
    %get3A_388 = arith.constant 1 : i32
    %get3A_389 = arith.index_cast %get3A_388 : i32 to index
    %get3A_390 = arith.constant 96 : index
    %get3A_391 = tpu.vector_load %arg6[%get3A_389, %get3A_390] {strides = array<i32>} : memref<50x128xi32, #tpu.memory_space<vmem>>, vector<1x16xi32>,
    %get3A_392 = vector.shape_cast %get3A_391 : vector<1x16xi32> to vector<16xi32>
    %lt3A_393 = arith.cmpi slt, %rem3A_387, %get3A_6 : vector<16xi32>
    %add3A_394 = arith.constant 1 : i32
    %add3A_395 = vector.broadcast %add3A_394 : i32 to vector<16xi32>
    %add3A_396 = arith.addi %get3A_392, %add3A_395 : vector<16xi32>
    %jit3A_397 = arith.constant 0 : i32
    %broadcast_in_dim3A_398 = vector.broadcast %jit3A_397 : i32 to vector<16xi32>
    %select_n3A_399 = arith.select %lt3A_393, %add3A_396, %broadcast_in_dim3A_398 : vector<16xi1>, vector<16xi32>
    %swap3A_400 = arith.constant 1 : i32
    %swap3A_401 = arith.index_cast %swap3A_400 : i32 to index
    %swap3A_402 = arith.constant 96 : index
    %swap3A_403 = tpu.vector_load %arg6[%swap3A_401, %swap3A_402] {strides = array<i32>} : memref<50x128xi32, #tpu.memory_space<vmem>>, vector<1x16xi32>,
    %swap3A_404 = vector.shape_cast %swap3A_403 : vector<1x16xi32> to vector<16xi32>
    %swap3A_405 = vector.shape_cast %select_n3A_399 : vector<16xi32> to vector<1x16xi32>
    tpu.vector_store %arg6[%swap3A_401, %swap3A_402], %swap3A_405 {strides = array<i32>} : memref<50x128xi32, #tpu.memory_space<vmem>>, vector<1x16xi32>,
    %add3A_406 = arith.constant 128 : i32
    %add3A_407 = arith.addi %mul3A_2, %add3A_406 : i32
    %add3A_408 = arith.constant 112 : i32
    %add3A_409 = arith.addi %add3A_407, %add3A_408 : i32
    %add3A_410 = vector.broadcast %add3A_409 : i32 to vector<16xi32>
    %add3A_411 = arith.addi %add3A_410, %iota3A : vector<16xi32>
    %rem3A_412 = arith.constant 200 : i32
    %rem3A_413 = vector.broadcast %rem3A_412 : i32 to vector<16xi32>
    %rem3A_414 = arith.remsi %add3A_411, %rem3A_413 : vector<16xi32>
    %get3A_415 = arith.constant 1 : i32
    %get3A_416 = arith.index_cast %get3A_415 : i32 to index
    %get3A_417 = arith.constant 112 : index
    %get3A_418 = tpu.vector_load %arg6[%get3A_416, %get3A_417] {strides = array<i32>} : memref<50x128xi32, #tpu.memory_space<vmem>>, vector<1x16xi32>,
    %get3A_419 = vector.shape_cast %get3A_418 : vector<1x16xi32> to vector<16xi32>
    %lt3A_420 = arith.cmpi slt, %rem3A_414, %get3A_6 : vector<16xi32>
    %add3A_421 = arith.constant 1 : i32
    %add3A_422 = vector.broadcast %add3A_421 : i32 to vector<16xi32>
    %add3A_423 = arith.addi %get3A_419, %add3A_422 : vector<16xi32>
    %jit3A_424 = arith.constant 0 : i32
    %broadcast_in_dim3A_425 = vector.broadcast %jit3A_424 : i32 to vector<16xi32>
    %select_n3A_426 = arith.select %lt3A_420, %add3A_423, %broadcast_in_dim3A_425 : vector<16xi1>, vector<16xi32>
    %swap3A_427 = arith.constant 1 : i32
    %swap3A_428 = arith.index_cast %swap3A_427 : i32 to index
    %swap3A_429 = arith.constant 112 : index
    %swap3A_430 = tpu.vector_load %arg6[%swap3A_428, %swap3A_429] {strides = array<i32>} : memref<50x128xi32, #tpu.memory_space<vmem>>, vector<1x16xi32>,
    %swap3A_431 = vector.shape_cast %swap3A_430 : vector<1x16xi32> to vector<16xi32>
    %swap3A_432 = vector.shape_cast %select_n3A_426 : vector<16xi32> to vector<1x16xi32>
    tpu.vector_store %arg6[%swap3A_428, %swap3A_429], %swap3A_432 {strides = array<i32>} : memref<50x128xi32, #tpu.memory_space<vmem>>, vector<1x16xi32>,
    %add3A_433 = arith.constant 256 : i32
    %add3A_434 = arith.addi %mul3A_2, %add3A_433 : i32
    %add3A_435 = arith.constant 0 : i32
    %add3A_436 = arith.addi %add3A_434, %add3A_435 : i32
    %add3A_437 = vector.broadcast %add3A_436 : i32 to vector<16xi32>
    %add3A_438 = arith.addi %add3A_437, %iota3A : vector<16xi32>
    %rem3A_439 = arith.constant 200 : i32
    %rem3A_440 = vector.broadcast %rem3A_439 : i32 to vector<16xi32>
    %rem3A_441 = arith.remsi %add3A_438, %rem3A_440 : vector<16xi32>
    %get3A_442 = arith.constant 2 : i32
    %get3A_443 = arith.index_cast %get3A_442 : i32 to index
    %get3A_444 = arith.constant 0 : index
    %get3A_445 = tpu.vector_load %arg6[%get3A_443, %get3A_444] {strides = array<i32>} : memref<50x128xi32, #tpu.memory_space<vmem>>, vector<1x16xi32>,
    %get3A_446 = vector.shape_cast %get3A_445 : vector<1x16xi32> to vector<16xi32>
    %lt3A_447 = arith.cmpi slt, %rem3A_441, %get3A_6 : vector<16xi32>
    %add3A_448 = arith.constant 1 : i32
    %add3A_449 = vector.broadcast %add3A_448 : i32 to vector<16xi32>
    %add3A_450 = arith.addi %get3A_446, %add3A_449 : vector<16xi32>
    %jit3A_451 = arith.constant 0 : i32
    %broadcast_in_dim3A_452 = vector.broadcast %jit3A_451 : i32 to vector<16xi32>
    %select_n3A_453 = arith.select %lt3A_447, %add3A_450, %broadcast_in_dim3A_452 : vector<16xi1>, vector<16xi32>
    %swap3A_454 = arith.constant 2 : i32
    %swap3A_455 = arith.index_cast %swap3A_454 : i32 to index
    %swap3A_456 = arith.constant 0 : index
    %swap3A_457 = tpu.vector_load %arg6[%swap3A_455, %swap3A_456] {strides = array<i32>} : memref<50x128xi32, #tpu.memory_space<vmem>>, vector<1x16xi32>,
    %swap3A_458 = vector.shape_cast %swap3A_457 : vector<1x16xi32> to vector<16xi32>
    %swap3A_459 = vector.shape_cast %select_n3A_453 : vector<16xi32> to vector<1x16xi32>
    tpu.vector_store %arg6[%swap3A_455, %swap3A_456], %swap3A_459 {strides = array<i32>} : memref<50x128xi32, #tpu.memory_space<vmem>>, vector<1x16xi32>,
    %add3A_460 = arith.constant 256 : i32
    %add3A_461 = arith.addi %mul3A_2, %add3A_460 : i32
    %add3A_462 = arith.constant 16 : i32
    %add3A_463 = arith.addi %add3A_461, %add3A_462 : i32
    %add3A_464 = vector.broadcast %add3A_463 : i32 to vector<16xi32>
    %add3A_465 = arith.addi %add3A_464, %iota3A : vector<16xi32>
    %rem3A_466 = arith.constant 200 : i32
    %rem3A_467 = vector.broadcast %rem3A_466 : i32 to vector<16xi32>
    %rem3A_468 = arith.remsi %add3A_465, %rem3A_467 : vector<16xi32>
    %get3A_469 = arith.constant 2 : i32
    %get3A_470 = arith.index_cast %get3A_469 : i32 to index
    %get3A_471 = arith.constant 16 : index
    %get3A_472 = tpu.vector_load %arg6[%get3A_470, %get3A_471] {strides = array<i32>} : memref<50x128xi32, #tpu.memory_space<vmem>>, vector<1x16xi32>,
    %get3A_473 = vector.shape_cast %get3A_472 : vector<1x16xi32> to vector<16xi32>
    %lt3A_474 = arith.cmpi slt, %rem3A_468, %get3A_6 : vector<16xi32>
    %add3A_475 = arith.constant 1 : i32
    %add3A_476 = vector.broadcast %add3A_475 : i32 to vector<16xi32>
    %add3A_477 = arith.addi %get3A_473, %add3A_476 : vector<16xi32>
    %jit3A_478 = arith.constant 0 : i32
    %broadcast_in_dim3A_479 = vector.broadcast %jit3A_478 : i32 to vector<16xi32>
    %select_n3A_480 = arith.select %lt3A_474, %add3A_477, %broadcast_in_dim3A_479 : vector<16xi1>, vector<16xi32>
    %swap3A_481 = arith.constant 2 : i32
    %swap3A_482 = arith.index_cast %swap3A_481 : i32 to index
    %swap3A_483 = arith.constant 16 : index
    %swap3A_484 = tpu.vector_load %arg6[%swap3A_482, %swap3A_483] {strides = array<i32>} : memref<50x128xi32, #tpu.memory_space<vmem>>, vector<1x16xi32>,
    %swap3A_485 = vector.shape_cast %swap3A_484 : vector<1x16xi32> to vector<16xi32>
    %swap3A_486 = vector.shape_cast %select_n3A_480 : vector<16xi32> to vector<1x16xi32>
    tpu.vector_store %arg6[%swap3A_482, %swap3A_483], %swap3A_486 {strides = array<i32>} : memref<50x128xi32, #tpu.memory_space<vmem>>, vector<1x16xi32>,
    %add3A_487 = arith.constant 256 : i32
    %add3A_488 = arith.addi %mul3A_2, %add3A_487 : i32
    %add3A_489 = arith.constant 32 : i32
    %add3A_490 = arith.addi %add3A_488, %add3A_489 : i32
    %add3A_491 = vector.broadcast %add3A_490 : i32 to vector<16xi32>
    %add3A_492 = arith.addi %add3A_491, %iota3A : vector<16xi32>
    %rem3A_493 = arith.constant 200 : i32
    %rem3A_494 = vector.broadcast %rem3A_493 : i32 to vector<16xi32>
    %rem3A_495 = arith.remsi %add3A_492, %rem3A_494 : vector<16xi32>
    %get3A_496 = arith.constant 2 : i32
    %get3A_497 = arith.index_cast %get3A_496 : i32 to index
    %get3A_498 = arith.constant 32 : index
    %get3A_499 = tpu.vector_load %arg6[%get3A_497, %get3A_498] {strides = array<i32>} : memref<50x128xi32, #tpu.memory_space<vmem>>, vector<1x16xi32>,
    %get3A_500 = vector.shape_cast %get3A_499 : vector<1x16xi32> to vector<16xi32>
    %lt3A_501 = arith.cmpi slt, %rem3A_495, %get3A_6 : vector<16xi32>
    %add3A_502 = arith.constant 1 : i32
    %add3A_503 = vector.broadcast %add3A_502 : i32 to vector<16xi32>
    %add3A_504 = arith.addi %get3A_500, %add3A_503 : vector<16xi32>
    %jit3A_505 = arith.constant 0 : i32
    %broadcast_in_dim3A_506 = vector.broadcast %jit3A_505 : i32 to vector<16xi32>
    %select_n3A_507 = arith.select %lt3A_501, %add3A_504, %broadcast_in_dim3A_506 : vector<16xi1>, vector<16xi32>
    %swap3A_508 = arith.constant 2 : i32
    %swap3A_509 = arith.index_cast %swap3A_508 : i32 to index
    %swap3A_510 = arith.constant 32 : index
    %swap3A_511 = tpu.vector_load %arg6[%swap3A_509, %swap3A_510] {strides = array<i32>} : memref<50x128xi32, #tpu.memory_space<vmem>>, vector<1x16xi32>,
    %swap3A_512 = vector.shape_cast %swap3A_511 : vector<1x16xi32> to vector<16xi32>
    %swap3A_513 = vector.shape_cast %select_n3A_507 : vector<16xi32> to vector<1x16xi32>
    tpu.vector_store %arg6[%swap3A_509, %swap3A_510], %swap3A_513 {strides = array<i32>} : memref<50x128xi32, #tpu.memory_space<vmem>>, vector<1x16xi32>,
    %add3A_514 = arith.constant 256 : i32
    %add3A_515 = arith.addi %mul3A_2, %add3A_514 : i32
    %add3A_516 = arith.constant 48 : i32
    %add3A_517 = arith.addi %add3A_515, %add3A_516 : i32
    %add3A_518 = vector.broadcast %add3A_517 : i32 to vector<16xi32>
    %add3A_519 = arith.addi %add3A_518, %iota3A : vector<16xi32>
    %rem3A_520 = arith.constant 200 : i32
    %rem3A_521 = vector.broadcast %rem3A_520 : i32 to vector<16xi32>
    %rem3A_522 = arith.remsi %add3A_519, %rem3A_521 : vector<16xi32>
    %get3A_523 = arith.constant 2 : i32
    %get3A_524 = arith.index_cast %get3A_523 : i32 to index
    %get3A_525 = arith.constant 48 : index
    %get3A_526 = tpu.vector_load %arg6[%get3A_524, %get3A_525] {strides = array<i32>} : memref<50x128xi32, #tpu.memory_space<vmem>>, vector<1x16xi32>,
    %get3A_527 = vector.shape_cast %get3A_526 : vector<1x16xi32> to vector<16xi32>
    %lt3A_528 = arith.cmpi slt, %rem3A_522, %get3A_6 : vector<16xi32>
    %add3A_529 = arith.constant 1 : i32
    %add3A_530 = vector.broadcast %add3A_529 : i32 to vector<16xi32>
    %add3A_531 = arith.addi %get3A_527, %add3A_530 : vector<16xi32>
    %jit3A_532 = arith.constant 0 : i32
    %broadcast_in_dim3A_533 = vector.broadcast %jit3A_532 : i32 to vector<16xi32>
    %select_n3A_534 = arith.select %lt3A_528, %add3A_531, %broadcast_in_dim3A_533 : vector<16xi1>, vector<16xi32>
    %swap3A_535 = arith.constant 2 : i32
    %swap3A_536 = arith.index_cast %swap3A_535 : i32 to index
    %swap3A_537 = arith.constant 48 : index
    %swap3A_538 = tpu.vector_load %arg6[%swap3A_536, %swap3A_537] {strides = array<i32>} : memref<50x128xi32, #tpu.memory_space<vmem>>, vector<1x16xi32>,
    %swap3A_539 = vector.shape_cast %swap3A_538 : vector<1x16xi32> to vector<16xi32>
    %swap3A_540 = vector.shape_cast %select_n3A_534 : vector<16xi32> to vector<1x16xi32>
    tpu.vector_store %arg6[%swap3A_536, %swap3A_537], %swap3A_540 {strides = array<i32>} : memref<50x128xi32, #tpu.memory_space<vmem>>, vector<1x16xi32>,
    %add3A_541 = arith.constant 256 : i32
    %add3A_542 = arith.addi %mul3A_2, %add3A_541 : i32
    %add3A_543 = arith.constant 64 : i32
    %add3A_544 = arith.addi %add3A_542, %add3A_543 : i32
    %add3A_545 = vector.broadcast %add3A_544 : i32 to vector<16xi32>
    %add3A_546 = arith.addi %add3A_545, %iota3A : vector<16xi32>
    %rem3A_547 = arith.constant 200 : i32
    %rem3A_548 = vector.broadcast %rem3A_547 : i32 to vector<16xi32>
    %rem3A_549 = arith.remsi %add3A_546, %rem3A_548 : vector<16xi32>
    %get3A_550 = arith.constant 2 : i32
    %get3A_551 = arith.index_cast %get3A_550 : i32 to index
    %get3A_552 = arith.constant 64 : index
    %get3A_553 = tpu.vector_load %arg6[%get3A_551, %get3A_552] {strides = array<i32>} : memref<50x128xi32, #tpu.memory_space<vmem>>, vector<1x16xi32>,
    %get3A_554 = vector.shape_cast %get3A_553 : vector<1x16xi32> to vector<16xi32>
    %lt3A_555 = arith.cmpi slt, %rem3A_549, %get3A_6 : vector<16xi32>
    %add3A_556 = arith.constant 1 : i32
    %add3A_557 = vector.broadcast %add3A_556 : i32 to vector<16xi32>
    %add3A_558 = arith.addi %get3A_554, %add3A_557 : vector<16xi32>
    %jit3A_559 = arith.constant 0 : i32
    %broadcast_in_dim3A_560 = vector.broadcast %jit3A_559 : i32 to vector<16xi32>
    %select_n3A_561 = arith.select %lt3A_555, %add3A_558, %broadcast_in_dim3A_560 : vector<16xi1>, vector<16xi32>
    %swap3A_562 = arith.constant 2 : i32
    %swap3A_563 = arith.index_cast %swap3A_562 : i32 to index
    %swap3A_564 = arith.constant 64 : index
    %swap3A_565 = tpu.vector_load %arg6[%swap3A_563, %swap3A_564] {strides = array<i32>} : memref<50x128xi32, #tpu.memory_space<vmem>>, vector<1x16xi32>,
    %swap3A_566 = vector.shape_cast %swap3A_565 : vector<1x16xi32> to vector<16xi32>
    %swap3A_567 = vector.shape_cast %select_n3A_561 : vector<16xi32> to vector<1x16xi32>
    tpu.vector_store %arg6[%swap3A_563, %swap3A_564], %swap3A_567 {strides = array<i32>} : memref<50x128xi32, #tpu.memory_space<vmem>>, vector<1x16xi32>,
    %add3A_568 = arith.constant 256 : i32
    %add3A_569 = arith.addi %mul3A_2, %add3A_568 : i32
    %add3A_570 = arith.constant 80 : i32
    %add3A_571 = arith.addi %add3A_569, %add3A_570 : i32
    %add3A_572 = vector.broadcast %add3A_571 : i32 to vector<16xi32>
    %add3A_573 = arith.addi %add3A_572, %iota3A : vector<16xi32>
    %rem3A_574 = arith.constant 200 : i32
    %rem3A_575 = vector.broadcast %rem3A_574 : i32 to vector<16xi32>
    %rem3A_576 = arith.remsi %add3A_573, %rem3A_575 : vector<16xi32>
    %get3A_577 = arith.constant 2 : i32
    %get3A_578 = arith.index_cast %get3A_577 : i32 to index
    %get3A_579 = arith.constant 80 : index
    %get3A_580 = tpu.vector_load %arg6[%get3A_578, %get3A_579] {strides = array<i32>} : memref<50x128xi32, #tpu.memory_space<vmem>>, vector<1x16xi32>,
    %get3A_581 = vector.shape_cast %get3A_580 : vector<1x16xi32> to vector<16xi32>
    %lt3A_582 = arith.cmpi slt, %rem3A_576, %get3A_6 : vector<16xi32>
    %add3A_583 = arith.constant 1 : i32
    %add3A_584 = vector.broadcast %add3A_583 : i32 to vector<16xi32>
    %add3A_585 = arith.addi %get3A_581, %add3A_584 : vector<16xi32>
    %jit3A_586 = arith.constant 0 : i32
    %broadcast_in_dim3A_587 = vector.broadcast %jit3A_586 : i32 to vector<16xi32>
    %select_n3A_588 = arith.select %lt3A_582, %add3A_585, %broadcast_in_dim3A_587 : vector<16xi1>, vector<16xi32>
    %swap3A_589 = arith.constant 2 : i32
    %swap3A_590 = arith.index_cast %swap3A_589 : i32 to index
    %swap3A_591 = arith.constant 80 : index
    %swap3A_592 = tpu.vector_load %arg6[%swap3A_590, %swap3A_591] {strides = array<i32>} : memref<50x128xi32, #tpu.memory_space<vmem>>, vector<1x16xi32>,
    %swap3A_593 = vector.shape_cast %swap3A_592 : vector<1x16xi32> to vector<16xi32>
    %swap3A_594 = vector.shape_cast %select_n3A_588 : vector<16xi32> to vector<1x16xi32>
    tpu.vector_store %arg6[%swap3A_590, %swap3A_591], %swap3A_594 {strides = array<i32>} : memref<50x128xi32, #tpu.memory_space<vmem>>, vector<1x16xi32>,
    %add3A_595 = arith.constant 256 : i32
    %add3A_596 = arith.addi %mul3A_2, %add3A_595 : i32
    %add3A_597 = arith.constant 96 : i32
    %add3A_598 = arith.addi %add3A_596, %add3A_597 : i32
    %add3A_599 = vector.broadcast %add3A_598 : i32 to vector<16xi32>
    %add3A_600 = arith.addi %add3A_599, %iota3A : vector<16xi32>
    %rem3A_601 = arith.constant 200 : i32
    %rem3A_602 = vector.broadcast %rem3A_601 : i32 to vector<16xi32>
    %rem3A_603 = arith.remsi %add3A_600, %rem3A_602 : vector<16xi32>
    %get3A_604 = arith.constant 2 : i32
    %get3A_605 = arith.index_cast %get3A_604 : i32 to index
    %get3A_606 = arith.constant 96 : index
    %get3A_607 = tpu.vector_load %arg6[%get3A_605, %get3A_606] {strides = array<i32>} : memref<50x128xi32, #tpu.memory_space<vmem>>, vector<1x16xi32>,
    %get3A_608 = vector.shape_cast %get3A_607 : vector<1x16xi32> to vector<16xi32>
    %lt3A_609 = arith.cmpi slt, %rem3A_603, %get3A_6 : vector<16xi32>
    %add3A_610 = arith.constant 1 : i32
    %add3A_611 = vector.broadcast %add3A_610 : i32 to vector<16xi32>
    %add3A_612 = arith.addi %get3A_608, %add3A_611 : vector<16xi32>
    %jit3A_613 = arith.constant 0 : i32
    %broadcast_in_dim3A_614 = vector.broadcast %jit3A_613 : i32 to vector<16xi32>
    %select_n3A_615 = arith.select %lt3A_609, %add3A_612, %broadcast_in_dim3A_614 : vector<16xi1>, vector<16xi32>
    %swap3A_616 = arith.constant 2 : i32
    %swap3A_617 = arith.index_cast %swap3A_616 : i32 to index
    %swap3A_618 = arith.constant 96 : index
    %swap3A_619 = tpu.vector_load %arg6[%swap3A_617, %swap3A_618] {strides = array<i32>} : memref<50x128xi32, #tpu.memory_space<vmem>>, vector<1x16xi32>,
    %swap3A_620 = vector.shape_cast %swap3A_619 : vector<1x16xi32> to vector<16xi32>
    %swap3A_621 = vector.shape_cast %select_n3A_615 : vector<16xi32> to vector<1x16xi32>
    tpu.vector_store %arg6[%swap3A_617, %swap3A_618], %swap3A_621 {strides = array<i32>} : memref<50x128xi32, #tpu.memory_space<vmem>>, vector<1x16xi32>,
    %add3A_622 = arith.constant 256 : i32
    %add3A_623 = arith.addi %mul3A_2, %add3A_622 : i32
    %add3A_624 = arith.constant 112 : i32
    %add3A_625 = arith.addi %add3A_623, %add3A_624 : i32
    %add3A_626 = vector.broadcast %add3A_625 : i32 to vector<16xi32>
    %add3A_627 = arith.addi %add3A_626, %iota3A : vector<16xi32>
    %rem3A_628 = arith.constant 200 : i32
    %rem3A_629 = vector.broadcast %rem3A_628 : i32 to vector<16xi32>
    %rem3A_630 = arith.remsi %add3A_627, %rem3A_629 : vector<16xi32>
    %get3A_631 = arith.constant 2 : i32
    %get3A_632 = arith.index_cast %get3A_631 : i32 to index
    %get3A_633 = arith.constant 112 : index
    %get3A_634 = tpu.vector_load %arg6[%get3A_632, %get3A_633] {strides = array<i32>} : memref<50x128xi32, #tpu.memory_space<vmem>>, vector<1x16xi32>,
    %get3A_635 = vector.shape_cast %get3A_634 : vector<1x16xi32> to vector<16xi32>
    %lt3A_636 = arith.cmpi slt, %rem3A_630, %get3A_6 : vector<16xi32>
    %add3A_637 = arith.constant 1 : i32
    %add3A_638 = vector.broadcast %add3A_637 : i32 to vector<16xi32>
    %add3A_639 = arith.addi %get3A_635, %add3A_638 : vector<16xi32>
    %jit3A_640 = arith.constant 0 : i32
    %broadcast_in_dim3A_641 = vector.broadcast %jit3A_640 : i32 to vector<16xi32>
    %select_n3A_642 = arith.select %lt3A_636, %add3A_639, %broadcast_in_dim3A_641 : vector<16xi1>, vector<16xi32>
    %swap3A_643 = arith.constant 2 : i32
    %swap3A_644 = arith.index_cast %swap3A_643 : i32 to index
    %swap3A_645 = arith.constant 112 : index
    %swap3A_646 = tpu.vector_load %arg6[%swap3A_644, %swap3A_645] {strides = array<i32>} : memref<50x128xi32, #tpu.memory_space<vmem>>, vector<1x16xi32>,
    %swap3A_647 = vector.shape_cast %swap3A_646 : vector<1x16xi32> to vector<16xi32>
    %swap3A_648 = vector.shape_cast %select_n3A_642 : vector<16xi32> to vector<1x16xi32>
    tpu.vector_store %arg6[%swap3A_644, %swap3A_645], %swap3A_648 {strides = array<i32>} : memref<50x128xi32, #tpu.memory_space<vmem>>, vector<1x16xi32>,
    %add3A_649 = arith.constant 384 : i32
    %add3A_650 = arith.addi %mul3A_2, %add3A_649 : i32
    %add3A_651 = arith.constant 0 : i32
    %add3A_652 = arith.addi %add3A_650, %add3A_651 : i32
    %add3A_653 = vector.broadcast %add3A_652 : i32 to vector<16xi32>
    %add3A_654 = arith.addi %add3A_653, %iota3A : vector<16xi32>
    %rem3A_655 = arith.constant 200 : i32
    %rem3A_656 = vector.broadcast %rem3A_655 : i32 to vector<16xi32>
    %rem3A_657 = arith.remsi %add3A_654, %rem3A_656 : vector<16xi32>
    %get3A_658 = arith.constant 3 : i32
    %get3A_659 = arith.index_cast %get3A_658 : i32 to index
    %get3A_660 = arith.constant 0 : index
    %get3A_661 = tpu.vector_load %arg6[%get3A_659, %get3A_660] {strides = array<i32>} : memref<50x128xi32, #tpu.memory_space<vmem>>, vector<1x16xi32>,
    %get3A_662 = vector.shape_cast %get3A_661 : vector<1x16xi32> to vector<16xi32>
    %lt3A_663 = arith.cmpi slt, %rem3A_657, %get3A_6 : vector<16xi32>
    %add3A_664 = arith.constant 1 : i32
    %add3A_665 = vector.broadcast %add3A_664 : i32 to vector<16xi32>
    %add3A_666 = arith.addi %get3A_662, %add3A_665 : vector<16xi32>
    %jit3A_667 = arith.constant 0 : i32
    %broadcast_in_dim3A_668 = vector.broadcast %jit3A_667 : i32 to vector<16xi32>
    %select_n3A_669 = arith.select %lt3A_663, %add3A_666, %broadcast_in_dim3A_668 : vector<16xi1>, vector<16xi32>
    %swap3A_670 = arith.constant 3 : i32
    %swap3A_671 = arith.index_cast %swap3A_670 : i32 to index
    %swap3A_672 = arith.constant 0 : index
    %swap3A_673 = tpu.vector_load %arg6[%swap3A_671, %swap3A_672] {strides = array<i32>} : memref<50x128xi32, #tpu.memory_space<vmem>>, vector<1x16xi32>,
    %swap3A_674 = vector.shape_cast %swap3A_673 : vector<1x16xi32> to vector<16xi32>
    %swap3A_675 = vector.shape_cast %select_n3A_669 : vector<16xi32> to vector<1x16xi32>
    tpu.vector_store %arg6[%swap3A_671, %swap3A_672], %swap3A_675 {strides = array<i32>} : memref<50x128xi32, #tpu.memory_space<vmem>>, vector<1x16xi32>,
    %add3A_676 = arith.constant 384 : i32
    %add3A_677 = arith.addi %mul3A_2, %add3A_676 : i32
    %add3A_678 = arith.constant 16 : i32
    %add3A_679 = arith.addi %add3A_677, %add3A_678 : i32
    %add3A_680 = vector.broadcast %add3A_679 : i32 to vector<16xi32>
    %add3A_681 = arith.addi %add3A_680, %iota3A : vector<16xi32>
    %rem3A_682 = arith.constant 200 : i32
    %rem3A_683 = vector.broadcast %rem3A_682 : i32 to vector<16xi32>
    %rem3A_684 = arith.remsi %add3A_681, %rem3A_683 : vector<16xi32>
    %get3A_685 = arith.constant 3 : i32
    %get3A_686 = arith.index_cast %get3A_685 : i32 to index
    %get3A_687 = arith.constant 16 : index
    %get3A_688 = tpu.vector_load %arg6[%get3A_686, %get3A_687] {strides = array<i32>} : memref<50x128xi32, #tpu.memory_space<vmem>>, vector<1x16xi32>,
    %get3A_689 = vector.shape_cast %get3A_688 : vector<1x16xi32> to vector<16xi32>
    %lt3A_690 = arith.cmpi slt, %rem3A_684, %get3A_6 : vector<16xi32>
    %add3A_691 = arith.constant 1 : i32
    %add3A_692 = vector.broadcast %add3A_691 : i32 to vector<16xi32>
    %add3A_693 = arith.addi %get3A_689, %add3A_692 : vector<16xi32>
    %jit3A_694 = arith.constant 0 : i32
    %broadcast_in_dim3A_695 = vector.broadcast %jit3A_694 : i32 to vector<16xi32>
    %select_n3A_696 = arith.select %lt3A_690, %add3A_693, %broadcast_in_dim3A_695 : vector<16xi1>, vector<16xi32>
    %swap3A_697 = arith.constant 3 : i32
    %swap3A_698 = arith.index_cast %swap3A_697 : i32 to index
    %swap3A_699 = arith.constant 16 : index
    %swap3A_700 = tpu.vector_load %arg6[%swap3A_698, %swap3A_699] {strides = array<i32>} : memref<50x128xi32, #tpu.memory_space<vmem>>, vector<1x16xi32>,
    %swap3A_701 = vector.shape_cast %swap3A_700 : vector<1x16xi32> to vector<16xi32>
    %swap3A_702 = vector.shape_cast %select_n3A_696 : vector<16xi32> to vector<1x16xi32>
    tpu.vector_store %arg6[%swap3A_698, %swap3A_699], %swap3A_702 {strides = array<i32>} : memref<50x128xi32, #tpu.memory_space<vmem>>, vector<1x16xi32>,
    %add3A_703 = arith.constant 384 : i32
    %add3A_704 = arith.addi %mul3A_2, %add3A_703 : i32
    %add3A_705 = arith.constant 32 : i32
    %add3A_706 = arith.addi %add3A_704, %add3A_705 : i32
    %add3A_707 = vector.broadcast %add3A_706 : i32 to vector<16xi32>
    %add3A_708 = arith.addi %add3A_707, %iota3A : vector<16xi32>
    %rem3A_709 = arith.constant 200 : i32
    %rem3A_710 = vector.broadcast %rem3A_709 : i32 to vector<16xi32>
    %rem3A_711 = arith.remsi %add3A_708, %rem3A_710 : vector<16xi32>
    %get3A_712 = arith.constant 3 : i32
    %get3A_713 = arith.index_cast %get3A_712 : i32 to index
    %get3A_714 = arith.constant 32 : index
    %get3A_715 = tpu.vector_load %arg6[%get3A_713, %get3A_714] {strides = array<i32>} : memref<50x128xi32, #tpu.memory_space<vmem>>, vector<1x16xi32>,
    %get3A_716 = vector.shape_cast %get3A_715 : vector<1x16xi32> to vector<16xi32>
    %lt3A_717 = arith.cmpi slt, %rem3A_711, %get3A_6 : vector<16xi32>
    %add3A_718 = arith.constant 1 : i32
    %add3A_719 = vector.broadcast %add3A_718 : i32 to vector<16xi32>
    %add3A_720 = arith.addi %get3A_716, %add3A_719 : vector<16xi32>
    %jit3A_721 = arith.constant 0 : i32
    %broadcast_in_dim3A_722 = vector.broadcast %jit3A_721 : i32 to vector<16xi32>
    %select_n3A_723 = arith.select %lt3A_717, %add3A_720, %broadcast_in_dim3A_722 : vector<16xi1>, vector<16xi32>
    %swap3A_724 = arith.constant 3 : i32
    %swap3A_725 = arith.index_cast %swap3A_724 : i32 to index
    %swap3A_726 = arith.constant 32 : index
    %swap3A_727 = tpu.vector_load %arg6[%swap3A_725, %swap3A_726] {strides = array<i32>} : memref<50x128xi32, #tpu.memory_space<vmem>>, vector<1x16xi32>,
    %swap3A_728 = vector.shape_cast %swap3A_727 : vector<1x16xi32> to vector<16xi32>
    %swap3A_729 = vector.shape_cast %select_n3A_723 : vector<16xi32> to vector<1x16xi32>
    tpu.vector_store %arg6[%swap3A_725, %swap3A_726], %swap3A_729 {strides = array<i32>} : memref<50x128xi32, #tpu.memory_space<vmem>>, vector<1x16xi32>,
    %add3A_730 = arith.constant 384 : i32
    %add3A_731 = arith.addi %mul3A_2, %add3A_730 : i32
    %add3A_732 = arith.constant 48 : i32
    %add3A_733 = arith.addi %add3A_731, %add3A_732 : i32
    %add3A_734 = vector.broadcast %add3A_733 : i32 to vector<16xi32>
    %add3A_735 = arith.addi %add3A_734, %iota3A : vector<16xi32>
    %rem3A_736 = arith.constant 200 : i32
    %rem3A_737 = vector.broadcast %rem3A_736 : i32 to vector<16xi32>
    %rem3A_738 = arith.remsi %add3A_735, %rem3A_737 : vector<16xi32>
    %get3A_739 = arith.constant 3 : i32
    %get3A_740 = arith.index_cast %get3A_739 : i32 to index
    %get3A_741 = arith.constant 48 : index
    %get3A_742 = tpu.vector_load %arg6[%get3A_740, %get3A_741] {strides = array<i32>} : memref<50x128xi32, #tpu.memory_space<vmem>>, vector<1x16xi32>,
    %get3A_743 = vector.shape_cast %get3A_742 : vector<1x16xi32> to vector<16xi32>
    %lt3A_744 = arith.cmpi slt, %rem3A_738, %get3A_6 : vector<16xi32>
    %add3A_745 = arith.constant 1 : i32
    %add3A_746 = vector.broadcast %add3A_745 : i32 to vector<16xi32>
    %add3A_747 = arith.addi %get3A_743, %add3A_746 : vector<16xi32>
    %jit3A_748 = arith.constant 0 : i32
    %broadcast_in_dim3A_749 = vector.broadcast %jit3A_748 : i32 to vector<16xi32>
    %select_n3A_750 = arith.select %lt3A_744, %add3A_747, %broadcast_in_dim3A_749 : vector<16xi1>, vector<16xi32>
    %swap3A_751 = arith.constant 3 : i32
    %swap3A_752 = arith.index_cast %swap3A_751 : i32 to index
    %swap3A_753 = arith.constant 48 : index
    %swap3A_754 = tpu.vector_load %arg6[%swap3A_752, %swap3A_753] {strides = array<i32>} : memref<50x128xi32, #tpu.memory_space<vmem>>, vector<1x16xi32>,
    %swap3A_755 = vector.shape_cast %swap3A_754 : vector<1x16xi32> to vector<16xi32>
    %swap3A_756 = vector.shape_cast %select_n3A_750 : vector<16xi32> to vector<1x16xi32>
    tpu.vector_store %arg6[%swap3A_752, %swap3A_753], %swap3A_756 {strides = array<i32>} : memref<50x128xi32, #tpu.memory_space<vmem>>, vector<1x16xi32>,
    %add3A_757 = arith.constant 384 : i32
    %add3A_758 = arith.addi %mul3A_2, %add3A_757 : i32
    %add3A_759 = arith.constant 64 : i32
    %add3A_760 = arith.addi %add3A_758, %add3A_759 : i32
    %add3A_761 = vector.broadcast %add3A_760 : i32 to vector<16xi32>
    %add3A_762 = arith.addi %add3A_761, %iota3A : vector<16xi32>
    %rem3A_763 = arith.constant 200 : i32
    %rem3A_764 = vector.broadcast %rem3A_763 : i32 to vector<16xi32>
    %rem3A_765 = arith.remsi %add3A_762, %rem3A_764 : vector<16xi32>
    %get3A_766 = arith.constant 3 : i32
    %get3A_767 = arith.index_cast %get3A_766 : i32 to index
    %get3A_768 = arith.constant 64 : index
    %get3A_769 = tpu.vector_load %arg6[%get3A_767, %get3A_768] {strides = array<i32>} : memref<50x128xi32, #tpu.memory_space<vmem>>, vector<1x16xi32>,
    %get3A_770 = vector.shape_cast %get3A_769 : vector<1x16xi32> to vector<16xi32>
    %lt3A_771 = arith.cmpi slt, %rem3A_765, %get3A_6 : vector<16xi32>
    %add3A_772 = arith.constant 1 : i32
    %add3A_773 = vector.broadcast %add3A_772 : i32 to vector<16xi32>
    %add3A_774 = arith.addi %get3A_770, %add3A_773 : vector<16xi32>
    %jit3A_775 = arith.constant 0 : i32
    %broadcast_in_dim3A_776 = vector.broadcast %jit3A_775 : i32 to vector<16xi32>
    %select_n3A_777 = arith.select %lt3A_771, %add3A_774, %broadcast_in_dim3A_776 : vector<16xi1>, vector<16xi32>
    %swap3A_778 = arith.constant 3 : i32
    %swap3A_779 = arith.index_cast %swap3A_778 : i32 to index
    %swap3A_780 = arith.constant 64 : index
    %swap3A_781 = tpu.vector_load %arg6[%swap3A_779, %swap3A_780] {strides = array<i32>} : memref<50x128xi32, #tpu.memory_space<vmem>>, vector<1x16xi32>,
    %swap3A_782 = vector.shape_cast %swap3A_781 : vector<1x16xi32> to vector<16xi32>
    %swap3A_783 = vector.shape_cast %select_n3A_777 : vector<16xi32> to vector<1x16xi32>
    tpu.vector_store %arg6[%swap3A_779, %swap3A_780], %swap3A_783 {strides = array<i32>} : memref<50x128xi32, #tpu.memory_space<vmem>>, vector<1x16xi32>,
    %add3A_784 = arith.constant 384 : i32
    %add3A_785 = arith.addi %mul3A_2, %add3A_784 : i32
    %add3A_786 = arith.constant 80 : i32
    %add3A_787 = arith.addi %add3A_785, %add3A_786 : i32
    %add3A_788 = vector.broadcast %add3A_787 : i32 to vector<16xi32>
    %add3A_789 = arith.addi %add3A_788, %iota3A : vector<16xi32>
    %rem3A_790 = arith.constant 200 : i32
    %rem3A_791 = vector.broadcast %rem3A_790 : i32 to vector<16xi32>
    %rem3A_792 = arith.remsi %add3A_789, %rem3A_791 : vector<16xi32>
    %get3A_793 = arith.constant 3 : i32
    %get3A_794 = arith.index_cast %get3A_793 : i32 to index
    %get3A_795 = arith.constant 80 : index
    %get3A_796 = tpu.vector_load %arg6[%get3A_794, %get3A_795] {strides = array<i32>} : memref<50x128xi32, #tpu.memory_space<vmem>>, vector<1x16xi32>,
    %get3A_797 = vector.shape_cast %get3A_796 : vector<1x16xi32> to vector<16xi32>
    %lt3A_798 = arith.cmpi slt, %rem3A_792, %get3A_6 : vector<16xi32>
    %add3A_799 = arith.constant 1 : i32
    %add3A_800 = vector.broadcast %add3A_799 : i32 to vector<16xi32>
    %add3A_801 = arith.addi %get3A_797, %add3A_800 : vector<16xi32>
    %jit3A_802 = arith.constant 0 : i32
    %broadcast_in_dim3A_803 = vector.broadcast %jit3A_802 : i32 to vector<16xi32>
    %select_n3A_804 = arith.select %lt3A_798, %add3A_801, %broadcast_in_dim3A_803 : vector<16xi1>, vector<16xi32>
    %swap3A_805 = arith.constant 3 : i32
    %swap3A_806 = arith.index_cast %swap3A_805 : i32 to index
    %swap3A_807 = arith.constant 80 : index
    %swap3A_808 = tpu.vector_load %arg6[%swap3A_806, %swap3A_807] {strides = array<i32>} : memref<50x128xi32, #tpu.memory_space<vmem>>, vector<1x16xi32>,
    %swap3A_809 = vector.shape_cast %swap3A_808 : vector<1x16xi32> to vector<16xi32>
    %swap3A_810 = vector.shape_cast %select_n3A_804 : vector<16xi32> to vector<1x16xi32>
    tpu.vector_store %arg6[%swap3A_806, %swap3A_807], %swap3A_810 {strides = array<i32>} : memref<50x128xi32, #tpu.memory_space<vmem>>, vector<1x16xi32>,
    %add3A_811 = arith.constant 384 : i32
    %add3A_812 = arith.addi %mul3A_2, %add3A_811 : i32
    %add3A_813 = arith.constant 96 : i32
    %add3A_814 = arith.addi %add3A_812, %add3A_813 : i32
    %add3A_815 = vector.broadcast %add3A_814 : i32 to vector<16xi32>
    %add3A_816 = arith.addi %add3A_815, %iota3A : vector<16xi32>
    %rem3A_817 = arith.constant 200 : i32
    %rem3A_818 = vector.broadcast %rem3A_817 : i32 to vector<16xi32>
    %rem3A_819 = arith.remsi %add3A_816, %rem3A_818 : vector<16xi32>
    %get3A_820 = arith.constant 3 : i32
    %get3A_821 = arith.index_cast %get3A_820 : i32 to index
    %get3A_822 = arith.constant 96 : index
    %get3A_823 = tpu.vector_load %arg6[%get3A_821, %get3A_822] {strides = array<i32>} : memref<50x128xi32, #tpu.memory_space<vmem>>, vector<1x16xi32>,
    %get3A_824 = vector.shape_cast %get3A_823 : vector<1x16xi32> to vector<16xi32>
    %lt3A_825 = arith.cmpi slt, %rem3A_819, %get3A_6 : vector<16xi32>
    %add3A_826 = arith.constant 1 : i32
    %add3A_827 = vector.broadcast %add3A_826 : i32 to vector<16xi32>
    %add3A_828 = arith.addi %get3A_824, %add3A_827 : vector<16xi32>
    %jit3A_829 = arith.constant 0 : i32
    %broadcast_in_dim3A_830 = vector.broadcast %jit3A_829 : i32 to vector<16xi32>
    %select_n3A_831 = arith.select %lt3A_825, %add3A_828, %broadcast_in_dim3A_830 : vector<16xi1>, vector<16xi32>
    %swap3A_832 = arith.constant 3 : i32
    %swap3A_833 = arith.index_cast %swap3A_832 : i32 to index
    %swap3A_834 = arith.constant 96 : index
    %swap3A_835 = tpu.vector_load %arg6[%swap3A_833, %swap3A_834] {strides = array<i32>} : memref<50x128xi32, #tpu.memory_space<vmem>>, vector<1x16xi32>,
    %swap3A_836 = vector.shape_cast %swap3A_835 : vector<1x16xi32> to vector<16xi32>
    %swap3A_837 = vector.shape_cast %select_n3A_831 : vector<16xi32> to vector<1x16xi32>
    tpu.vector_store %arg6[%swap3A_833, %swap3A_834], %swap3A_837 {strides = array<i32>} : memref<50x128xi32, #tpu.memory_space<vmem>>, vector<1x16xi32>,
    %add3A_838 = arith.constant 384 : i32
    %add3A_839 = arith.addi %mul3A_2, %add3A_838 : i32
    %add3A_840 = arith.constant 112 : i32
    %add3A_841 = arith.addi %add3A_839, %add3A_840 : i32
    %add3A_842 = vector.broadcast %add3A_841 : i32 to vector<16xi32>
    %add3A_843 = arith.addi %add3A_842, %iota3A : vector<16xi32>
    %rem3A_844 = arith.constant 200 : i32
    %rem3A_845 = vector.broadcast %rem3A_844 : i32 to vector<16xi32>
    %rem3A_846 = arith.remsi %add3A_843, %rem3A_845 : vector<16xi32>
    %get3A_847 = arith.constant 3 : i32
    %get3A_848 = arith.index_cast %get3A_847 : i32 to index
    %get3A_849 = arith.constant 112 : index
    %get3A_850 = tpu.vector_load %arg6[%get3A_848, %get3A_849] {strides = array<i32>} : memref<50x128xi32, #tpu.memory_space<vmem>>, vector<1x16xi32>,
    %get3A_851 = vector.shape_cast %get3A_850 : vector<1x16xi32> to vector<16xi32>
    %lt3A_852 = arith.cmpi slt, %rem3A_846, %get3A_6 : vector<16xi32>
    %add3A_853 = arith.constant 1 : i32
    %add3A_854 = vector.broadcast %add3A_853 : i32 to vector<16xi32>
    %add3A_855 = arith.addi %get3A_851, %add3A_854 : vector<16xi32>
    %jit3A_856 = arith.constant 0 : i32
    %broadcast_in_dim3A_857 = vector.broadcast %jit3A_856 : i32 to vector<16xi32>
    %select_n3A_858 = arith.select %lt3A_852, %add3A_855, %broadcast_in_dim3A_857 : vector<16xi1>, vector<16xi32>
    %swap3A_859 = arith.constant 3 : i32
    %swap3A_860 = arith.index_cast %swap3A_859 : i32 to index
    %swap3A_861 = arith.constant 112 : index
    %swap3A_862 = tpu.vector_load %arg6[%swap3A_860, %swap3A_861] {strides = array<i32>} : memref<50x128xi32, #tpu.memory_space<vmem>>, vector<1x16xi32>,
    %swap3A_863 = vector.shape_cast %swap3A_862 : vector<1x16xi32> to vector<16xi32>
    %swap3A_864 = vector.shape_cast %select_n3A_858 : vector<16xi32> to vector<1x16xi32>
    tpu.vector_store %arg6[%swap3A_860, %swap3A_861], %swap3A_864 {strides = array<i32>} : memref<50x128xi32, #tpu.memory_space<vmem>>, vector<1x16xi32>,
    %add3A_865 = arith.constant 512 : i32
    %add3A_866 = arith.addi %mul3A_2, %add3A_865 : i32
    %add3A_867 = arith.constant 0 : i32
    %add3A_868 = arith.addi %add3A_866, %add3A_867 : i32
    %add3A_869 = vector.broadcast %add3A_868 : i32 to vector<16xi32>
    %add3A_870 = arith.addi %add3A_869, %iota3A : vector<16xi32>
    %rem3A_871 = arith.constant 200 : i32
    %rem3A_872 = vector.broadcast %rem3A_871 : i32 to vector<16xi32>
    %rem3A_873 = arith.remsi %add3A_870, %rem3A_872 : vector<16xi32>
    %get3A_874 = arith.constant 4 : i32
    %get3A_875 = arith.index_cast %get3A_874 : i32 to index
    %get3A_876 = arith.constant 0 : index
    %get3A_877 = tpu.vector_load %arg6[%get3A_875, %get3A_876] {strides = array<i32>} : memref<50x128xi32, #tpu.memory_space<vmem>>, vector<1x16xi32>,
    %get3A_878 = vector.shape_cast %get3A_877 : vector<1x16xi32> to vector<16xi32>
    %lt3A_879 = arith.cmpi slt, %rem3A_873, %get3A_6 : vector<16xi32>
    %add3A_880 = arith.constant 1 : i32
    %add3A_881 = vector.broadcast %add3A_880 : i32 to vector<16xi32>
    %add3A_882 = arith.addi %get3A_878, %add3A_881 : vector<16xi32>
    %jit3A_883 = arith.constant 0 : i32
    %broadcast_in_dim3A_884 = vector.broadcast %jit3A_883 : i32 to vector<16xi32>
    %select_n3A_885 = arith.select %lt3A_879, %add3A_882, %broadcast_in_dim3A_884 : vector<16xi1>, vector<16xi32>
    %swap3A_886 = arith.constant 4 : i32
    %swap3A_887 = arith.index_cast %swap3A_886 : i32 to index
    %swap3A_888 = arith.constant 0 : index
    %swap3A_889 = tpu.vector_load %arg6[%swap3A_887, %swap3A_888] {strides = array<i32>} : memref<50x128xi32, #tpu.memory_space<vmem>>, vector<1x16xi32>,
    %swap3A_890 = vector.shape_cast %swap3A_889 : vector<1x16xi32> to vector<16xi32>
    %swap3A_891 = vector.shape_cast %select_n3A_885 : vector<16xi32> to vector<1x16xi32>
    tpu.vector_store %arg6[%swap3A_887, %swap3A_888], %swap3A_891 {strides = array<i32>} : memref<50x128xi32, #tpu.memory_space<vmem>>, vector<1x16xi32>,
    %add3A_892 = arith.constant 512 : i32
    %add3A_893 = arith.addi %mul3A_2, %add3A_892 : i32
    %add3A_894 = arith.constant 16 : i32
    %add3A_895 = arith.addi %add3A_893, %add3A_894 : i32
    %add3A_896 = vector.broadcast %add3A_895 : i32 to vector<16xi32>
    %add3A_897 = arith.addi %add3A_896, %iota3A : vector<16xi32>
    %rem3A_898 = arith.constant 200 : i32
    %rem3A_899 = vector.broadcast %rem3A_898 : i32 to vector<16xi32>
    %rem3A_900 = arith.remsi %add3A_897, %rem3A_899 : vector<16xi32>
    %get3A_901 = arith.constant 4 : i32
    %get3A_902 = arith.index_cast %get3A_901 : i32 to index
    %get3A_903 = arith.constant 16 : index
    %get3A_904 = tpu.vector_load %arg6[%get3A_902, %get3A_903] {strides = array<i32>} : memref<50x128xi32, #tpu.memory_space<vmem>>, vector<1x16xi32>,
    %get3A_905 = vector.shape_cast %get3A_904 : vector<1x16xi32> to vector<16xi32>
    %lt3A_906 = arith.cmpi slt, %rem3A_900, %get3A_6 : vector<16xi32>
    %add3A_907 = arith.constant 1 : i32
    %add3A_908 = vector.broadcast %add3A_907 : i32 to vector<16xi32>
    %add3A_909 = arith.addi %get3A_905, %add3A_908 : vector<16xi32>
    %jit3A_910 = arith.constant 0 : i32
    %broadcast_in_dim3A_911 = vector.broadcast %jit3A_910 : i32 to vector<16xi32>
    %select_n3A_912 = arith.select %lt3A_906, %add3A_909, %broadcast_in_dim3A_911 : vector<16xi1>, vector<16xi32>
    %swap3A_913 = arith.constant 4 : i32
    %swap3A_914 = arith.index_cast %swap3A_913 : i32 to index
    %swap3A_915 = arith.constant 16 : index
    %swap3A_916 = tpu.vector_load %arg6[%swap3A_914, %swap3A_915] {strides = array<i32>} : memref<50x128xi32, #tpu.memory_space<vmem>>, vector<1x16xi32>,
    %swap3A_917 = vector.shape_cast %swap3A_916 : vector<1x16xi32> to vector<16xi32>
    %swap3A_918 = vector.shape_cast %select_n3A_912 : vector<16xi32> to vector<1x16xi32>
    tpu.vector_store %arg6[%swap3A_914, %swap3A_915], %swap3A_918 {strides = array<i32>} : memref<50x128xi32, #tpu.memory_space<vmem>>, vector<1x16xi32>,
    %add3A_919 = arith.constant 512 : i32
    %add3A_920 = arith.addi %mul3A_2, %add3A_919 : i32
    %add3A_921 = arith.constant 32 : i32
    %add3A_922 = arith.addi %add3A_920, %add3A_921 : i32
    %add3A_923 = vector.broadcast %add3A_922 : i32 to vector<16xi32>
    %add3A_924 = arith.addi %add3A_923, %iota3A : vector<16xi32>
    %rem3A_925 = arith.constant 200 : i32
    %rem3A_926 = vector.broadcast %rem3A_925 : i32 to vector<16xi32>
    %rem3A_927 = arith.remsi %add3A_924, %rem3A_926 : vector<16xi32>
    %get3A_928 = arith.constant 4 : i32
    %get3A_929 = arith.index_cast %get3A_928 : i32 to index
    %get3A_930 = arith.constant 32 : index
    %get3A_931 = tpu.vector_load %arg6[%get3A_929, %get3A_930] {strides = array<i32>} : memref<50x128xi32, #tpu.memory_space<vmem>>, vector<1x16xi32>,
    %get3A_932 = vector.shape_cast %get3A_931 : vector<1x16xi32> to vector<16xi32>
    %lt3A_933 = arith.cmpi slt, %rem3A_927, %get3A_6 : vector<16xi32>
    %add3A_934 = arith.constant 1 : i32
    %add3A_935 = vector.broadcast %add3A_934 : i32 to vector<16xi32>
    %add3A_936 = arith.addi %get3A_932, %add3A_935 : vector<16xi32>
    %jit3A_937 = arith.constant 0 : i32
    %broadcast_in_dim3A_938 = vector.broadcast %jit3A_937 : i32 to vector<16xi32>
    %select_n3A_939 = arith.select %lt3A_933, %add3A_936, %broadcast_in_dim3A_938 : vector<16xi1>, vector<16xi32>
    %swap3A_940 = arith.constant 4 : i32
    %swap3A_941 = arith.index_cast %swap3A_940 : i32 to index
    %swap3A_942 = arith.constant 32 : index
    %swap3A_943 = tpu.vector_load %arg6[%swap3A_941, %swap3A_942] {strides = array<i32>} : memref<50x128xi32, #tpu.memory_space<vmem>>, vector<1x16xi32>,
    %swap3A_944 = vector.shape_cast %swap3A_943 : vector<1x16xi32> to vector<16xi32>
    %swap3A_945 = vector.shape_cast %select_n3A_939 : vector<16xi32> to vector<1x16xi32>
    tpu.vector_store %arg6[%swap3A_941, %swap3A_942], %swap3A_945 {strides = array<i32>} : memref<50x128xi32, #tpu.memory_space<vmem>>, vector<1x16xi32>,
    %add3A_946 = arith.constant 512 : i32
    %add3A_947 = arith.addi %mul3A_2, %add3A_946 : i32
    %add3A_948 = arith.constant 48 : i32
    %add3A_949 = arith.addi %add3A_947, %add3A_948 : i32
    %add3A_950 = vector.broadcast %add3A_949 : i32 to vector<16xi32>
    %add3A_951 = arith.addi %add3A_950, %iota3A : vector<16xi32>
    %rem3A_952 = arith.constant 200 : i32
    %rem3A_953 = vector.broadcast %rem3A_952 : i32 to vector<16xi32>
    %rem3A_954 = arith.remsi %add3A_951, %rem3A_953 : vector<16xi32>
    %get3A_955 = arith.constant 4 : i32
    %get3A_956 = arith.index_cast %get3A_955 : i32 to index
    %get3A_957 = arith.constant 48 : index
    %get3A_958 = tpu.vector_load %arg6[%get3A_956, %get3A_957] {strides = array<i32>} : memref<50x128xi32, #tpu.memory_space<vmem>>, vector<1x16xi32>,
    %get3A_959 = vector.shape_cast %get3A_958 : vector<1x16xi32> to vector<16xi32>
    %lt3A_960 = arith.cmpi slt, %rem3A_954, %get3A_6 : vector<16xi32>
    %add3A_961 = arith.constant 1 : i32
    %add3A_962 = vector.broadcast %add3A_961 : i32 to vector<16xi32>
    %add3A_963 = arith.addi %get3A_959, %add3A_962 : vector<16xi32>
    %jit3A_964 = arith.constant 0 : i32
    %broadcast_in_dim3A_965 = vector.broadcast %jit3A_964 : i32 to vector<16xi32>
    %select_n3A_966 = arith.select %lt3A_960, %add3A_963, %broadcast_in_dim3A_965 : vector<16xi1>, vector<16xi32>
    %swap3A_967 = arith.constant 4 : i32
    %swap3A_968 = arith.index_cast %swap3A_967 : i32 to index
    %swap3A_969 = arith.constant 48 : index
    %swap3A_970 = tpu.vector_load %arg6[%swap3A_968, %swap3A_969] {strides = array<i32>} : memref<50x128xi32, #tpu.memory_space<vmem>>, vector<1x16xi32>,
    %swap3A_971 = vector.shape_cast %swap3A_970 : vector<1x16xi32> to vector<16xi32>
    %swap3A_972 = vector.shape_cast %select_n3A_966 : vector<16xi32> to vector<1x16xi32>
    tpu.vector_store %arg6[%swap3A_968, %swap3A_969], %swap3A_972 {strides = array<i32>} : memref<50x128xi32, #tpu.memory_space<vmem>>, vector<1x16xi32>,
    %add3A_973 = arith.constant 512 : i32
    %add3A_974 = arith.addi %mul3A_2, %add3A_973 : i32
    %add3A_975 = arith.constant 64 : i32
    %add3A_976 = arith.addi %add3A_974, %add3A_975 : i32
    %add3A_977 = vector.broadcast %add3A_976 : i32 to vector<16xi32>
    %add3A_978 = arith.addi %add3A_977, %iota3A : vector<16xi32>
    %rem3A_979 = arith.constant 200 : i32
    %rem3A_980 = vector.broadcast %rem3A_979 : i32 to vector<16xi32>
    %rem3A_981 = arith.remsi %add3A_978, %rem3A_980 : vector<16xi32>
    %get3A_982 = arith.constant 4 : i32
    %get3A_983 = arith.index_cast %get3A_982 : i32 to index
    %get3A_984 = arith.constant 64 : index
    %get3A_985 = tpu.vector_load %arg6[%get3A_983, %get3A_984] {strides = array<i32>} : memref<50x128xi32, #tpu.memory_space<vmem>>, vector<1x16xi32>,
    %get3A_986 = vector.shape_cast %get3A_985 : vector<1x16xi32> to vector<16xi32>
    %lt3A_987 = arith.cmpi slt, %rem3A_981, %get3A_6 : vector<16xi32>
    %add3A_988 = arith.constant 1 : i32
    %add3A_989 = vector.broadcast %add3A_988 : i32 to vector<16xi32>
    %add3A_990 = arith.addi %get3A_986, %add3A_989 : vector<16xi32>
    %jit3A_991 = arith.constant 0 : i32
    %broadcast_in_dim3A_992 = vector.broadcast %jit3A_991 : i32 to vector<16xi32>
    %select_n3A_993 = arith.select %lt3A_987, %add3A_990, %broadcast_in_dim3A_992 : vector<16xi1>, vector<16xi32>
    %swap3A_994 = arith.constant 4 : i32
    %swap3A_995 = arith.index_cast %swap3A_994 : i32 to index
    %swap3A_996 = arith.constant 64 : index
    %swap3A_997 = tpu.vector_load %arg6[%swap3A_995, %swap3A_996] {strides = array<i32>} : memref<50x128xi32, #tpu.memory_space<vmem>>, vector<1x16xi32>,
    %swap3A_998 = vector.shape_cast %swap3A_997 : vector<1x16xi32> to vector<16xi32>
    %swap3A_999 = vector.shape_cast %select_n3A_993 : vector<16xi32> to vector<1x16xi32>
    tpu.vector_store %arg6[%swap3A_995, %swap3A_996], %swap3A_999 {strides = array<i32>} : memref<50x128xi32, #tpu.memory_space<vmem>>, vector<1x16xi32>,
    %add3A_1000 = arith.constant 512 : i32
    %add3A_1001 = arith.addi %mul3A_2, %add3A_1000 : i32
    %add3A_1002 = arith.constant 80 : i32
    %add3A_1003 = arith.addi %add3A_1001, %add3A_1002 : i32
    %add3A_1004 = vector.broadcast %add3A_1003 : i32 to vector<16xi32>
    %add3A_1005 = arith.addi %add3A_1004, %iota3A : vector<16xi32>
    %rem3A_1006 = arith.constant 200 : i32
    %rem3A_1007 = vector.broadcast %rem3A_1006 : i32 to vector<16xi32>
    %rem3A_1008 = arith.remsi %add3A_1005, %rem3A_1007 : vector<16xi32>
    %get3A_1009 = arith.constant 4 : i32
    %get3A_1010 = arith.index_cast %get3A_1009 : i32 to index
    %get3A_1011 = arith.constant 80 : index
    %get3A_1012 = tpu.vector_load %arg6[%get3A_1010, %get3A_1011] {strides = array<i32>} : memref<50x128xi32, #tpu.memory_space<vmem>>, vector<1x16xi32>,
    %get3A_1013 = vector.shape_cast %get3A_1012 : vector<1x16xi32> to vector<16xi32>
    %lt3A_1014 = arith.cmpi slt, %rem3A_1008, %get3A_6 : vector<16xi32>
    %add3A_1015 = arith.constant 1 : i32
    %add3A_1016 = vector.broadcast %add3A_1015 : i32 to vector<16xi32>
    %add3A_1017 = arith.addi %get3A_1013, %add3A_1016 : vector<16xi32>
    %jit3A_1018 = arith.constant 0 : i32
    %broadcast_in_dim3A_1019 = vector.broadcast %jit3A_1018 : i32 to vector<16xi32>
    %select_n3A_1020 = arith.select %lt3A_1014, %add3A_1017, %broadcast_in_dim3A_1019 : vector<16xi1>, vector<16xi32>
    %swap3A_1021 = arith.constant 4 : i32
    %swap3A_1022 = arith.index_cast %swap3A_1021 : i32 to index
    %swap3A_1023 = arith.constant 80 : index
    %swap3A_1024 = tpu.vector_load %arg6[%swap3A_1022, %swap3A_1023] {strides = array<i32>} : memref<50x128xi32, #tpu.memory_space<vmem>>, vector<1x16xi32>,
    %swap3A_1025 = vector.shape_cast %swap3A_1024 : vector<1x16xi32> to vector<16xi32>
    %swap3A_1026 = vector.shape_cast %select_n3A_1020 : vector<16xi32> to vector<1x16xi32>
    tpu.vector_store %arg6[%swap3A_1022, %swap3A_1023], %swap3A_1026 {strides = array<i32>} : memref<50x128xi32, #tpu.memory_space<vmem>>, vector<1x16xi32>,
    %add3A_1027 = arith.constant 512 : i32
    %add3A_1028 = arith.addi %mul3A_2, %add3A_1027 : i32
    %add3A_1029 = arith.constant 96 : i32
    %add3A_1030 = arith.addi %add3A_1028, %add3A_1029 : i32
    %add3A_1031 = vector.broadcast %add3A_1030 : i32 to vector<16xi32>
    %add3A_1032 = arith.addi %add3A_1031, %iota3A : vector<16xi32>
    %rem3A_1033 = arith.constant 200 : i32
    %rem3A_1034 = vector.broadcast %rem3A_1033 : i32 to vector<16xi32>
    %rem3A_1035 = arith.remsi %add3A_1032, %rem3A_1034 : vector<16xi32>
    %get3A_1036 = arith.constant 4 : i32
    %get3A_1037 = arith.index_cast %get3A_1036 : i32 to index
    %get3A_1038 = arith.constant 96 : index
    %get3A_1039 = tpu.vector_load %arg6[%get3A_1037, %get3A_1038] {strides = array<i32>} : memref<50x128xi32, #tpu.memory_space<vmem>>, vector<1x16xi32>,
    %get3A_1040 = vector.shape_cast %get3A_1039 : vector<1x16xi32> to vector<16xi32>
    %lt3A_1041 = arith.cmpi slt, %rem3A_1035, %get3A_6 : vector<16xi32>
    %add3A_1042 = arith.constant 1 : i32
    %add3A_1043 = vector.broadcast %add3A_1042 : i32 to vector<16xi32>
    %add3A_1044 = arith.addi %get3A_1040, %add3A_1043 : vector<16xi32>
    %jit3A_1045 = arith.constant 0 : i32
    %broadcast_in_dim3A_1046 = vector.broadcast %jit3A_1045 : i32 to vector<16xi32>
    %select_n3A_1047 = arith.select %lt3A_1041, %add3A_1044, %broadcast_in_dim3A_1046 : vector<16xi1>, vector<16xi32>
    %swap3A_1048 = arith.constant 4 : i32
    %swap3A_1049 = arith.index_cast %swap3A_1048 : i32 to index
    %swap3A_1050 = arith.constant 96 : index
    %swap3A_1051 = tpu.vector_load %arg6[%swap3A_1049, %swap3A_1050] {strides = array<i32>} : memref<50x128xi32, #tpu.memory_space<vmem>>, vector<1x16xi32>,
    %swap3A_1052 = vector.shape_cast %swap3A_1051 : vector<1x16xi32> to vector<16xi32>
    %swap3A_1053 = vector.shape_cast %select_n3A_1047 : vector<16xi32> to vector<1x16xi32>
    tpu.vector_store %arg6[%swap3A_1049, %swap3A_1050], %swap3A_1053 {strides = array<i32>} : memref<50x128xi32, #tpu.memory_space<vmem>>, vector<1x16xi32>,
    %add3A_1054 = arith.constant 512 : i32
    %add3A_1055 = arith.addi %mul3A_2, %add3A_1054 : i32
    %add3A_1056 = arith.constant 112 : i32
    %add3A_1057 = arith.addi %add3A_1055, %add3A_1056 : i32
    %add3A_1058 = vector.broadcast %add3A_1057 : i32 to vector<16xi32>
    %add3A_1059 = arith.addi %add3A_1058, %iota3A : vector<16xi32>
    %rem3A_1060 = arith.constant 200 : i32
    %rem3A_1061 = vector.broadcast %rem3A_1060 : i32 to vector<16xi32>
    %rem3A_1062 = arith.remsi %add3A_1059, %rem3A_1061 : vector<16xi32>
    %get3A_1063 = arith.constant 4 : i32
    %get3A_1064 = arith.index_cast %get3A_1063 : i32 to index
    %get3A_1065 = arith.constant 112 : index
    %get3A_1066 = tpu.vector_load %arg6[%get3A_1064, %get3A_1065] {strides = array<i32>} : memref<50x128xi32, #tpu.memory_space<vmem>>, vector<1x16xi32>,
    %get3A_1067 = vector.shape_cast %get3A_1066 : vector<1x16xi32> to vector<16xi32>
    %lt3A_1068 = arith.cmpi slt, %rem3A_1062, %get3A_6 : vector<16xi32>
    %add3A_1069 = arith.constant 1 : i32
    %add3A_1070 = vector.broadcast %add3A_1069 : i32 to vector<16xi32>
    %add3A_1071 = arith.addi %get3A_1067, %add3A_1070 : vector<16xi32>
    %jit3A_1072 = arith.constant 0 : i32
    %broadcast_in_dim3A_1073 = vector.broadcast %jit3A_1072 : i32 to vector<16xi32>
    %select_n3A_1074 = arith.select %lt3A_1068, %add3A_1071, %broadcast_in_dim3A_1073 : vector<16xi1>, vector<16xi32>
    %swap3A_1075 = arith.constant 4 : i32
    %swap3A_1076 = arith.index_cast %swap3A_1075 : i32 to index
    %swap3A_1077 = arith.constant 112 : index
    %swap3A_1078 = tpu.vector_load %arg6[%swap3A_1076, %swap3A_1077] {strides = array<i32>} : memref<50x128xi32, #tpu.memory_space<vmem>>, vector<1x16xi32>,
    %swap3A_1079 = vector.shape_cast %swap3A_1078 : vector<1x16xi32> to vector<16xi32>
    %swap3A_1080 = vector.shape_cast %select_n3A_1074 : vector<16xi32> to vector<1x16xi32>
    tpu.vector_store %arg6[%swap3A_1076, %swap3A_1077], %swap3A_1080 {strides = array<i32>} : memref<50x128xi32, #tpu.memory_space<vmem>>, vector<1x16xi32>,
    %barrier3A = arith.constant 0 : index
    tpu.barrier barrier_id(%barrier3A)
    %dma_start3A = arith.constant 0 : i32
    %dma_start3A_1081 = arith.constant 0 : i32
    %dma_start3A_1082 = arith.constant 0 : i32
    %dma_start3A_1083 = arith.constant 0 : i32
    %dma_start3A_1084 = arith.constant 0 : i32
    %dma_start3A_1085 = tpu.memref_slice %arg7[%dma_start3A_1081, %dma_start3A_1083, %dma_start3A_1084] : memref<5x128x128xf32, #tpu.memory_space<vmem>> -> memref<1x128x128xf32, #tpu.memory_space<vmem>>
    %dma_start3A_1086 = tpu.memref_squeeze %dma_start3A_1085 : memref<1x128x128xf32, #tpu.memory_space<vmem>> -> memref<128x128xf32, #tpu.memory_space<vmem>>
    %dma_start3A_1087 = arith.constant 0 : i32
    %dma_start3A_1088 = tpu.memref_slice %arg6[%dma_start3A, %dma_start3A_1087] : memref<50x128xi32, #tpu.memory_space<vmem>> -> memref<1x128xi32, #tpu.memory_space<vmem>>
    %dma_start3A_1089 = tpu.memref_squeeze %dma_start3A_1088 : memref<1x128xi32, #tpu.memory_space<vmem>> -> memref<128xi32, #tpu.memory_space<vmem>>
    %dma_start3A_1090 = arith.constant 0 : i32
    %dma_start3A_1091 = arith.constant 0 : i32
    %dma_start3A_1092 = tpu.memref_slice %arg9[%dma_start3A_1090, %dma_start3A_1091] : memref<158x128xf32, #tpu.memory_space<vmem_shared>> -> memref<158x128xf32, #tpu.memory_space<vmem_shared>>
    %dma_start3A_1093 = tpu.memref_slice %arg10[%dma_start3A_1082] : memref<5x!tpu.dma_semaphore, #tpu.memory_space<semaphore_mem>> -> memref<1x!tpu.dma_semaphore, #tpu.memory_space<semaphore_mem>>
    %dma_start3A_1094 = tpu.memref_squeeze %dma_start3A_1093 : memref<1x!tpu.dma_semaphore, #tpu.memory_space<semaphore_mem>> -> memref<!tpu.dma_semaphore, #tpu.memory_space<semaphore_mem>>
    tpu.enqueue_indirect_dma source(%dma_start3A_1092 : memref<158x128xf32, #tpu.memory_space<vmem_shared>>) target(%dma_start3A_1086 : memref<128x128xf32, #tpu.memory_space<vmem>>) offsets(%dma_start3A_1089 : memref<128xi32, #tpu.memory_space<vmem>>) semaphore(%dma_start3A_1094 : memref<!tpu.dma_semaphore, #tpu.memory_space<semaphore_mem>>)
    %dma_start3A_1095 = arith.constant 1 : i32
    %dma_start3A_1096 = arith.constant 1 : i32
    %dma_start3A_1097 = arith.constant 1 : i32
    %dma_start3A_1098 = arith.constant 0 : i32
    %dma_start3A_1099 = arith.constant 0 : i32
    %dma_start3A_1100 = tpu.memref_slice %arg7[%dma_start3A_1096, %dma_start3A_1098, %dma_start3A_1099] : memref<5x128x128xf32, #tpu.memory_space<vmem>> -> memref<1x128x128xf32, #tpu.memory_space<vmem>>
    %dma_start3A_1101 = tpu.memref_squeeze %dma_start3A_1100 : memref<1x128x128xf32, #tpu.memory_space<vmem>> -> memref<128x128xf32, #tpu.memory_space<vmem>>
    %dma_start3A_1102 = arith.constant 0 : i32
    %dma_start3A_1103 = tpu.memref_slice %arg6[%dma_start3A_1095, %dma_start3A_1102] : memref<50x128xi32, #tpu.memory_space<vmem>> -> memref<1x128xi32, #tpu.memory_space<vmem>>
    %dma_start3A_1104 = tpu.memref_squeeze %dma_start3A_1103 : memref<1x128xi32, #tpu.memory_space<vmem>> -> memref<128xi32, #tpu.memory_space<vmem>>
    %dma_start3A_1105 = arith.constant 0 : i32
    %dma_start3A_1106 = arith.constant 0 : i32
    %dma_start3A_1107 = tpu.memref_slice %arg9[%dma_start3A_1105, %dma_start3A_1106] : memref<158x128xf32, #tpu.memory_space<vmem_shared>> -> memref<158x128xf32, #tpu.memory_space<vmem_shared>>
    %dma_start3A_1108 = tpu.memref_slice %arg10[%dma_start3A_1097] : memref<5x!tpu.dma_semaphore, #tpu.memory_space<semaphore_mem>> -> memref<1x!tpu.dma_semaphore, #tpu.memory_space<semaphore_mem>>
    %dma_start3A_1109 = tpu.memref_squeeze %dma_start3A_1108 : memref<1x!tpu.dma_semaphore, #tpu.memory_space<semaphore_mem>> -> memref<!tpu.dma_semaphore, #tpu.memory_space<semaphore_mem>>
    tpu.enqueue_indirect_dma source(%dma_start3A_1107 : memref<158x128xf32, #tpu.memory_space<vmem_shared>>) target(%dma_start3A_1101 : memref<128x128xf32, #tpu.memory_space<vmem>>) offsets(%dma_start3A_1104 : memref<128xi32, #tpu.memory_space<vmem>>) semaphore(%dma_start3A_1109 : memref<!tpu.dma_semaphore, #tpu.memory_space<semaphore_mem>>)
    %dma_start3A_1110 = arith.constant 2 : i32
    %dma_start3A_1111 = arith.constant 2 : i32
    %dma_start3A_1112 = arith.constant 2 : i32
    %dma_start3A_1113 = arith.constant 0 : i32
    %dma_start3A_1114 = arith.constant 0 : i32
    %dma_start3A_1115 = tpu.memref_slice %arg7[%dma_start3A_1111, %dma_start3A_1113, %dma_start3A_1114] : memref<5x128x128xf32, #tpu.memory_space<vmem>> -> memref<1x128x128xf32, #tpu.memory_space<vmem>>
    %dma_start3A_1116 = tpu.memref_squeeze %dma_start3A_1115 : memref<1x128x128xf32, #tpu.memory_space<vmem>> -> memref<128x128xf32, #tpu.memory_space<vmem>>
    %dma_start3A_1117 = arith.constant 0 : i32
    %dma_start3A_1118 = tpu.memref_slice %arg6[%dma_start3A_1110, %dma_start3A_1117] : memref<50x128xi32, #tpu.memory_space<vmem>> -> memref<1x128xi32, #tpu.memory_space<vmem>>
    %dma_start3A_1119 = tpu.memref_squeeze %dma_start3A_1118 : memref<1x128xi32, #tpu.memory_space<vmem>> -> memref<128xi32, #tpu.memory_space<vmem>>
    %dma_start3A_1120 = arith.constant 0 : i32
    %dma_start3A_1121 = arith.constant 0 : i32
    %dma_start3A_1122 = tpu.memref_slice %arg9[%dma_start3A_1120, %dma_start3A_1121] : memref<158x128xf32, #tpu.memory_space<vmem_shared>> -> memref<158x128xf32, #tpu.memory_space<vmem_shared>>
    %dma_start3A_1123 = tpu.memref_slice %arg10[%dma_start3A_1112] : memref<5x!tpu.dma_semaphore, #tpu.memory_space<semaphore_mem>> -> memref<1x!tpu.dma_semaphore, #tpu.memory_space<semaphore_mem>>
    %dma_start3A_1124 = tpu.memref_squeeze %dma_start3A_1123 : memref<1x!tpu.dma_semaphore, #tpu.memory_space<semaphore_mem>> -> memref<!tpu.dma_semaphore, #tpu.memory_space<semaphore_mem>>
    tpu.enqueue_indirect_dma source(%dma_start3A_1122 : memref<158x128xf32, #tpu.memory_space<vmem_shared>>) target(%dma_start3A_1116 : memref<128x128xf32, #tpu.memory_space<vmem>>) offsets(%dma_start3A_1119 : memref<128xi32, #tpu.memory_space<vmem>>) semaphore(%dma_start3A_1124 : memref<!tpu.dma_semaphore, #tpu.memory_space<semaphore_mem>>)
    %dma_start3A_1125 = arith.constant 3 : i32
    %dma_start3A_1126 = arith.constant 3 : i32
    %dma_start3A_1127 = arith.constant 3 : i32
    %dma_start3A_1128 = arith.constant 0 : i32
    %dma_start3A_1129 = arith.constant 0 : i32
    %dma_start3A_1130 = tpu.memref_slice %arg7[%dma_start3A_1126, %dma_start3A_1128, %dma_start3A_1129] : memref<5x128x128xf32, #tpu.memory_space<vmem>> -> memref<1x128x128xf32, #tpu.memory_space<vmem>>
    %dma_start3A_1131 = tpu.memref_squeeze %dma_start3A_1130 : memref<1x128x128xf32, #tpu.memory_space<vmem>> -> memref<128x128xf32, #tpu.memory_space<vmem>>
    %dma_start3A_1132 = arith.constant 0 : i32
    %dma_start3A_1133 = tpu.memref_slice %arg6[%dma_start3A_1125, %dma_start3A_1132] : memref<50x128xi32, #tpu.memory_space<vmem>> -> memref<1x128xi32, #tpu.memory_space<vmem>>
    %dma_start3A_1134 = tpu.memref_squeeze %dma_start3A_1133 : memref<1x128xi32, #tpu.memory_space<vmem>> -> memref<128xi32, #tpu.memory_space<vmem>>
    %dma_start3A_1135 = arith.constant 0 : i32
    %dma_start3A_1136 = arith.constant 0 : i32
    %dma_start3A_1137 = tpu.memref_slice %arg9[%dma_start3A_1135, %dma_start3A_1136] : memref<158x128xf32, #tpu.memory_space<vmem_shared>> -> memref<158x128xf32, #tpu.memory_space<vmem_shared>>
    %dma_start3A_1138 = tpu.memref_slice %arg10[%dma_start3A_1127] : memref<5x!tpu.dma_semaphore, #tpu.memory_space<semaphore_mem>> -> memref<1x!tpu.dma_semaphore, #tpu.memory_space<semaphore_mem>>
    %dma_start3A_1139 = tpu.memref_squeeze %dma_start3A_1138 : memref<1x!tpu.dma_semaphore, #tpu.memory_space<semaphore_mem>> -> memref<!tpu.dma_semaphore, #tpu.memory_space<semaphore_mem>>
    tpu.enqueue_indirect_dma source(%dma_start3A_1137 : memref<158x128xf32, #tpu.memory_space<vmem_shared>>) target(%dma_start3A_1131 : memref<128x128xf32, #tpu.memory_space<vmem>>) offsets(%dma_start3A_1134 : memref<128xi32, #tpu.memory_space<vmem>>) semaphore(%dma_start3A_1139 : memref<!tpu.dma_semaphore, #tpu.memory_space<semaphore_mem>>)
    %dma_start3A_1140 = arith.constant 4 : i32
    %dma_start3A_1141 = arith.constant 4 : i32
    %dma_start3A_1142 = arith.constant 4 : i32
    %dma_start3A_1143 = arith.constant 0 : i32
    %dma_start3A_1144 = arith.constant 0 : i32
    %dma_start3A_1145 = tpu.memref_slice %arg7[%dma_start3A_1141, %dma_start3A_1143, %dma_start3A_1144] : memref<5x128x128xf32, #tpu.memory_space<vmem>> -> memref<1x128x128xf32, #tpu.memory_space<vmem>>
    %dma_start3A_1146 = tpu.memref_squeeze %dma_start3A_1145 : memref<1x128x128xf32, #tpu.memory_space<vmem>> -> memref<128x128xf32, #tpu.memory_space<vmem>>
    %dma_start3A_1147 = arith.constant 0 : i32
    %dma_start3A_1148 = tpu.memref_slice %arg6[%dma_start3A_1140, %dma_start3A_1147] : memref<50x128xi32, #tpu.memory_space<vmem>> -> memref<1x128xi32, #tpu.memory_space<vmem>>
    %dma_start3A_1149 = tpu.memref_squeeze %dma_start3A_1148 : memref<1x128xi32, #tpu.memory_space<vmem>> -> memref<128xi32, #tpu.memory_space<vmem>>
    %dma_start3A_1150 = arith.constant 0 : i32
    %dma_start3A_1151 = arith.constant 0 : i32
    %dma_start3A_1152 = tpu.memref_slice %arg9[%dma_start3A_1150, %dma_start3A_1151] : memref<158x128xf32, #tpu.memory_space<vmem_shared>> -> memref<158x128xf32, #tpu.memory_space<vmem_shared>>
    %dma_start3A_1153 = tpu.memref_slice %arg10[%dma_start3A_1142] : memref<5x!tpu.dma_semaphore, #tpu.memory_space<semaphore_mem>> -> memref<1x!tpu.dma_semaphore, #tpu.memory_space<semaphore_mem>>
    %dma_start3A_1154 = tpu.memref_squeeze %dma_start3A_1153 : memref<1x!tpu.dma_semaphore, #tpu.memory_space<semaphore_mem>> -> memref<!tpu.dma_semaphore, #tpu.memory_space<semaphore_mem>>
    tpu.enqueue_indirect_dma source(%dma_start3A_1152 : memref<158x128xf32, #tpu.memory_space<vmem_shared>>) target(%dma_start3A_1146 : memref<128x128xf32, #tpu.memory_space<vmem>>) offsets(%dma_start3A_1149 : memref<128xi32, #tpu.memory_space<vmem>>) semaphore(%dma_start3A_1154 : memref<!tpu.dma_semaphore, #tpu.memory_space<semaphore_mem>>)
    %scan3A = arith.constant 0 : i32
    %scan3A_1155 = arith.constant 0 : i32
    %scan3A_1156 = arith.constant 10 : i32
    %scan3A_1157 = arith.addi %scan3A_1155, %scan3A_1156 : i32
    %scan3A_1158 = arith.constant 1 : i32
    %scan3A_1159 = scf.for %scan3A_1250 = %scan3A_1155 to %scan3A_1157 step %scan3A_1158 iter_args(%scan3A_1251 = %scan3A) -> (i32)  : i32 {
      %mul3A_1252 = arith.constant 5 : i32
      %mul3A_1253 = arith.muli %scan3A_1250, %mul3A_1252 : i32
      %add3A_1254 = arith.constant 0 : i32
      %add3A_1255 = arith.addi %mul3A_1253, %add3A_1254 : i32
      %dma_wait3A_1256 = arith.constant 0 : i32
      %dma_wait3A_1257 = arith.constant 0 : i32
      %dma_wait3A_1258 = arith.constant 0 : i32
      %dma_wait3A_1259 = arith.constant 0 : i32
      %dma_wait3A_1260 = tpu.memref_slice %arg7[%dma_wait3A_1256, %dma_wait3A_1258, %dma_wait3A_1259] : memref<5x128x128xf32, #tpu.memory_space<vmem>> -> memref<1x128x128xf32, #tpu.memory_space<vmem>>
      %dma_wait3A_1261 = tpu.memref_squeeze %dma_wait3A_1260 : memref<1x128x128xf32, #tpu.memory_space<vmem>> -> memref<128x128xf32, #tpu.memory_space<vmem>>
      %dma_wait3A_1262 = arith.constant 0 : i32
      %dma_wait3A_1263 = tpu.memref_slice %arg6[%add3A_1255, %dma_wait3A_1262] : memref<50x128xi32, #tpu.memory_space<vmem>> -> memref<1x128xi32, #tpu.memory_space<vmem>>
      %dma_wait3A_1264 = tpu.memref_squeeze %dma_wait3A_1263 : memref<1x128xi32, #tpu.memory_space<vmem>> -> memref<128xi32, #tpu.memory_space<vmem>>
      %dma_wait3A_1265 = arith.constant 0 : i32
      %dma_wait3A_1266 = arith.constant 0 : i32
      %dma_wait3A_1267 = tpu.memref_slice %arg9[%dma_wait3A_1265, %dma_wait3A_1266] : memref<158x128xf32, #tpu.memory_space<vmem_shared>> -> memref<158x128xf32, #tpu.memory_space<vmem_shared>>
      %dma_wait3A_1268 = tpu.memref_slice %arg10[%dma_wait3A_1257] : memref<5x!tpu.dma_semaphore, #tpu.memory_space<semaphore_mem>> -> memref<1x!tpu.dma_semaphore, #tpu.memory_space<semaphore_mem>>
      %dma_wait3A_1269 = tpu.memref_squeeze %dma_wait3A_1268 : memref<1x!tpu.dma_semaphore, #tpu.memory_space<semaphore_mem>> -> memref<!tpu.dma_semaphore, #tpu.memory_space<semaphore_mem>>
      tpu.wait_indirect_dma semaphore(%dma_wait3A_1269 : memref<!tpu.dma_semaphore, #tpu.memory_space<semaphore_mem>>) src(%dma_wait3A_1267 : memref<158x128xf32, #tpu.memory_space<vmem_shared>>) dst(%dma_wait3A_1261 : memref<128x128xf32, #tpu.memory_space<vmem>>)
      %mul3A_1270 = arith.constant 128 : i32
      %mul3A_1271 = arith.muli %add3A_1255, %mul3A_1270 : i32
      %add3A_1272 = arith.addi %mul3A_2, %mul3A_1271 : i32
      %dma_start3A_1273 = arith.constant 0 : i32
      %dma_start3A_1274 = arith.constant 0 : i32
      %dma_start3A_1275 = arith.constant 0 : i32
      %dma_start3A_1276 = arith.constant 0 : i32
      %dma_start3A_1277 = tpu.memref_slice %arg7[%dma_start3A_1273, %dma_start3A_1275, %dma_start3A_1276] : memref<5x128x128xf32, #tpu.memory_space<vmem>> -> memref<1x128x128xf32, #tpu.memory_space<vmem>>
      %dma_start3A_1278 = tpu.memref_squeeze %dma_start3A_1277 : memref<1x128x128xf32, #tpu.memory_space<vmem>> -> memref<128x128xf32, #tpu.memory_space<vmem>>
      %dma_start3A_1279 = arith.constant 0 : i32
      %dma_start3A_1280 = tpu.memref_slice %arg5[%add3A_1272, %dma_start3A_1279] : memref<204800x128xf32, #tpu.memory_space<hbm>> -> memref<128x128xf32, #tpu.memory_space<hbm>>
      %dma_start3A_1281 = tpu.memref_slice %arg11[%dma_start3A_1274] : memref<5x!tpu.dma_semaphore, #tpu.memory_space<semaphore_mem>> -> memref<1x!tpu.dma_semaphore, #tpu.memory_space<semaphore_mem>>
      %dma_start3A_1282 = tpu.memref_squeeze %dma_start3A_1281 : memref<1x!tpu.dma_semaphore, #tpu.memory_space<semaphore_mem>> -> memref<!tpu.dma_semaphore, #tpu.memory_space<semaphore_mem>>
      %dma_start3A_1283 = arith.constant 0 : i32
      %dma_start3A_1284 = tpu.memref_slice %arg5[%add3A_1272, %dma_start3A_1283] : memref<204800x128xf32, #tpu.memory_space<hbm>> -> memref<128x128xf32, #tpu.memory_space<hbm>>
      %dma_start3A_1285 = arith.constant 0 : i32
      %dma_start3A_1286 = arith.constant 0 : i32
      %dma_start3A_1287 = tpu.memref_slice %arg7[%dma_start3A_1273, %dma_start3A_1285, %dma_start3A_1286] : memref<5x128x128xf32, #tpu.memory_space<vmem>> -> memref<1x128x128xf32, #tpu.memory_space<vmem>>
      %dma_start3A_1288 = tpu.memref_squeeze %dma_start3A_1287 : memref<1x128x128xf32, #tpu.memory_space<vmem>> -> memref<128x128xf32, #tpu.memory_space<vmem>>
      tpu.enqueue_dma source(%dma_start3A_1288 : memref<128x128xf32, #tpu.memory_space<vmem>>) target(%dma_start3A_1284 : memref<128x128xf32, #tpu.memory_space<hbm>>) target_semaphore(%dma_start3A_1282 : memref<!tpu.dma_semaphore, #tpu.memory_space<semaphore_mem>>)
      %add3A_1289 = arith.constant 5 : i32
      %add3A_1290 = arith.addi %add3A_1255, %add3A_1289 : i32
      %lt3A_1291 = arith.constant 50 : i32
      %lt3A_1292 = arith.cmpi slt, %add3A_1290, %lt3A_1291 : i32
      %convert_element_type3A_1293 = arith.extui %lt3A_1292 : i1 to i32
      %cond3A_1294 = arith.constant 0 : i32
      %cond3A_1295 = arith.cmpi ne, %convert_element_type3A_1293, %cond3A_1294 : i32
      scf.if %cond3A_1295 {
        %mul3A_1473 = arith.constant 128 : i32
        %mul3A_1474 = arith.muli %add3A_1290, %mul3A_1473 : i32
        %add3A_1475 = arith.addi %mul3A_2, %mul3A_1474 : i32
        %add3A_1476 = arith.constant 0 : i32
        %add3A_1477 = arith.addi %add3A_1475, %add3A_1476 : i32
        %add3A_1478 = vector.broadcast %add3A_1477 : i32 to vector<16xi32>
        %add3A_1479 = arith.addi %add3A_1478, %iota3A : vector<16xi32>
        %rem3A_1480 = arith.constant 200 : i32
        %rem3A_1481 = vector.broadcast %rem3A_1480 : i32 to vector<16xi32>
        %rem3A_1482 = arith.remsi %add3A_1479, %rem3A_1481 : vector<16xi32>
        %get3A_1483 = arith.index_cast %add3A_1290 : i32 to index
        %get3A_1484 = arith.constant 0 : index
        %get3A_1485 = tpu.vector_load %arg6[%get3A_1483, %get3A_1484] {strides = array<i32>} : memref<50x128xi32, #tpu.memory_space<vmem>>, vector<1x16xi32>,
        %get3A_1486 = vector.shape_cast %get3A_1485 : vector<1x16xi32> to vector<16xi32>
        %lt3A_1487 = arith.cmpi slt, %rem3A_1482, %get3A_6 : vector<16xi32>
        %add3A_1488 = arith.constant 1 : i32
        %add3A_1489 = vector.broadcast %add3A_1488 : i32 to vector<16xi32>
        %add3A_1490 = arith.addi %get3A_1486, %add3A_1489 : vector<16xi32>
        %jit3A_1491 = arith.constant 0 : i32
        %broadcast_in_dim3A_1492 = vector.broadcast %jit3A_1491 : i32 to vector<16xi32>
        %select_n3A_1493 = arith.select %lt3A_1487, %add3A_1490, %broadcast_in_dim3A_1492 : vector<16xi1>, vector<16xi32>
        %swap3A_1494 = arith.index_cast %add3A_1290 : i32 to index
        %swap3A_1495 = arith.constant 0 : index
        %swap3A_1496 = tpu.vector_load %arg6[%swap3A_1494, %swap3A_1495] {strides = array<i32>} : memref<50x128xi32, #tpu.memory_space<vmem>>, vector<1x16xi32>,
        %swap3A_1497 = vector.shape_cast %swap3A_1496 : vector<1x16xi32> to vector<16xi32>
        %swap3A_1498 = vector.shape_cast %select_n3A_1493 : vector<16xi32> to vector<1x16xi32>
        tpu.vector_store %arg6[%swap3A_1494, %swap3A_1495], %swap3A_1498 {strides = array<i32>} : memref<50x128xi32, #tpu.memory_space<vmem>>, vector<1x16xi32>,
        %mul3A_1499 = arith.constant 128 : i32
        %mul3A_1500 = arith.muli %add3A_1290, %mul3A_1499 : i32
        %add3A_1501 = arith.addi %mul3A_2, %mul3A_1500 : i32
        %add3A_1502 = arith.constant 16 : i32
        %add3A_1503 = arith.addi %add3A_1501, %add3A_1502 : i32
        %add3A_1504 = vector.broadcast %add3A_1503 : i32 to vector<16xi32>
        %add3A_1505 = arith.addi %add3A_1504, %iota3A : vector<16xi32>
        %rem3A_1506 = arith.constant 200 : i32
        %rem3A_1507 = vector.broadcast %rem3A_1506 : i32 to vector<16xi32>
        %rem3A_1508 = arith.remsi %add3A_1505, %rem3A_1507 : vector<16xi32>
        %get3A_1509 = arith.index_cast %add3A_1290 : i32 to index
        %get3A_1510 = arith.constant 16 : index
        %get3A_1511 = tpu.vector_load %arg6[%get3A_1509, %get3A_1510] {strides = array<i32>} : memref<50x128xi32, #tpu.memory_space<vmem>>, vector<1x16xi32>,
        %get3A_1512 = vector.shape_cast %get3A_1511 : vector<1x16xi32> to vector<16xi32>
        %lt3A_1513 = arith.cmpi slt, %rem3A_1508, %get3A_6 : vector<16xi32>
        %add3A_1514 = arith.constant 1 : i32
        %add3A_1515 = vector.broadcast %add3A_1514 : i32 to vector<16xi32>
        %add3A_1516 = arith.addi %get3A_1512, %add3A_1515 : vector<16xi32>
        %jit3A_1517 = arith.constant 0 : i32
        %broadcast_in_dim3A_1518 = vector.broadcast %jit3A_1517 : i32 to vector<16xi32>
        %select_n3A_1519 = arith.select %lt3A_1513, %add3A_1516, %broadcast_in_dim3A_1518 : vector<16xi1>, vector<16xi32>
        %swap3A_1520 = arith.index_cast %add3A_1290 : i32 to index
        %swap3A_1521 = arith.constant 16 : index
        %swap3A_1522 = tpu.vector_load %arg6[%swap3A_1520, %swap3A_1521] {strides = array<i32>} : memref<50x128xi32, #tpu.memory_space<vmem>>, vector<1x16xi32>,
        %swap3A_1523 = vector.shape_cast %swap3A_1522 : vector<1x16xi32> to vector<16xi32>
        %swap3A_1524 = vector.shape_cast %select_n3A_1519 : vector<16xi32> to vector<1x16xi32>
        tpu.vector_store %arg6[%swap3A_1520, %swap3A_1521], %swap3A_1524 {strides = array<i32>} : memref<50x128xi32, #tpu.memory_space<vmem>>, vector<1x16xi32>,
        %mul3A_1525 = arith.constant 128 : i32
        %mul3A_1526 = arith.muli %add3A_1290, %mul3A_1525 : i32
        %add3A_1527 = arith.addi %mul3A_2, %mul3A_1526 : i32
        %add3A_1528 = arith.constant 32 : i32
        %add3A_1529 = arith.addi %add3A_1527, %add3A_1528 : i32
        %add3A_1530 = vector.broadcast %add3A_1529 : i32 to vector<16xi32>
        %add3A_1531 = arith.addi %add3A_1530, %iota3A : vector<16xi32>
        %rem3A_1532 = arith.constant 200 : i32
        %rem3A_1533 = vector.broadcast %rem3A_1532 : i32 to vector<16xi32>
        %rem3A_1534 = arith.remsi %add3A_1531, %rem3A_1533 : vector<16xi32>
        %get3A_1535 = arith.index_cast %add3A_1290 : i32 to index
        %get3A_1536 = arith.constant 32 : index
        %get3A_1537 = tpu.vector_load %arg6[%get3A_1535, %get3A_1536] {strides = array<i32>} : memref<50x128xi32, #tpu.memory_space<vmem>>, vector<1x16xi32>,
        %get3A_1538 = vector.shape_cast %get3A_1537 : vector<1x16xi32> to vector<16xi32>
        %lt3A_1539 = arith.cmpi slt, %rem3A_1534, %get3A_6 : vector<16xi32>
        %add3A_1540 = arith.constant 1 : i32
        %add3A_1541 = vector.broadcast %add3A_1540 : i32 to vector<16xi32>
        %add3A_1542 = arith.addi %get3A_1538, %add3A_1541 : vector<16xi32>
        %jit3A_1543 = arith.constant 0 : i32
        %broadcast_in_dim3A_1544 = vector.broadcast %jit3A_1543 : i32 to vector<16xi32>
        %select_n3A_1545 = arith.select %lt3A_1539, %add3A_1542, %broadcast_in_dim3A_1544 : vector<16xi1>, vector<16xi32>
        %swap3A_1546 = arith.index_cast %add3A_1290 : i32 to index
        %swap3A_1547 = arith.constant 32 : index
        %swap3A_1548 = tpu.vector_load %arg6[%swap3A_1546, %swap3A_1547] {strides = array<i32>} : memref<50x128xi32, #tpu.memory_space<vmem>>, vector<1x16xi32>,
        %swap3A_1549 = vector.shape_cast %swap3A_1548 : vector<1x16xi32> to vector<16xi32>
        %swap3A_1550 = vector.shape_cast %select_n3A_1545 : vector<16xi32> to vector<1x16xi32>
        tpu.vector_store %arg6[%swap3A_1546, %swap3A_1547], %swap3A_1550 {strides = array<i32>} : memref<50x128xi32, #tpu.memory_space<vmem>>, vector<1x16xi32>,
        %mul3A_1551 = arith.constant 128 : i32
        %mul3A_1552 = arith.muli %add3A_1290, %mul3A_1551 : i32
        %add3A_1553 = arith.addi %mul3A_2, %mul3A_1552 : i32
        %add3A_1554 = arith.constant 48 : i32
        %add3A_1555 = arith.addi %add3A_1553, %add3A_1554 : i32
        %add3A_1556 = vector.broadcast %add3A_1555 : i32 to vector<16xi32>
        %add3A_1557 = arith.addi %add3A_1556, %iota3A : vector<16xi32>
        %rem3A_1558 = arith.constant 200 : i32
        %rem3A_1559 = vector.broadcast %rem3A_1558 : i32 to vector<16xi32>
        %rem3A_1560 = arith.remsi %add3A_1557, %rem3A_1559 : vector<16xi32>
        %get3A_1561 = arith.index_cast %add3A_1290 : i32 to index
        %get3A_1562 = arith.constant 48 : index
        %get3A_1563 = tpu.vector_load %arg6[%get3A_1561, %get3A_1562] {strides = array<i32>} : memref<50x128xi32, #tpu.memory_space<vmem>>, vector<1x16xi32>,
        %get3A_1564 = vector.shape_cast %get3A_1563 : vector<1x16xi32> to vector<16xi32>
        %lt3A_1565 = arith.cmpi slt, %rem3A_1560, %get3A_6 : vector<16xi32>
        %add3A_1566 = arith.constant 1 : i32
        %add3A_1567 = vector.broadcast %add3A_1566 : i32 to vector<16xi32>
        %add3A_1568 = arith.addi %get3A_1564, %add3A_1567 : vector<16xi32>
        %jit3A_1569 = arith.constant 0 : i32
        %broadcast_in_dim3A_1570 = vector.broadcast %jit3A_1569 : i32 to vector<16xi32>
        %select_n3A_1571 = arith.select %lt3A_1565, %add3A_1568, %broadcast_in_dim3A_1570 : vector<16xi1>, vector<16xi32>
        %swap3A_1572 = arith.index_cast %add3A_1290 : i32 to index
        %swap3A_1573 = arith.constant 48 : index
        %swap3A_1574 = tpu.vector_load %arg6[%swap3A_1572, %swap3A_1573] {strides = array<i32>} : memref<50x128xi32, #tpu.memory_space<vmem>>, vector<1x16xi32>,
        %swap3A_1575 = vector.shape_cast %swap3A_1574 : vector<1x16xi32> to vector<16xi32>
        %swap3A_1576 = vector.shape_cast %select_n3A_1571 : vector<16xi32> to vector<1x16xi32>
        tpu.vector_store %arg6[%swap3A_1572, %swap3A_1573], %swap3A_1576 {strides = array<i32>} : memref<50x128xi32, #tpu.memory_space<vmem>>, vector<1x16xi32>,
        %mul3A_1577 = arith.constant 128 : i32
        %mul3A_1578 = arith.muli %add3A_1290, %mul3A_1577 : i32
        %add3A_1579 = arith.addi %mul3A_2, %mul3A_1578 : i32
        %add3A_1580 = arith.constant 64 : i32
        %add3A_1581 = arith.addi %add3A_1579, %add3A_1580 : i32
        %add3A_1582 = vector.broadcast %add3A_1581 : i32 to vector<16xi32>
        %add3A_1583 = arith.addi %add3A_1582, %iota3A : vector<16xi32>
        %rem3A_1584 = arith.constant 200 : i32
        %rem3A_1585 = vector.broadcast %rem3A_1584 : i32 to vector<16xi32>
        %rem3A_1586 = arith.remsi %add3A_1583, %rem3A_1585 : vector<16xi32>
        %get3A_1587 = arith.index_cast %add3A_1290 : i32 to index
        %get3A_1588 = arith.constant 64 : index
        %get3A_1589 = tpu.vector_load %arg6[%get3A_1587, %get3A_1588] {strides = array<i32>} : memref<50x128xi32, #tpu.memory_space<vmem>>, vector<1x16xi32>,
        %get3A_1590 = vector.shape_cast %get3A_1589 : vector<1x16xi32> to vector<16xi32>
        %lt3A_1591 = arith.cmpi slt, %rem3A_1586, %get3A_6 : vector<16xi32>
        %add3A_1592 = arith.constant 1 : i32
        %add3A_1593 = vector.broadcast %add3A_1592 : i32 to vector<16xi32>
        %add3A_1594 = arith.addi %get3A_1590, %add3A_1593 : vector<16xi32>
        %jit3A_1595 = arith.constant 0 : i32
        %broadcast_in_dim3A_1596 = vector.broadcast %jit3A_1595 : i32 to vector<16xi32>
        %select_n3A_1597 = arith.select %lt3A_1591, %add3A_1594, %broadcast_in_dim3A_1596 : vector<16xi1>, vector<16xi32>
        %swap3A_1598 = arith.index_cast %add3A_1290 : i32 to index
        %swap3A_1599 = arith.constant 64 : index
        %swap3A_1600 = tpu.vector_load %arg6[%swap3A_1598, %swap3A_1599] {strides = array<i32>} : memref<50x128xi32, #tpu.memory_space<vmem>>, vector<1x16xi32>,
        %swap3A_1601 = vector.shape_cast %swap3A_1600 : vector<1x16xi32> to vector<16xi32>
        %swap3A_1602 = vector.shape_cast %select_n3A_1597 : vector<16xi32> to vector<1x16xi32>
        tpu.vector_store %arg6[%swap3A_1598, %swap3A_1599], %swap3A_1602 {strides = array<i32>} : memref<50x128xi32, #tpu.memory_space<vmem>>, vector<1x16xi32>,
        %mul3A_1603 = arith.constant 128 : i32
        %mul3A_1604 = arith.muli %add3A_1290, %mul3A_1603 : i32
        %add3A_1605 = arith.addi %mul3A_2, %mul3A_1604 : i32
        %add3A_1606 = arith.constant 80 : i32
        %add3A_1607 = arith.addi %add3A_1605, %add3A_1606 : i32
        %add3A_1608 = vector.broadcast %add3A_1607 : i32 to vector<16xi32>
        %add3A_1609 = arith.addi %add3A_1608, %iota3A : vector<16xi32>
        %rem3A_1610 = arith.constant 200 : i32
        %rem3A_1611 = vector.broadcast %rem3A_1610 : i32 to vector<16xi32>
        %rem3A_1612 = arith.remsi %add3A_1609, %rem3A_1611 : vector<16xi32>
        %get3A_1613 = arith.index_cast %add3A_1290 : i32 to index
        %get3A_1614 = arith.constant 80 : index
        %get3A_1615 = tpu.vector_load %arg6[%get3A_1613, %get3A_1614] {strides = array<i32>} : memref<50x128xi32, #tpu.memory_space<vmem>>, vector<1x16xi32>,
        %get3A_1616 = vector.shape_cast %get3A_1615 : vector<1x16xi32> to vector<16xi32>
        %lt3A_1617 = arith.cmpi slt, %rem3A_1612, %get3A_6 : vector<16xi32>
        %add3A_1618 = arith.constant 1 : i32
        %add3A_1619 = vector.broadcast %add3A_1618 : i32 to vector<16xi32>
        %add3A_1620 = arith.addi %get3A_1616, %add3A_1619 : vector<16xi32>
        %jit3A_1621 = arith.constant 0 : i32
        %broadcast_in_dim3A_1622 = vector.broadcast %jit3A_1621 : i32 to vector<16xi32>
        %select_n3A_1623 = arith.select %lt3A_1617, %add3A_1620, %broadcast_in_dim3A_1622 : vector<16xi1>, vector<16xi32>
        %swap3A_1624 = arith.index_cast %add3A_1290 : i32 to index
        %swap3A_1625 = arith.constant 80 : index
        %swap3A_1626 = tpu.vector_load %arg6[%swap3A_1624, %swap3A_1625] {strides = array<i32>} : memref<50x128xi32, #tpu.memory_space<vmem>>, vector<1x16xi32>,
        %swap3A_1627 = vector.shape_cast %swap3A_1626 : vector<1x16xi32> to vector<16xi32>
        %swap3A_1628 = vector.shape_cast %select_n3A_1623 : vector<16xi32> to vector<1x16xi32>
        tpu.vector_store %arg6[%swap3A_1624, %swap3A_1625], %swap3A_1628 {strides = array<i32>} : memref<50x128xi32, #tpu.memory_space<vmem>>, vector<1x16xi32>,
        %mul3A_1629 = arith.constant 128 : i32
        %mul3A_1630 = arith.muli %add3A_1290, %mul3A_1629 : i32
        %add3A_1631 = arith.addi %mul3A_2, %mul3A_1630 : i32
        %add3A_1632 = arith.constant 96 : i32
        %add3A_1633 = arith.addi %add3A_1631, %add3A_1632 : i32
        %add3A_1634 = vector.broadcast %add3A_1633 : i32 to vector<16xi32>
        %add3A_1635 = arith.addi %add3A_1634, %iota3A : vector<16xi32>
        %rem3A_1636 = arith.constant 200 : i32
        %rem3A_1637 = vector.broadcast %rem3A_1636 : i32 to vector<16xi32>
        %rem3A_1638 = arith.remsi %add3A_1635, %rem3A_1637 : vector<16xi32>
        %get3A_1639 = arith.index_cast %add3A_1290 : i32 to index
        %get3A_1640 = arith.constant 96 : index
        %get3A_1641 = tpu.vector_load %arg6[%get3A_1639, %get3A_1640] {strides = array<i32>} : memref<50x128xi32, #tpu.memory_space<vmem>>, vector<1x16xi32>,
        %get3A_1642 = vector.shape_cast %get3A_1641 : vector<1x16xi32> to vector<16xi32>
        %lt3A_1643 = arith.cmpi slt, %rem3A_1638, %get3A_6 : vector<16xi32>
        %add3A_1644 = arith.constant 1 : i32
        %add3A_1645 = vector.broadcast %add3A_1644 : i32 to vector<16xi32>
        %add3A_1646 = arith.addi %get3A_1642, %add3A_1645 : vector<16xi32>
        %jit3A_1647 = arith.constant 0 : i32
        %broadcast_in_dim3A_1648 = vector.broadcast %jit3A_1647 : i32 to vector<16xi32>
        %select_n3A_1649 = arith.select %lt3A_1643, %add3A_1646, %broadcast_in_dim3A_1648 : vector<16xi1>, vector<16xi32>
        %swap3A_1650 = arith.index_cast %add3A_1290 : i32 to index
        %swap3A_1651 = arith.constant 96 : index
        %swap3A_1652 = tpu.vector_load %arg6[%swap3A_1650, %swap3A_1651] {strides = array<i32>} : memref<50x128xi32, #tpu.memory_space<vmem>>, vector<1x16xi32>,
        %swap3A_1653 = vector.shape_cast %swap3A_1652 : vector<1x16xi32> to vector<16xi32>
        %swap3A_1654 = vector.shape_cast %select_n3A_1649 : vector<16xi32> to vector<1x16xi32>
        tpu.vector_store %arg6[%swap3A_1650, %swap3A_1651], %swap3A_1654 {strides = array<i32>} : memref<50x128xi32, #tpu.memory_space<vmem>>, vector<1x16xi32>,
        %mul3A_1655 = arith.constant 128 : i32
        %mul3A_1656 = arith.muli %add3A_1290, %mul3A_1655 : i32
        %add3A_1657 = arith.addi %mul3A_2, %mul3A_1656 : i32
        %add3A_1658 = arith.constant 112 : i32
        %add3A_1659 = arith.addi %add3A_1657, %add3A_1658 : i32
        %add3A_1660 = vector.broadcast %add3A_1659 : i32 to vector<16xi32>
        %add3A_1661 = arith.addi %add3A_1660, %iota3A : vector<16xi32>
        %rem3A_1662 = arith.constant 200 : i32
        %rem3A_1663 = vector.broadcast %rem3A_1662 : i32 to vector<16xi32>
        %rem3A_1664 = arith.remsi %add3A_1661, %rem3A_1663 : vector<16xi32>
        %get3A_1665 = arith.index_cast %add3A_1290 : i32 to index
        %get3A_1666 = arith.constant 112 : index
        %get3A_1667 = tpu.vector_load %arg6[%get3A_1665, %get3A_1666] {strides = array<i32>} : memref<50x128xi32, #tpu.memory_space<vmem>>, vector<1x16xi32>,
        %get3A_1668 = vector.shape_cast %get3A_1667 : vector<1x16xi32> to vector<16xi32>
        %lt3A_1669 = arith.cmpi slt, %rem3A_1664, %get3A_6 : vector<16xi32>
        %add3A_1670 = arith.constant 1 : i32
        %add3A_1671 = vector.broadcast %add3A_1670 : i32 to vector<16xi32>
        %add3A_1672 = arith.addi %get3A_1668, %add3A_1671 : vector<16xi32>
        %jit3A_1673 = arith.constant 0 : i32
        %broadcast_in_dim3A_1674 = vector.broadcast %jit3A_1673 : i32 to vector<16xi32>
        %select_n3A_1675 = arith.select %lt3A_1669, %add3A_1672, %broadcast_in_dim3A_1674 : vector<16xi1>, vector<16xi32>
        %swap3A_1676 = arith.index_cast %add3A_1290 : i32 to index
        %swap3A_1677 = arith.constant 112 : index
        %swap3A_1678 = tpu.vector_load %arg6[%swap3A_1676, %swap3A_1677] {strides = array<i32>} : memref<50x128xi32, #tpu.memory_space<vmem>>, vector<1x16xi32>,
        %swap3A_1679 = vector.shape_cast %swap3A_1678 : vector<1x16xi32> to vector<16xi32>
        %swap3A_1680 = vector.shape_cast %select_n3A_1675 : vector<16xi32> to vector<1x16xi32>
        tpu.vector_store %arg6[%swap3A_1676, %swap3A_1677], %swap3A_1680 {strides = array<i32>} : memref<50x128xi32, #tpu.memory_space<vmem>>, vector<1x16xi32>,
        %mul3A_1681 = arith.constant 128 : i32
        %mul3A_1682 = arith.muli %add3A_1255, %mul3A_1681 : i32
        %add3A_1683 = arith.addi %mul3A_2, %mul3A_1682 : i32
        %dma_wait3A_1684 = arith.constant 0 : i32
        %dma_wait3A_1685 = arith.constant 0 : i32
        %dma_wait3A_1686 = arith.constant 0 : i32
        %dma_wait3A_1687 = arith.constant 0 : i32
        %dma_wait3A_1688 = tpu.memref_slice %arg7[%dma_wait3A_1684, %dma_wait3A_1686, %dma_wait3A_1687] : memref<5x128x128xf32, #tpu.memory_space<vmem>> -> memref<1x128x128xf32, #tpu.memory_space<vmem>>
        %dma_wait3A_1689 = tpu.memref_squeeze %dma_wait3A_1688 : memref<1x128x128xf32, #tpu.memory_space<vmem>> -> memref<128x128xf32, #tpu.memory_space<vmem>>
        %dma_wait3A_1690 = arith.constant 0 : i32
        %dma_wait3A_1691 = tpu.memref_slice %arg5[%add3A_1683, %dma_wait3A_1690] : memref<204800x128xf32, #tpu.memory_space<hbm>> -> memref<128x128xf32, #tpu.memory_space<hbm>>
        %dma_wait3A_1692 = tpu.memref_slice %arg11[%dma_wait3A_1685] : memref<5x!tpu.dma_semaphore, #tpu.memory_space<semaphore_mem>> -> memref<1x!tpu.dma_semaphore, #tpu.memory_space<semaphore_mem>>
        %dma_wait3A_1693 = tpu.memref_squeeze %dma_wait3A_1692 : memref<1x!tpu.dma_semaphore, #tpu.memory_space<semaphore_mem>> -> memref<!tpu.dma_semaphore, #tpu.memory_space<semaphore_mem>>
        %dma_wait3A_1694 = arith.constant 0 : i32
        %dma_wait3A_1695 = tpu.memref_slice %arg5[%add3A_1683, %dma_wait3A_1694] : memref<204800x128xf32, #tpu.memory_space<hbm>> -> memref<128x128xf32, #tpu.memory_space<hbm>>
        %dma_wait3A_1696 = arith.constant 0 : i32
        %dma_wait3A_1697 = arith.constant 0 : i32
        %dma_wait3A_1698 = tpu.memref_slice %arg7[%dma_wait3A_1684, %dma_wait3A_1696, %dma_wait3A_1697] : memref<5x128x128xf32, #tpu.memory_space<vmem>> -> memref<1x128x128xf32, #tpu.memory_space<vmem>>
        %dma_wait3A_1699 = tpu.memref_squeeze %dma_wait3A_1698 : memref<1x128x128xf32, #tpu.memory_space<vmem>> -> memref<128x128xf32, #tpu.memory_space<vmem>>
        tpu.wait_dma2 semaphore(%dma_wait3A_1693 : memref<!tpu.dma_semaphore, #tpu.memory_space<semaphore_mem>>) src(%dma_wait3A_1699 : memref<128x128xf32, #tpu.memory_space<vmem>>) dst(%dma_wait3A_1695 : memref<128x128xf32, #tpu.memory_space<hbm>>)
        %dma_start3A_1700 = arith.constant 0 : i32
        %dma_start3A_1701 = arith.constant 0 : i32
        %dma_start3A_1702 = arith.constant 0 : i32
        %dma_start3A_1703 = arith.constant 0 : i32
        %dma_start3A_1704 = tpu.memref_slice %arg7[%dma_start3A_1700, %dma_start3A_1702, %dma_start3A_1703] : memref<5x128x128xf32, #tpu.memory_space<vmem>> -> memref<1x128x128xf32, #tpu.memory_space<vmem>>
        %dma_start3A_1705 = tpu.memref_squeeze %dma_start3A_1704 : memref<1x128x128xf32, #tpu.memory_space<vmem>> -> memref<128x128xf32, #tpu.memory_space<vmem>>
        %dma_start3A_1706 = arith.constant 0 : i32
        %dma_start3A_1707 = tpu.memref_slice %arg6[%add3A_1290, %dma_start3A_1706] : memref<50x128xi32, #tpu.memory_space<vmem>> -> memref<1x128xi32, #tpu.memory_space<vmem>>
        %dma_start3A_1708 = tpu.memref_squeeze %dma_start3A_1707 : memref<1x128xi32, #tpu.memory_space<vmem>> -> memref<128xi32, #tpu.memory_space<vmem>>
        %dma_start3A_1709 = arith.constant 0 : i32
        %dma_start3A_1710 = arith.constant 0 : i32
        %dma_start3A_1711 = tpu.memref_slice %arg9[%dma_start3A_1709, %dma_start3A_1710] : memref<158x128xf32, #tpu.memory_space<vmem_shared>> -> memref<158x128xf32, #tpu.memory_space<vmem_shared>>
        %dma_start3A_1712 = tpu.memref_slice %arg10[%dma_start3A_1701] : memref<5x!tpu.dma_semaphore, #tpu.memory_space<semaphore_mem>> -> memref<1x!tpu.dma_semaphore, #tpu.memory_space<semaphore_mem>>
        %dma_start3A_1713 = tpu.memref_squeeze %dma_start3A_1712 : memref<1x!tpu.dma_semaphore, #tpu.memory_space<semaphore_mem>> -> memref<!tpu.dma_semaphore, #tpu.memory_space<semaphore_mem>>
        tpu.enqueue_indirect_dma source(%dma_start3A_1711 : memref<158x128xf32, #tpu.memory_space<vmem_shared>>) target(%dma_start3A_1705 : memref<128x128xf32, #tpu.memory_space<vmem>>) offsets(%dma_start3A_1708 : memref<128xi32, #tpu.memory_space<vmem>>) semaphore(%dma_start3A_1713 : memref<!tpu.dma_semaphore, #tpu.memory_space<semaphore_mem>>)
      } else {
      }
      %mul3A_1296 = arith.constant 5 : i32
      %mul3A_1297 = arith.muli %scan3A_1250, %mul3A_1296 : i32
      %add3A_1298 = arith.constant 1 : i32
      %add3A_1299 = arith.addi %mul3A_1297, %add3A_1298 : i32
      %dma_wait3A_1300 = arith.constant 1 : i32
      %dma_wait3A_1301 = arith.constant 1 : i32
      %dma_wait3A_1302 = arith.constant 0 : i32
      %dma_wait3A_1303 = arith.constant 0 : i32
      %dma_wait3A_1304 = tpu.memref_slice %arg7[%dma_wait3A_1300, %dma_wait3A_1302, %dma_wait3A_1303] : memref<5x128x128xf32, #tpu.memory_space<vmem>> -> memref<1x128x128xf32, #tpu.memory_space<vmem>>
      %dma_wait3A_1305 = tpu.memref_squeeze %dma_wait3A_1304 : memref<1x128x128xf32, #tpu.memory_space<vmem>> -> memref<128x128xf32, #tpu.memory_space<vmem>>
      %dma_wait3A_1306 = arith.constant 0 : i32
      %dma_wait3A_1307 = tpu.memref_slice %arg6[%add3A_1299, %dma_wait3A_1306] : memref<50x128xi32, #tpu.memory_space<vmem>> -> memref<1x128xi32, #tpu.memory_space<vmem>>
      %dma_wait3A_1308 = tpu.memref_squeeze %dma_wait3A_1307 : memref<1x128xi32, #tpu.memory_space<vmem>> -> memref<128xi32, #tpu.memory_space<vmem>>
      %dma_wait3A_1309 = arith.constant 0 : i32
      %dma_wait3A_1310 = arith.constant 0 : i32
      %dma_wait3A_1311 = tpu.memref_slice %arg9[%dma_wait3A_1309, %dma_wait3A_1310] : memref<158x128xf32, #tpu.memory_space<vmem_shared>> -> memref<158x128xf32, #tpu.memory_space<vmem_shared>>
      %dma_wait3A_1312 = tpu.memref_slice %arg10[%dma_wait3A_1301] : memref<5x!tpu.dma_semaphore, #tpu.memory_space<semaphore_mem>> -> memref<1x!tpu.dma_semaphore, #tpu.memory_space<semaphore_mem>>
      %dma_wait3A_1313 = tpu.memref_squeeze %dma_wait3A_1312 : memref<1x!tpu.dma_semaphore, #tpu.memory_space<semaphore_mem>> -> memref<!tpu.dma_semaphore, #tpu.memory_space<semaphore_mem>>
      tpu.wait_indirect_dma semaphore(%dma_wait3A_1313 : memref<!tpu.dma_semaphore, #tpu.memory_space<semaphore_mem>>) src(%dma_wait3A_1311 : memref<158x128xf32, #tpu.memory_space<vmem_shared>>) dst(%dma_wait3A_1305 : memref<128x128xf32, #tpu.memory_space<vmem>>)
      %mul3A_1314 = arith.constant 128 : i32
      %mul3A_1315 = arith.muli %add3A_1299, %mul3A_1314 : i32
      %add3A_1316 = arith.addi %mul3A_2, %mul3A_1315 : i32
      %dma_start3A_1317 = arith.constant 1 : i32
      %dma_start3A_1318 = arith.constant 1 : i32
      %dma_start3A_1319 = arith.constant 0 : i32
      %dma_start3A_1320 = arith.constant 0 : i32
      %dma_start3A_1321 = tpu.memref_slice %arg7[%dma_start3A_1317, %dma_start3A_1319, %dma_start3A_1320] : memref<5x128x128xf32, #tpu.memory_space<vmem>> -> memref<1x128x128xf32, #tpu.memory_space<vmem>>
      %dma_start3A_1322 = tpu.memref_squeeze %dma_start3A_1321 : memref<1x128x128xf32, #tpu.memory_space<vmem>> -> memref<128x128xf32, #tpu.memory_space<vmem>>
      %dma_start3A_1323 = arith.constant 0 : i32
      %dma_start3A_1324 = tpu.memref_slice %arg5[%add3A_1316, %dma_start3A_1323] : memref<204800x128xf32, #tpu.memory_space<hbm>> -> memref<128x128xf32, #tpu.memory_space<hbm>>
      %dma_start3A_1325 = tpu.memref_slice %arg11[%dma_start3A_1318] : memref<5x!tpu.dma_semaphore, #tpu.memory_space<semaphore_mem>> -> memref<1x!tpu.dma_semaphore, #tpu.memory_space<semaphore_mem>>
      %dma_start3A_1326 = tpu.memref_squeeze %dma_start3A_1325 : memref<1x!tpu.dma_semaphore, #tpu.memory_space<semaphore_mem>> -> memref<!tpu.dma_semaphore, #tpu.memory_space<semaphore_mem>>
      %dma_start3A_1327 = arith.constant 0 : i32
      %dma_start3A_1328 = tpu.memref_slice %arg5[%add3A_1316, %dma_start3A_1327] : memref<204800x128xf32, #tpu.memory_space<hbm>> -> memref<128x128xf32, #tpu.memory_space<hbm>>
      %dma_start3A_1329 = arith.constant 0 : i32
      %dma_start3A_1330 = arith.constant 0 : i32
      %dma_start3A_1331 = tpu.memref_slice %arg7[%dma_start3A_1317, %dma_start3A_1329, %dma_start3A_1330] : memref<5x128x128xf32, #tpu.memory_space<vmem>> -> memref<1x128x128xf32, #tpu.memory_space<vmem>>
      %dma_start3A_1332 = tpu.memref_squeeze %dma_start3A_1331 : memref<1x128x128xf32, #tpu.memory_space<vmem>> -> memref<128x128xf32, #tpu.memory_space<vmem>>
      tpu.enqueue_dma source(%dma_start3A_1332 : memref<128x128xf32, #tpu.memory_space<vmem>>) target(%dma_start3A_1328 : memref<128x128xf32, #tpu.memory_space<hbm>>) target_semaphore(%dma_start3A_1326 : memref<!tpu.dma_semaphore, #tpu.memory_space<semaphore_mem>>)
      %add3A_1333 = arith.constant 5 : i32
      %add3A_1334 = arith.addi %add3A_1299, %add3A_1333 : i32
      %lt3A_1335 = arith.constant 50 : i32
      %lt3A_1336 = arith.cmpi slt, %add3A_1334, %lt3A_1335 : i32
      %convert_element_type3A_1337 = arith.extui %lt3A_1336 : i1 to i32
      %cond3A_1338 = arith.constant 0 : i32
      %cond3A_1339 = arith.cmpi ne, %convert_element_type3A_1337, %cond3A_1338 : i32
      scf.if %cond3A_1339 {
        %mul3A_1473 = arith.constant 128 : i32
        %mul3A_1474 = arith.muli %add3A_1334, %mul3A_1473 : i32
        %add3A_1475 = arith.addi %mul3A_2, %mul3A_1474 : i32
        %add3A_1476 = arith.constant 0 : i32
        %add3A_1477 = arith.addi %add3A_1475, %add3A_1476 : i32
        %add3A_1478 = vector.broadcast %add3A_1477 : i32 to vector<16xi32>
        %add3A_1479 = arith.addi %add3A_1478, %iota3A : vector<16xi32>
        %rem3A_1480 = arith.constant 200 : i32
        %rem3A_1481 = vector.broadcast %rem3A_1480 : i32 to vector<16xi32>
        %rem3A_1482 = arith.remsi %add3A_1479, %rem3A_1481 : vector<16xi32>
        %get3A_1483 = arith.index_cast %add3A_1334 : i32 to index
        %get3A_1484 = arith.constant 0 : index
        %get3A_1485 = tpu.vector_load %arg6[%get3A_1483, %get3A_1484] {strides = array<i32>} : memref<50x128xi32, #tpu.memory_space<vmem>>, vector<1x16xi32>,
        %get3A_1486 = vector.shape_cast %get3A_1485 : vector<1x16xi32> to vector<16xi32>
        %lt3A_1487 = arith.cmpi slt, %rem3A_1482, %get3A_6 : vector<16xi32>
        %add3A_1488 = arith.constant 1 : i32
        %add3A_1489 = vector.broadcast %add3A_1488 : i32 to vector<16xi32>
        %add3A_1490 = arith.addi %get3A_1486, %add3A_1489 : vector<16xi32>
        %jit3A_1491 = arith.constant 0 : i32
        %broadcast_in_dim3A_1492 = vector.broadcast %jit3A_1491 : i32 to vector<16xi32>
        %select_n3A_1493 = arith.select %lt3A_1487, %add3A_1490, %broadcast_in_dim3A_1492 : vector<16xi1>, vector<16xi32>
        %swap3A_1494 = arith.index_cast %add3A_1334 : i32 to index
        %swap3A_1495 = arith.constant 0 : index
        %swap3A_1496 = tpu.vector_load %arg6[%swap3A_1494, %swap3A_1495] {strides = array<i32>} : memref<50x128xi32, #tpu.memory_space<vmem>>, vector<1x16xi32>,
        %swap3A_1497 = vector.shape_cast %swap3A_1496 : vector<1x16xi32> to vector<16xi32>
        %swap3A_1498 = vector.shape_cast %select_n3A_1493 : vector<16xi32> to vector<1x16xi32>
        tpu.vector_store %arg6[%swap3A_1494, %swap3A_1495], %swap3A_1498 {strides = array<i32>} : memref<50x128xi32, #tpu.memory_space<vmem>>, vector<1x16xi32>,
        %mul3A_1499 = arith.constant 128 : i32
        %mul3A_1500 = arith.muli %add3A_1334, %mul3A_1499 : i32
        %add3A_1501 = arith.addi %mul3A_2, %mul3A_1500 : i32
        %add3A_1502 = arith.constant 16 : i32
        %add3A_1503 = arith.addi %add3A_1501, %add3A_1502 : i32
        %add3A_1504 = vector.broadcast %add3A_1503 : i32 to vector<16xi32>
        %add3A_1505 = arith.addi %add3A_1504, %iota3A : vector<16xi32>
        %rem3A_1506 = arith.constant 200 : i32
        %rem3A_1507 = vector.broadcast %rem3A_1506 : i32 to vector<16xi32>
        %rem3A_1508 = arith.remsi %add3A_1505, %rem3A_1507 : vector<16xi32>
        %get3A_1509 = arith.index_cast %add3A_1334 : i32 to index
        %get3A_1510 = arith.constant 16 : index
        %get3A_1511 = tpu.vector_load %arg6[%get3A_1509, %get3A_1510] {strides = array<i32>} : memref<50x128xi32, #tpu.memory_space<vmem>>, vector<1x16xi32>,
        %get3A_1512 = vector.shape_cast %get3A_1511 : vector<1x16xi32> to vector<16xi32>
        %lt3A_1513 = arith.cmpi slt, %rem3A_1508, %get3A_6 : vector<16xi32>
        %add3A_1514 = arith.constant 1 : i32
        %add3A_1515 = vector.broadcast %add3A_1514 : i32 to vector<16xi32>
        %add3A_1516 = arith.addi %get3A_1512, %add3A_1515 : vector<16xi32>
        %jit3A_1517 = arith.constant 0 : i32
        %broadcast_in_dim3A_1518 = vector.broadcast %jit3A_1517 : i32 to vector<16xi32>
        %select_n3A_1519 = arith.select %lt3A_1513, %add3A_1516, %broadcast_in_dim3A_1518 : vector<16xi1>, vector<16xi32>
        %swap3A_1520 = arith.index_cast %add3A_1334 : i32 to index
        %swap3A_1521 = arith.constant 16 : index
        %swap3A_1522 = tpu.vector_load %arg6[%swap3A_1520, %swap3A_1521] {strides = array<i32>} : memref<50x128xi32, #tpu.memory_space<vmem>>, vector<1x16xi32>,
        %swap3A_1523 = vector.shape_cast %swap3A_1522 : vector<1x16xi32> to vector<16xi32>
        %swap3A_1524 = vector.shape_cast %select_n3A_1519 : vector<16xi32> to vector<1x16xi32>
        tpu.vector_store %arg6[%swap3A_1520, %swap3A_1521], %swap3A_1524 {strides = array<i32>} : memref<50x128xi32, #tpu.memory_space<vmem>>, vector<1x16xi32>,
        %mul3A_1525 = arith.constant 128 : i32
        %mul3A_1526 = arith.muli %add3A_1334, %mul3A_1525 : i32
        %add3A_1527 = arith.addi %mul3A_2, %mul3A_1526 : i32
        %add3A_1528 = arith.constant 32 : i32
        %add3A_1529 = arith.addi %add3A_1527, %add3A_1528 : i32
        %add3A_1530 = vector.broadcast %add3A_1529 : i32 to vector<16xi32>
        %add3A_1531 = arith.addi %add3A_1530, %iota3A : vector<16xi32>
        %rem3A_1532 = arith.constant 200 : i32
        %rem3A_1533 = vector.broadcast %rem3A_1532 : i32 to vector<16xi32>
        %rem3A_1534 = arith.remsi %add3A_1531, %rem3A_1533 : vector<16xi32>
        %get3A_1535 = arith.index_cast %add3A_1334 : i32 to index
        %get3A_1536 = arith.constant 32 : index
        %get3A_1537 = tpu.vector_load %arg6[%get3A_1535, %get3A_1536] {strides = array<i32>} : memref<50x128xi32, #tpu.memory_space<vmem>>, vector<1x16xi32>,
        %get3A_1538 = vector.shape_cast %get3A_1537 : vector<1x16xi32> to vector<16xi32>
        %lt3A_1539 = arith.cmpi slt, %rem3A_1534, %get3A_6 : vector<16xi32>
        %add3A_1540 = arith.constant 1 : i32
        %add3A_1541 = vector.broadcast %add3A_1540 : i32 to vector<16xi32>
        %add3A_1542 = arith.addi %get3A_1538, %add3A_1541 : vector<16xi32>
        %jit3A_1543 = arith.constant 0 : i32
        %broadcast_in_dim3A_1544 = vector.broadcast %jit3A_1543 : i32 to vector<16xi32>
        %select_n3A_1545 = arith.select %lt3A_1539, %add3A_1542, %broadcast_in_dim3A_1544 : vector<16xi1>, vector<16xi32>
        %swap3A_1546 = arith.index_cast %add3A_1334 : i32 to index
        %swap3A_1547 = arith.constant 32 : index
        %swap3A_1548 = tpu.vector_load %arg6[%swap3A_1546, %swap3A_1547] {strides = array<i32>} : memref<50x128xi32, #tpu.memory_space<vmem>>, vector<1x16xi32>,
        %swap3A_1549 = vector.shape_cast %swap3A_1548 : vector<1x16xi32> to vector<16xi32>
        %swap3A_1550 = vector.shape_cast %select_n3A_1545 : vector<16xi32> to vector<1x16xi32>
        tpu.vector_store %arg6[%swap3A_1546, %swap3A_1547], %swap3A_1550 {strides = array<i32>} : memref<50x128xi32, #tpu.memory_space<vmem>>, vector<1x16xi32>,
        %mul3A_1551 = arith.constant 128 : i32
        %mul3A_1552 = arith.muli %add3A_1334, %mul3A_1551 : i32
        %add3A_1553 = arith.addi %mul3A_2, %mul3A_1552 : i32
        %add3A_1554 = arith.constant 48 : i32
        %add3A_1555 = arith.addi %add3A_1553, %add3A_1554 : i32
        %add3A_1556 = vector.broadcast %add3A_1555 : i32 to vector<16xi32>
        %add3A_1557 = arith.addi %add3A_1556, %iota3A : vector<16xi32>
        %rem3A_1558 = arith.constant 200 : i32
        %rem3A_1559 = vector.broadcast %rem3A_1558 : i32 to vector<16xi32>
        %rem3A_1560 = arith.remsi %add3A_1557, %rem3A_1559 : vector<16xi32>
        %get3A_1561 = arith.index_cast %add3A_1334 : i32 to index
        %get3A_1562 = arith.constant 48 : index
        %get3A_1563 = tpu.vector_load %arg6[%get3A_1561, %get3A_1562] {strides = array<i32>} : memref<50x128xi32, #tpu.memory_space<vmem>>, vector<1x16xi32>,
        %get3A_1564 = vector.shape_cast %get3A_1563 : vector<1x16xi32> to vector<16xi32>
        %lt3A_1565 = arith.cmpi slt, %rem3A_1560, %get3A_6 : vector<16xi32>
        %add3A_1566 = arith.constant 1 : i32
        %add3A_1567 = vector.broadcast %add3A_1566 : i32 to vector<16xi32>
        %add3A_1568 = arith.addi %get3A_1564, %add3A_1567 : vector<16xi32>
        %jit3A_1569 = arith.constant 0 : i32
        %broadcast_in_dim3A_1570 = vector.broadcast %jit3A_1569 : i32 to vector<16xi32>
        %select_n3A_1571 = arith.select %lt3A_1565, %add3A_1568, %broadcast_in_dim3A_1570 : vector<16xi1>, vector<16xi32>
        %swap3A_1572 = arith.index_cast %add3A_1334 : i32 to index
        %swap3A_1573 = arith.constant 48 : index
        %swap3A_1574 = tpu.vector_load %arg6[%swap3A_1572, %swap3A_1573] {strides = array<i32>} : memref<50x128xi32, #tpu.memory_space<vmem>>, vector<1x16xi32>,
        %swap3A_1575 = vector.shape_cast %swap3A_1574 : vector<1x16xi32> to vector<16xi32>
        %swap3A_1576 = vector.shape_cast %select_n3A_1571 : vector<16xi32> to vector<1x16xi32>
        tpu.vector_store %arg6[%swap3A_1572, %swap3A_1573], %swap3A_1576 {strides = array<i32>} : memref<50x128xi32, #tpu.memory_space<vmem>>, vector<1x16xi32>,
        %mul3A_1577 = arith.constant 128 : i32
        %mul3A_1578 = arith.muli %add3A_1334, %mul3A_1577 : i32
        %add3A_1579 = arith.addi %mul3A_2, %mul3A_1578 : i32
        %add3A_1580 = arith.constant 64 : i32
        %add3A_1581 = arith.addi %add3A_1579, %add3A_1580 : i32
        %add3A_1582 = vector.broadcast %add3A_1581 : i32 to vector<16xi32>
        %add3A_1583 = arith.addi %add3A_1582, %iota3A : vector<16xi32>
        %rem3A_1584 = arith.constant 200 : i32
        %rem3A_1585 = vector.broadcast %rem3A_1584 : i32 to vector<16xi32>
        %rem3A_1586 = arith.remsi %add3A_1583, %rem3A_1585 : vector<16xi32>
        %get3A_1587 = arith.index_cast %add3A_1334 : i32 to index
        %get3A_1588 = arith.constant 64 : index
        %get3A_1589 = tpu.vector_load %arg6[%get3A_1587, %get3A_1588] {strides = array<i32>} : memref<50x128xi32, #tpu.memory_space<vmem>>, vector<1x16xi32>,
        %get3A_1590 = vector.shape_cast %get3A_1589 : vector<1x16xi32> to vector<16xi32>
        %lt3A_1591 = arith.cmpi slt, %rem3A_1586, %get3A_6 : vector<16xi32>
        %add3A_1592 = arith.constant 1 : i32
        %add3A_1593 = vector.broadcast %add3A_1592 : i32 to vector<16xi32>
        %add3A_1594 = arith.addi %get3A_1590, %add3A_1593 : vector<16xi32>
        %jit3A_1595 = arith.constant 0 : i32
        %broadcast_in_dim3A_1596 = vector.broadcast %jit3A_1595 : i32 to vector<16xi32>
        %select_n3A_1597 = arith.select %lt3A_1591, %add3A_1594, %broadcast_in_dim3A_1596 : vector<16xi1>, vector<16xi32>
        %swap3A_1598 = arith.index_cast %add3A_1334 : i32 to index
        %swap3A_1599 = arith.constant 64 : index
        %swap3A_1600 = tpu.vector_load %arg6[%swap3A_1598, %swap3A_1599] {strides = array<i32>} : memref<50x128xi32, #tpu.memory_space<vmem>>, vector<1x16xi32>,
        %swap3A_1601 = vector.shape_cast %swap3A_1600 : vector<1x16xi32> to vector<16xi32>
        %swap3A_1602 = vector.shape_cast %select_n3A_1597 : vector<16xi32> to vector<1x16xi32>
        tpu.vector_store %arg6[%swap3A_1598, %swap3A_1599], %swap3A_1602 {strides = array<i32>} : memref<50x128xi32, #tpu.memory_space<vmem>>, vector<1x16xi32>,
        %mul3A_1603 = arith.constant 128 : i32
        %mul3A_1604 = arith.muli %add3A_1334, %mul3A_1603 : i32
        %add3A_1605 = arith.addi %mul3A_2, %mul3A_1604 : i32
        %add3A_1606 = arith.constant 80 : i32
        %add3A_1607 = arith.addi %add3A_1605, %add3A_1606 : i32
        %add3A_1608 = vector.broadcast %add3A_1607 : i32 to vector<16xi32>
        %add3A_1609 = arith.addi %add3A_1608, %iota3A : vector<16xi32>
        %rem3A_1610 = arith.constant 200 : i32
        %rem3A_1611 = vector.broadcast %rem3A_1610 : i32 to vector<16xi32>
        %rem3A_1612 = arith.remsi %add3A_1609, %rem3A_1611 : vector<16xi32>
        %get3A_1613 = arith.index_cast %add3A_1334 : i32 to index
        %get3A_1614 = arith.constant 80 : index
        %get3A_1615 = tpu.vector_load %arg6[%get3A_1613, %get3A_1614] {strides = array<i32>} : memref<50x128xi32, #tpu.memory_space<vmem>>, vector<1x16xi32>,
        %get3A_1616 = vector.shape_cast %get3A_1615 : vector<1x16xi32> to vector<16xi32>
        %lt3A_1617 = arith.cmpi slt, %rem3A_1612, %get3A_6 : vector<16xi32>
        %add3A_1618 = arith.constant 1 : i32
        %add3A_1619 = vector.broadcast %add3A_1618 : i32 to vector<16xi32>
        %add3A_1620 = arith.addi %get3A_1616, %add3A_1619 : vector<16xi32>
        %jit3A_1621 = arith.constant 0 : i32
        %broadcast_in_dim3A_1622 = vector.broadcast %jit3A_1621 : i32 to vector<16xi32>
        %select_n3A_1623 = arith.select %lt3A_1617, %add3A_1620, %broadcast_in_dim3A_1622 : vector<16xi1>, vector<16xi32>
        %swap3A_1624 = arith.index_cast %add3A_1334 : i32 to index
        %swap3A_1625 = arith.constant 80 : index
        %swap3A_1626 = tpu.vector_load %arg6[%swap3A_1624, %swap3A_1625] {strides = array<i32>} : memref<50x128xi32, #tpu.memory_space<vmem>>, vector<1x16xi32>,
        %swap3A_1627 = vector.shape_cast %swap3A_1626 : vector<1x16xi32> to vector<16xi32>
        %swap3A_1628 = vector.shape_cast %select_n3A_1623 : vector<16xi32> to vector<1x16xi32>
        tpu.vector_store %arg6[%swap3A_1624, %swap3A_1625], %swap3A_1628 {strides = array<i32>} : memref<50x128xi32, #tpu.memory_space<vmem>>, vector<1x16xi32>,
        %mul3A_1629 = arith.constant 128 : i32
        %mul3A_1630 = arith.muli %add3A_1334, %mul3A_1629 : i32
        %add3A_1631 = arith.addi %mul3A_2, %mul3A_1630 : i32
        %add3A_1632 = arith.constant 96 : i32
        %add3A_1633 = arith.addi %add3A_1631, %add3A_1632 : i32
        %add3A_1634 = vector.broadcast %add3A_1633 : i32 to vector<16xi32>
        %add3A_1635 = arith.addi %add3A_1634, %iota3A : vector<16xi32>
        %rem3A_1636 = arith.constant 200 : i32
        %rem3A_1637 = vector.broadcast %rem3A_1636 : i32 to vector<16xi32>
        %rem3A_1638 = arith.remsi %add3A_1635, %rem3A_1637 : vector<16xi32>
        %get3A_1639 = arith.index_cast %add3A_1334 : i32 to index
        %get3A_1640 = arith.constant 96 : index
        %get3A_1641 = tpu.vector_load %arg6[%get3A_1639, %get3A_1640] {strides = array<i32>} : memref<50x128xi32, #tpu.memory_space<vmem>>, vector<1x16xi32>,
        %get3A_1642 = vector.shape_cast %get3A_1641 : vector<1x16xi32> to vector<16xi32>
        %lt3A_1643 = arith.cmpi slt, %rem3A_1638, %get3A_6 : vector<16xi32>
        %add3A_1644 = arith.constant 1 : i32
        %add3A_1645 = vector.broadcast %add3A_1644 : i32 to vector<16xi32>
        %add3A_1646 = arith.addi %get3A_1642, %add3A_1645 : vector<16xi32>
        %jit3A_1647 = arith.constant 0 : i32
        %broadcast_in_dim3A_1648 = vector.broadcast %jit3A_1647 : i32 to vector<16xi32>
        %select_n3A_1649 = arith.select %lt3A_1643, %add3A_1646, %broadcast_in_dim3A_1648 : vector<16xi1>, vector<16xi32>
        %swap3A_1650 = arith.index_cast %add3A_1334 : i32 to index
        %swap3A_1651 = arith.constant 96 : index
        %swap3A_1652 = tpu.vector_load %arg6[%swap3A_1650, %swap3A_1651] {strides = array<i32>} : memref<50x128xi32, #tpu.memory_space<vmem>>, vector<1x16xi32>,
        %swap3A_1653 = vector.shape_cast %swap3A_1652 : vector<1x16xi32> to vector<16xi32>
        %swap3A_1654 = vector.shape_cast %select_n3A_1649 : vector<16xi32> to vector<1x16xi32>
        tpu.vector_store %arg6[%swap3A_1650, %swap3A_1651], %swap3A_1654 {strides = array<i32>} : memref<50x128xi32, #tpu.memory_space<vmem>>, vector<1x16xi32>,
        %mul3A_1655 = arith.constant 128 : i32
        %mul3A_1656 = arith.muli %add3A_1334, %mul3A_1655 : i32
        %add3A_1657 = arith.addi %mul3A_2, %mul3A_1656 : i32
        %add3A_1658 = arith.constant 112 : i32
        %add3A_1659 = arith.addi %add3A_1657, %add3A_1658 : i32
        %add3A_1660 = vector.broadcast %add3A_1659 : i32 to vector<16xi32>
        %add3A_1661 = arith.addi %add3A_1660, %iota3A : vector<16xi32>
        %rem3A_1662 = arith.constant 200 : i32
        %rem3A_1663 = vector.broadcast %rem3A_1662 : i32 to vector<16xi32>
        %rem3A_1664 = arith.remsi %add3A_1661, %rem3A_1663 : vector<16xi32>
        %get3A_1665 = arith.index_cast %add3A_1334 : i32 to index
        %get3A_1666 = arith.constant 112 : index
        %get3A_1667 = tpu.vector_load %arg6[%get3A_1665, %get3A_1666] {strides = array<i32>} : memref<50x128xi32, #tpu.memory_space<vmem>>, vector<1x16xi32>,
        %get3A_1668 = vector.shape_cast %get3A_1667 : vector<1x16xi32> to vector<16xi32>
        %lt3A_1669 = arith.cmpi slt, %rem3A_1664, %get3A_6 : vector<16xi32>
        %add3A_1670 = arith.constant 1 : i32
        %add3A_1671 = vector.broadcast %add3A_1670 : i32 to vector<16xi32>
        %add3A_1672 = arith.addi %get3A_1668, %add3A_1671 : vector<16xi32>
        %jit3A_1673 = arith.constant 0 : i32
        %broadcast_in_dim3A_1674 = vector.broadcast %jit3A_1673 : i32 to vector<16xi32>
        %select_n3A_1675 = arith.select %lt3A_1669, %add3A_1672, %broadcast_in_dim3A_1674 : vector<16xi1>, vector<16xi32>
        %swap3A_1676 = arith.index_cast %add3A_1334 : i32 to index
        %swap3A_1677 = arith.constant 112 : index
        %swap3A_1678 = tpu.vector_load %arg6[%swap3A_1676, %swap3A_1677] {strides = array<i32>} : memref<50x128xi32, #tpu.memory_space<vmem>>, vector<1x16xi32>,
        %swap3A_1679 = vector.shape_cast %swap3A_1678 : vector<1x16xi32> to vector<16xi32>
        %swap3A_1680 = vector.shape_cast %select_n3A_1675 : vector<16xi32> to vector<1x16xi32>
        tpu.vector_store %arg6[%swap3A_1676, %swap3A_1677], %swap3A_1680 {strides = array<i32>} : memref<50x128xi32, #tpu.memory_space<vmem>>, vector<1x16xi32>,
        %mul3A_1681 = arith.constant 128 : i32
        %mul3A_1682 = arith.muli %add3A_1299, %mul3A_1681 : i32
        %add3A_1683 = arith.addi %mul3A_2, %mul3A_1682 : i32
        %dma_wait3A_1684 = arith.constant 1 : i32
        %dma_wait3A_1685 = arith.constant 1 : i32
        %dma_wait3A_1686 = arith.constant 0 : i32
        %dma_wait3A_1687 = arith.constant 0 : i32
        %dma_wait3A_1688 = tpu.memref_slice %arg7[%dma_wait3A_1684, %dma_wait3A_1686, %dma_wait3A_1687] : memref<5x128x128xf32, #tpu.memory_space<vmem>> -> memref<1x128x128xf32, #tpu.memory_space<vmem>>
        %dma_wait3A_1689 = tpu.memref_squeeze %dma_wait3A_1688 : memref<1x128x128xf32, #tpu.memory_space<vmem>> -> memref<128x128xf32, #tpu.memory_space<vmem>>
        %dma_wait3A_1690 = arith.constant 0 : i32
        %dma_wait3A_1691 = tpu.memref_slice %arg5[%add3A_1683, %dma_wait3A_1690] : memref<204800x128xf32, #tpu.memory_space<hbm>> -> memref<128x128xf32, #tpu.memory_space<hbm>>
        %dma_wait3A_1692 = tpu.memref_slice %arg11[%dma_wait3A_1685] : memref<5x!tpu.dma_semaphore, #tpu.memory_space<semaphore_mem>> -> memref<1x!tpu.dma_semaphore, #tpu.memory_space<semaphore_mem>>
        %dma_wait3A_1693 = tpu.memref_squeeze %dma_wait3A_1692 : memref<1x!tpu.dma_semaphore, #tpu.memory_space<semaphore_mem>> -> memref<!tpu.dma_semaphore, #tpu.memory_space<semaphore_mem>>
        %dma_wait3A_1694 = arith.constant 0 : i32
        %dma_wait3A_1695 = tpu.memref_slice %arg5[%add3A_1683, %dma_wait3A_1694] : memref<204800x128xf32, #tpu.memory_space<hbm>> -> memref<128x128xf32, #tpu.memory_space<hbm>>
        %dma_wait3A_1696 = arith.constant 0 : i32
        %dma_wait3A_1697 = arith.constant 0 : i32
        %dma_wait3A_1698 = tpu.memref_slice %arg7[%dma_wait3A_1684, %dma_wait3A_1696, %dma_wait3A_1697] : memref<5x128x128xf32, #tpu.memory_space<vmem>> -> memref<1x128x128xf32, #tpu.memory_space<vmem>>
        %dma_wait3A_1699 = tpu.memref_squeeze %dma_wait3A_1698 : memref<1x128x128xf32, #tpu.memory_space<vmem>> -> memref<128x128xf32, #tpu.memory_space<vmem>>
        tpu.wait_dma2 semaphore(%dma_wait3A_1693 : memref<!tpu.dma_semaphore, #tpu.memory_space<semaphore_mem>>) src(%dma_wait3A_1699 : memref<128x128xf32, #tpu.memory_space<vmem>>) dst(%dma_wait3A_1695 : memref<128x128xf32, #tpu.memory_space<hbm>>)
        %dma_start3A_1700 = arith.constant 1 : i32
        %dma_start3A_1701 = arith.constant 1 : i32
        %dma_start3A_1702 = arith.constant 0 : i32
        %dma_start3A_1703 = arith.constant 0 : i32
        %dma_start3A_1704 = tpu.memref_slice %arg7[%dma_start3A_1700, %dma_start3A_1702, %dma_start3A_1703] : memref<5x128x128xf32, #tpu.memory_space<vmem>> -> memref<1x128x128xf32, #tpu.memory_space<vmem>>
        %dma_start3A_1705 = tpu.memref_squeeze %dma_start3A_1704 : memref<1x128x128xf32, #tpu.memory_space<vmem>> -> memref<128x128xf32, #tpu.memory_space<vmem>>
        %dma_start3A_1706 = arith.constant 0 : i32
        %dma_start3A_1707 = tpu.memref_slice %arg6[%add3A_1334, %dma_start3A_1706] : memref<50x128xi32, #tpu.memory_space<vmem>> -> memref<1x128xi32, #tpu.memory_space<vmem>>
        %dma_start3A_1708 = tpu.memref_squeeze %dma_start3A_1707 : memref<1x128xi32, #tpu.memory_space<vmem>> -> memref<128xi32, #tpu.memory_space<vmem>>
        %dma_start3A_1709 = arith.constant 0 : i32
        %dma_start3A_1710 = arith.constant 0 : i32
        %dma_start3A_1711 = tpu.memref_slice %arg9[%dma_start3A_1709, %dma_start3A_1710] : memref<158x128xf32, #tpu.memory_space<vmem_shared>> -> memref<158x128xf32, #tpu.memory_space<vmem_shared>>
        %dma_start3A_1712 = tpu.memref_slice %arg10[%dma_start3A_1701] : memref<5x!tpu.dma_semaphore, #tpu.memory_space<semaphore_mem>> -> memref<1x!tpu.dma_semaphore, #tpu.memory_space<semaphore_mem>>
        %dma_start3A_1713 = tpu.memref_squeeze %dma_start3A_1712 : memref<1x!tpu.dma_semaphore, #tpu.memory_space<semaphore_mem>> -> memref<!tpu.dma_semaphore, #tpu.memory_space<semaphore_mem>>
        tpu.enqueue_indirect_dma source(%dma_start3A_1711 : memref<158x128xf32, #tpu.memory_space<vmem_shared>>) target(%dma_start3A_1705 : memref<128x128xf32, #tpu.memory_space<vmem>>) offsets(%dma_start3A_1708 : memref<128xi32, #tpu.memory_space<vmem>>) semaphore(%dma_start3A_1713 : memref<!tpu.dma_semaphore, #tpu.memory_space<semaphore_mem>>)
      } else {
      }
      %mul3A_1340 = arith.constant 5 : i32
      %mul3A_1341 = arith.muli %scan3A_1250, %mul3A_1340 : i32
      %add3A_1342 = arith.constant 2 : i32
      %add3A_1343 = arith.addi %mul3A_1341, %add3A_1342 : i32
      %dma_wait3A_1344 = arith.constant 2 : i32
      %dma_wait3A_1345 = arith.constant 2 : i32
      %dma_wait3A_1346 = arith.constant 0 : i32
      %dma_wait3A_1347 = arith.constant 0 : i32
      %dma_wait3A_1348 = tpu.memref_slice %arg7[%dma_wait3A_1344, %dma_wait3A_1346, %dma_wait3A_1347] : memref<5x128x128xf32, #tpu.memory_space<vmem>> -> memref<1x128x128xf32, #tpu.memory_space<vmem>>
      %dma_wait3A_1349 = tpu.memref_squeeze %dma_wait3A_1348 : memref<1x128x128xf32, #tpu.memory_space<vmem>> -> memref<128x128xf32, #tpu.memory_space<vmem>>
      %dma_wait3A_1350 = arith.constant 0 : i32
      %dma_wait3A_1351 = tpu.memref_slice %arg6[%add3A_1343, %dma_wait3A_1350] : memref<50x128xi32, #tpu.memory_space<vmem>> -> memref<1x128xi32, #tpu.memory_space<vmem>>
      %dma_wait3A_1352 = tpu.memref_squeeze %dma_wait3A_1351 : memref<1x128xi32, #tpu.memory_space<vmem>> -> memref<128xi32, #tpu.memory_space<vmem>>
      %dma_wait3A_1353 = arith.constant 0 : i32
      %dma_wait3A_1354 = arith.constant 0 : i32
      %dma_wait3A_1355 = tpu.memref_slice %arg9[%dma_wait3A_1353, %dma_wait3A_1354] : memref<158x128xf32, #tpu.memory_space<vmem_shared>> -> memref<158x128xf32, #tpu.memory_space<vmem_shared>>
      %dma_wait3A_1356 = tpu.memref_slice %arg10[%dma_wait3A_1345] : memref<5x!tpu.dma_semaphore, #tpu.memory_space<semaphore_mem>> -> memref<1x!tpu.dma_semaphore, #tpu.memory_space<semaphore_mem>>
      %dma_wait3A_1357 = tpu.memref_squeeze %dma_wait3A_1356 : memref<1x!tpu.dma_semaphore, #tpu.memory_space<semaphore_mem>> -> memref<!tpu.dma_semaphore, #tpu.memory_space<semaphore_mem>>
      tpu.wait_indirect_dma semaphore(%dma_wait3A_1357 : memref<!tpu.dma_semaphore, #tpu.memory_space<semaphore_mem>>) src(%dma_wait3A_1355 : memref<158x128xf32, #tpu.memory_space<vmem_shared>>) dst(%dma_wait3A_1349 : memref<128x128xf32, #tpu.memory_space<vmem>>)
      %mul3A_1358 = arith.constant 128 : i32
      %mul3A_1359 = arith.muli %add3A_1343, %mul3A_1358 : i32
      %add3A_1360 = arith.addi %mul3A_2, %mul3A_1359 : i32
      %dma_start3A_1361 = arith.constant 2 : i32
      %dma_start3A_1362 = arith.constant 2 : i32
      %dma_start3A_1363 = arith.constant 0 : i32
      %dma_start3A_1364 = arith.constant 0 : i32
      %dma_start3A_1365 = tpu.memref_slice %arg7[%dma_start3A_1361, %dma_start3A_1363, %dma_start3A_1364] : memref<5x128x128xf32, #tpu.memory_space<vmem>> -> memref<1x128x128xf32, #tpu.memory_space<vmem>>
      %dma_start3A_1366 = tpu.memref_squeeze %dma_start3A_1365 : memref<1x128x128xf32, #tpu.memory_space<vmem>> -> memref<128x128xf32, #tpu.memory_space<vmem>>
      %dma_start3A_1367 = arith.constant 0 : i32
      %dma_start3A_1368 = tpu.memref_slice %arg5[%add3A_1360, %dma_start3A_1367] : memref<204800x128xf32, #tpu.memory_space<hbm>> -> memref<128x128xf32, #tpu.memory_space<hbm>>
      %dma_start3A_1369 = tpu.memref_slice %arg11[%dma_start3A_1362] : memref<5x!tpu.dma_semaphore, #tpu.memory_space<semaphore_mem>> -> memref<1x!tpu.dma_semaphore, #tpu.memory_space<semaphore_mem>>
      %dma_start3A_1370 = tpu.memref_squeeze %dma_start3A_1369 : memref<1x!tpu.dma_semaphore, #tpu.memory_space<semaphore_mem>> -> memref<!tpu.dma_semaphore, #tpu.memory_space<semaphore_mem>>
      %dma_start3A_1371 = arith.constant 0 : i32
      %dma_start3A_1372 = tpu.memref_slice %arg5[%add3A_1360, %dma_start3A_1371] : memref<204800x128xf32, #tpu.memory_space<hbm>> -> memref<128x128xf32, #tpu.memory_space<hbm>>
      %dma_start3A_1373 = arith.constant 0 : i32
      %dma_start3A_1374 = arith.constant 0 : i32
      %dma_start3A_1375 = tpu.memref_slice %arg7[%dma_start3A_1361, %dma_start3A_1373, %dma_start3A_1374] : memref<5x128x128xf32, #tpu.memory_space<vmem>> -> memref<1x128x128xf32, #tpu.memory_space<vmem>>
      %dma_start3A_1376 = tpu.memref_squeeze %dma_start3A_1375 : memref<1x128x128xf32, #tpu.memory_space<vmem>> -> memref<128x128xf32, #tpu.memory_space<vmem>>
      tpu.enqueue_dma source(%dma_start3A_1376 : memref<128x128xf32, #tpu.memory_space<vmem>>) target(%dma_start3A_1372 : memref<128x128xf32, #tpu.memory_space<hbm>>) target_semaphore(%dma_start3A_1370 : memref<!tpu.dma_semaphore, #tpu.memory_space<semaphore_mem>>)
      %add3A_1377 = arith.constant 5 : i32
      %add3A_1378 = arith.addi %add3A_1343, %add3A_1377 : i32
      %lt3A_1379 = arith.constant 50 : i32
      %lt3A_1380 = arith.cmpi slt, %add3A_1378, %lt3A_1379 : i32
      %convert_element_type3A_1381 = arith.extui %lt3A_1380 : i1 to i32
      %cond3A_1382 = arith.constant 0 : i32
      %cond3A_1383 = arith.cmpi ne, %convert_element_type3A_1381, %cond3A_1382 : i32
      scf.if %cond3A_1383 {
        %mul3A_1473 = arith.constant 128 : i32
        %mul3A_1474 = arith.muli %add3A_1378, %mul3A_1473 : i32
        %add3A_1475 = arith.addi %mul3A_2, %mul3A_1474 : i32
        %add3A_1476 = arith.constant 0 : i32
        %add3A_1477 = arith.addi %add3A_1475, %add3A_1476 : i32
        %add3A_1478 = vector.broadcast %add3A_1477 : i32 to vector<16xi32>
        %add3A_1479 = arith.addi %add3A_1478, %iota3A : vector<16xi32>
        %rem3A_1480 = arith.constant 200 : i32
        %rem3A_1481 = vector.broadcast %rem3A_1480 : i32 to vector<16xi32>
        %rem3A_1482 = arith.remsi %add3A_1479, %rem3A_1481 : vector<16xi32>
        %get3A_1483 = arith.index_cast %add3A_1378 : i32 to index
        %get3A_1484 = arith.constant 0 : index
        %get3A_1485 = tpu.vector_load %arg6[%get3A_1483, %get3A_1484] {strides = array<i32>} : memref<50x128xi32, #tpu.memory_space<vmem>>, vector<1x16xi32>,
        %get3A_1486 = vector.shape_cast %get3A_1485 : vector<1x16xi32> to vector<16xi32>
        %lt3A_1487 = arith.cmpi slt, %rem3A_1482, %get3A_6 : vector<16xi32>
        %add3A_1488 = arith.constant 1 : i32
        %add3A_1489 = vector.broadcast %add3A_1488 : i32 to vector<16xi32>
        %add3A_1490 = arith.addi %get3A_1486, %add3A_1489 : vector<16xi32>
        %jit3A_1491 = arith.constant 0 : i32
        %broadcast_in_dim3A_1492 = vector.broadcast %jit3A_1491 : i32 to vector<16xi32>
        %select_n3A_1493 = arith.select %lt3A_1487, %add3A_1490, %broadcast_in_dim3A_1492 : vector<16xi1>, vector<16xi32>
        %swap3A_1494 = arith.index_cast %add3A_1378 : i32 to index
        %swap3A_1495 = arith.constant 0 : index
        %swap3A_1496 = tpu.vector_load %arg6[%swap3A_1494, %swap3A_1495] {strides = array<i32>} : memref<50x128xi32, #tpu.memory_space<vmem>>, vector<1x16xi32>,
        %swap3A_1497 = vector.shape_cast %swap3A_1496 : vector<1x16xi32> to vector<16xi32>
        %swap3A_1498 = vector.shape_cast %select_n3A_1493 : vector<16xi32> to vector<1x16xi32>
        tpu.vector_store %arg6[%swap3A_1494, %swap3A_1495], %swap3A_1498 {strides = array<i32>} : memref<50x128xi32, #tpu.memory_space<vmem>>, vector<1x16xi32>,
        %mul3A_1499 = arith.constant 128 : i32
        %mul3A_1500 = arith.muli %add3A_1378, %mul3A_1499 : i32
        %add3A_1501 = arith.addi %mul3A_2, %mul3A_1500 : i32
        %add3A_1502 = arith.constant 16 : i32
        %add3A_1503 = arith.addi %add3A_1501, %add3A_1502 : i32
        %add3A_1504 = vector.broadcast %add3A_1503 : i32 to vector<16xi32>
        %add3A_1505 = arith.addi %add3A_1504, %iota3A : vector<16xi32>
        %rem3A_1506 = arith.constant 200 : i32
        %rem3A_1507 = vector.broadcast %rem3A_1506 : i32 to vector<16xi32>
        %rem3A_1508 = arith.remsi %add3A_1505, %rem3A_1507 : vector<16xi32>
        %get3A_1509 = arith.index_cast %add3A_1378 : i32 to index
        %get3A_1510 = arith.constant 16 : index
        %get3A_1511 = tpu.vector_load %arg6[%get3A_1509, %get3A_1510] {strides = array<i32>} : memref<50x128xi32, #tpu.memory_space<vmem>>, vector<1x16xi32>,
        %get3A_1512 = vector.shape_cast %get3A_1511 : vector<1x16xi32> to vector<16xi32>
        %lt3A_1513 = arith.cmpi slt, %rem3A_1508, %get3A_6 : vector<16xi32>
        %add3A_1514 = arith.constant 1 : i32
        %add3A_1515 = vector.broadcast %add3A_1514 : i32 to vector<16xi32>
        %add3A_1516 = arith.addi %get3A_1512, %add3A_1515 : vector<16xi32>
        %jit3A_1517 = arith.constant 0 : i32
        %broadcast_in_dim3A_1518 = vector.broadcast %jit3A_1517 : i32 to vector<16xi32>
        %select_n3A_1519 = arith.select %lt3A_1513, %add3A_1516, %broadcast_in_dim3A_1518 : vector<16xi1>, vector<16xi32>
        %swap3A_1520 = arith.index_cast %add3A_1378 : i32 to index
        %swap3A_1521 = arith.constant 16 : index
        %swap3A_1522 = tpu.vector_load %arg6[%swap3A_1520, %swap3A_1521] {strides = array<i32>} : memref<50x128xi32, #tpu.memory_space<vmem>>, vector<1x16xi32>,
        %swap3A_1523 = vector.shape_cast %swap3A_1522 : vector<1x16xi32> to vector<16xi32>
        %swap3A_1524 = vector.shape_cast %select_n3A_1519 : vector<16xi32> to vector<1x16xi32>
        tpu.vector_store %arg6[%swap3A_1520, %swap3A_1521], %swap3A_1524 {strides = array<i32>} : memref<50x128xi32, #tpu.memory_space<vmem>>, vector<1x16xi32>,
        %mul3A_1525 = arith.constant 128 : i32
        %mul3A_1526 = arith.muli %add3A_1378, %mul3A_1525 : i32
        %add3A_1527 = arith.addi %mul3A_2, %mul3A_1526 : i32
        %add3A_1528 = arith.constant 32 : i32
        %add3A_1529 = arith.addi %add3A_1527, %add3A_1528 : i32
        %add3A_1530 = vector.broadcast %add3A_1529 : i32 to vector<16xi32>
        %add3A_1531 = arith.addi %add3A_1530, %iota3A : vector<16xi32>
        %rem3A_1532 = arith.constant 200 : i32
        %rem3A_1533 = vector.broadcast %rem3A_1532 : i32 to vector<16xi32>
        %rem3A_1534 = arith.remsi %add3A_1531, %rem3A_1533 : vector<16xi32>
        %get3A_1535 = arith.index_cast %add3A_1378 : i32 to index
        %get3A_1536 = arith.constant 32 : index
        %get3A_1537 = tpu.vector_load %arg6[%get3A_1535, %get3A_1536] {strides = array<i32>} : memref<50x128xi32, #tpu.memory_space<vmem>>, vector<1x16xi32>,
        %get3A_1538 = vector.shape_cast %get3A_1537 : vector<1x16xi32> to vector<16xi32>
        %lt3A_1539 = arith.cmpi slt, %rem3A_1534, %get3A_6 : vector<16xi32>
        %add3A_1540 = arith.constant 1 : i32
        %add3A_1541 = vector.broadcast %add3A_1540 : i32 to vector<16xi32>
        %add3A_1542 = arith.addi %get3A_1538, %add3A_1541 : vector<16xi32>
        %jit3A_1543 = arith.constant 0 : i32
        %broadcast_in_dim3A_1544 = vector.broadcast %jit3A_1543 : i32 to vector<16xi32>
        %select_n3A_1545 = arith.select %lt3A_1539, %add3A_1542, %broadcast_in_dim3A_1544 : vector<16xi1>, vector<16xi32>
        %swap3A_1546 = arith.index_cast %add3A_1378 : i32 to index
        %swap3A_1547 = arith.constant 32 : index
        %swap3A_1548 = tpu.vector_load %arg6[%swap3A_1546, %swap3A_1547] {strides = array<i32>} : memref<50x128xi32, #tpu.memory_space<vmem>>, vector<1x16xi32>,
        %swap3A_1549 = vector.shape_cast %swap3A_1548 : vector<1x16xi32> to vector<16xi32>
        %swap3A_1550 = vector.shape_cast %select_n3A_1545 : vector<16xi32> to vector<1x16xi32>
        tpu.vector_store %arg6[%swap3A_1546, %swap3A_1547], %swap3A_1550 {strides = array<i32>} : memref<50x128xi32, #tpu.memory_space<vmem>>, vector<1x16xi32>,
        %mul3A_1551 = arith.constant 128 : i32
        %mul3A_1552 = arith.muli %add3A_1378, %mul3A_1551 : i32
        %add3A_1553 = arith.addi %mul3A_2, %mul3A_1552 : i32
        %add3A_1554 = arith.constant 48 : i32
        %add3A_1555 = arith.addi %add3A_1553, %add3A_1554 : i32
        %add3A_1556 = vector.broadcast %add3A_1555 : i32 to vector<16xi32>
        %add3A_1557 = arith.addi %add3A_1556, %iota3A : vector<16xi32>
        %rem3A_1558 = arith.constant 200 : i32
        %rem3A_1559 = vector.broadcast %rem3A_1558 : i32 to vector<16xi32>
        %rem3A_1560 = arith.remsi %add3A_1557, %rem3A_1559 : vector<16xi32>
        %get3A_1561 = arith.index_cast %add3A_1378 : i32 to index
        %get3A_1562 = arith.constant 48 : index
        %get3A_1563 = tpu.vector_load %arg6[%get3A_1561, %get3A_1562] {strides = array<i32>} : memref<50x128xi32, #tpu.memory_space<vmem>>, vector<1x16xi32>,
        %get3A_1564 = vector.shape_cast %get3A_1563 : vector<1x16xi32> to vector<16xi32>
        %lt3A_1565 = arith.cmpi slt, %rem3A_1560, %get3A_6 : vector<16xi32>
        %add3A_1566 = arith.constant 1 : i32
        %add3A_1567 = vector.broadcast %add3A_1566 : i32 to vector<16xi32>
        %add3A_1568 = arith.addi %get3A_1564, %add3A_1567 : vector<16xi32>
        %jit3A_1569 = arith.constant 0 : i32
        %broadcast_in_dim3A_1570 = vector.broadcast %jit3A_1569 : i32 to vector<16xi32>
        %select_n3A_1571 = arith.select %lt3A_1565, %add3A_1568, %broadcast_in_dim3A_1570 : vector<16xi1>, vector<16xi32>
        %swap3A_1572 = arith.index_cast %add3A_1378 : i32 to index
        %swap3A_1573 = arith.constant 48 : index
        %swap3A_1574 = tpu.vector_load %arg6[%swap3A_1572, %swap3A_1573] {strides = array<i32>} : memref<50x128xi32, #tpu.memory_space<vmem>>, vector<1x16xi32>,
        %swap3A_1575 = vector.shape_cast %swap3A_1574 : vector<1x16xi32> to vector<16xi32>
        %swap3A_1576 = vector.shape_cast %select_n3A_1571 : vector<16xi32> to vector<1x16xi32>
        tpu.vector_store %arg6[%swap3A_1572, %swap3A_1573], %swap3A_1576 {strides = array<i32>} : memref<50x128xi32, #tpu.memory_space<vmem>>, vector<1x16xi32>,
        %mul3A_1577 = arith.constant 128 : i32
        %mul3A_1578 = arith.muli %add3A_1378, %mul3A_1577 : i32
        %add3A_1579 = arith.addi %mul3A_2, %mul3A_1578 : i32
        %add3A_1580 = arith.constant 64 : i32
        %add3A_1581 = arith.addi %add3A_1579, %add3A_1580 : i32
        %add3A_1582 = vector.broadcast %add3A_1581 : i32 to vector<16xi32>
        %add3A_1583 = arith.addi %add3A_1582, %iota3A : vector<16xi32>
        %rem3A_1584 = arith.constant 200 : i32
        %rem3A_1585 = vector.broadcast %rem3A_1584 : i32 to vector<16xi32>
        %rem3A_1586 = arith.remsi %add3A_1583, %rem3A_1585 : vector<16xi32>
        %get3A_1587 = arith.index_cast %add3A_1378 : i32 to index
        %get3A_1588 = arith.constant 64 : index
        %get3A_1589 = tpu.vector_load %arg6[%get3A_1587, %get3A_1588] {strides = array<i32>} : memref<50x128xi32, #tpu.memory_space<vmem>>, vector<1x16xi32>,
        %get3A_1590 = vector.shape_cast %get3A_1589 : vector<1x16xi32> to vector<16xi32>
        %lt3A_1591 = arith.cmpi slt, %rem3A_1586, %get3A_6 : vector<16xi32>
        %add3A_1592 = arith.constant 1 : i32
        %add3A_1593 = vector.broadcast %add3A_1592 : i32 to vector<16xi32>
        %add3A_1594 = arith.addi %get3A_1590, %add3A_1593 : vector<16xi32>
        %jit3A_1595 = arith.constant 0 : i32
        %broadcast_in_dim3A_1596 = vector.broadcast %jit3A_1595 : i32 to vector<16xi32>
        %select_n3A_1597 = arith.select %lt3A_1591, %add3A_1594, %broadcast_in_dim3A_1596 : vector<16xi1>, vector<16xi32>
        %swap3A_1598 = arith.index_cast %add3A_1378 : i32 to index
        %swap3A_1599 = arith.constant 64 : index
        %swap3A_1600 = tpu.vector_load %arg6[%swap3A_1598, %swap3A_1599] {strides = array<i32>} : memref<50x128xi32, #tpu.memory_space<vmem>>, vector<1x16xi32>,
        %swap3A_1601 = vector.shape_cast %swap3A_1600 : vector<1x16xi32> to vector<16xi32>
        %swap3A_1602 = vector.shape_cast %select_n3A_1597 : vector<16xi32> to vector<1x16xi32>
        tpu.vector_store %arg6[%swap3A_1598, %swap3A_1599], %swap3A_1602 {strides = array<i32>} : memref<50x128xi32, #tpu.memory_space<vmem>>, vector<1x16xi32>,
        %mul3A_1603 = arith.constant 128 : i32
        %mul3A_1604 = arith.muli %add3A_1378, %mul3A_1603 : i32
        %add3A_1605 = arith.addi %mul3A_2, %mul3A_1604 : i32
        %add3A_1606 = arith.constant 80 : i32
        %add3A_1607 = arith.addi %add3A_1605, %add3A_1606 : i32
        %add3A_1608 = vector.broadcast %add3A_1607 : i32 to vector<16xi32>
        %add3A_1609 = arith.addi %add3A_1608, %iota3A : vector<16xi32>
        %rem3A_1610 = arith.constant 200 : i32
        %rem3A_1611 = vector.broadcast %rem3A_1610 : i32 to vector<16xi32>
        %rem3A_1612 = arith.remsi %add3A_1609, %rem3A_1611 : vector<16xi32>
        %get3A_1613 = arith.index_cast %add3A_1378 : i32 to index
        %get3A_1614 = arith.constant 80 : index
        %get3A_1615 = tpu.vector_load %arg6[%get3A_1613, %get3A_1614] {strides = array<i32>} : memref<50x128xi32, #tpu.memory_space<vmem>>, vector<1x16xi32>,
        %get3A_1616 = vector.shape_cast %get3A_1615 : vector<1x16xi32> to vector<16xi32>
        %lt3A_1617 = arith.cmpi slt, %rem3A_1612, %get3A_6 : vector<16xi32>
        %add3A_1618 = arith.constant 1 : i32
        %add3A_1619 = vector.broadcast %add3A_1618 : i32 to vector<16xi32>
        %add3A_1620 = arith.addi %get3A_1616, %add3A_1619 : vector<16xi32>
        %jit3A_1621 = arith.constant 0 : i32
        %broadcast_in_dim3A_1622 = vector.broadcast %jit3A_1621 : i32 to vector<16xi32>
        %select_n3A_1623 = arith.select %lt3A_1617, %add3A_1620, %broadcast_in_dim3A_1622 : vector<16xi1>, vector<16xi32>
        %swap3A_1624 = arith.index_cast %add3A_1378 : i32 to index
        %swap3A_1625 = arith.constant 80 : index
        %swap3A_1626 = tpu.vector_load %arg6[%swap3A_1624, %swap3A_1625] {strides = array<i32>} : memref<50x128xi32, #tpu.memory_space<vmem>>, vector<1x16xi32>,
        %swap3A_1627 = vector.shape_cast %swap3A_1626 : vector<1x16xi32> to vector<16xi32>
        %swap3A_1628 = vector.shape_cast %select_n3A_1623 : vector<16xi32> to vector<1x16xi32>
        tpu.vector_store %arg6[%swap3A_1624, %swap3A_1625], %swap3A_1628 {strides = array<i32>} : memref<50x128xi32, #tpu.memory_space<vmem>>, vector<1x16xi32>,
        %mul3A_1629 = arith.constant 128 : i32
        %mul3A_1630 = arith.muli %add3A_1378, %mul3A_1629 : i32
        %add3A_1631 = arith.addi %mul3A_2, %mul3A_1630 : i32
        %add3A_1632 = arith.constant 96 : i32
        %add3A_1633 = arith.addi %add3A_1631, %add3A_1632 : i32
        %add3A_1634 = vector.broadcast %add3A_1633 : i32 to vector<16xi32>
        %add3A_1635 = arith.addi %add3A_1634, %iota3A : vector<16xi32>
        %rem3A_1636 = arith.constant 200 : i32
        %rem3A_1637 = vector.broadcast %rem3A_1636 : i32 to vector<16xi32>
        %rem3A_1638 = arith.remsi %add3A_1635, %rem3A_1637 : vector<16xi32>
        %get3A_1639 = arith.index_cast %add3A_1378 : i32 to index
        %get3A_1640 = arith.constant 96 : index
        %get3A_1641 = tpu.vector_load %arg6[%get3A_1639, %get3A_1640] {strides = array<i32>} : memref<50x128xi32, #tpu.memory_space<vmem>>, vector<1x16xi32>,
        %get3A_1642 = vector.shape_cast %get3A_1641 : vector<1x16xi32> to vector<16xi32>
        %lt3A_1643 = arith.cmpi slt, %rem3A_1638, %get3A_6 : vector<16xi32>
        %add3A_1644 = arith.constant 1 : i32
        %add3A_1645 = vector.broadcast %add3A_1644 : i32 to vector<16xi32>
        %add3A_1646 = arith.addi %get3A_1642, %add3A_1645 : vector<16xi32>
        %jit3A_1647 = arith.constant 0 : i32
        %broadcast_in_dim3A_1648 = vector.broadcast %jit3A_1647 : i32 to vector<16xi32>
        %select_n3A_1649 = arith.select %lt3A_1643, %add3A_1646, %broadcast_in_dim3A_1648 : vector<16xi1>, vector<16xi32>
        %swap3A_1650 = arith.index_cast %add3A_1378 : i32 to index
        %swap3A_1651 = arith.constant 96 : index
        %swap3A_1652 = tpu.vector_load %arg6[%swap3A_1650, %swap3A_1651] {strides = array<i32>} : memref<50x128xi32, #tpu.memory_space<vmem>>, vector<1x16xi32>,
        %swap3A_1653 = vector.shape_cast %swap3A_1652 : vector<1x16xi32> to vector<16xi32>
        %swap3A_1654 = vector.shape_cast %select_n3A_1649 : vector<16xi32> to vector<1x16xi32>
        tpu.vector_store %arg6[%swap3A_1650, %swap3A_1651], %swap3A_1654 {strides = array<i32>} : memref<50x128xi32, #tpu.memory_space<vmem>>, vector<1x16xi32>,
        %mul3A_1655 = arith.constant 128 : i32
        %mul3A_1656 = arith.muli %add3A_1378, %mul3A_1655 : i32
        %add3A_1657 = arith.addi %mul3A_2, %mul3A_1656 : i32
        %add3A_1658 = arith.constant 112 : i32
        %add3A_1659 = arith.addi %add3A_1657, %add3A_1658 : i32
        %add3A_1660 = vector.broadcast %add3A_1659 : i32 to vector<16xi32>
        %add3A_1661 = arith.addi %add3A_1660, %iota3A : vector<16xi32>
        %rem3A_1662 = arith.constant 200 : i32
        %rem3A_1663 = vector.broadcast %rem3A_1662 : i32 to vector<16xi32>
        %rem3A_1664 = arith.remsi %add3A_1661, %rem3A_1663 : vector<16xi32>
        %get3A_1665 = arith.index_cast %add3A_1378 : i32 to index
        %get3A_1666 = arith.constant 112 : index
        %get3A_1667 = tpu.vector_load %arg6[%get3A_1665, %get3A_1666] {strides = array<i32>} : memref<50x128xi32, #tpu.memory_space<vmem>>, vector<1x16xi32>,
        %get3A_1668 = vector.shape_cast %get3A_1667 : vector<1x16xi32> to vector<16xi32>
        %lt3A_1669 = arith.cmpi slt, %rem3A_1664, %get3A_6 : vector<16xi32>
        %add3A_1670 = arith.constant 1 : i32
        %add3A_1671 = vector.broadcast %add3A_1670 : i32 to vector<16xi32>
        %add3A_1672 = arith.addi %get3A_1668, %add3A_1671 : vector<16xi32>
        %jit3A_1673 = arith.constant 0 : i32
        %broadcast_in_dim3A_1674 = vector.broadcast %jit3A_1673 : i32 to vector<16xi32>
        %select_n3A_1675 = arith.select %lt3A_1669, %add3A_1672, %broadcast_in_dim3A_1674 : vector<16xi1>, vector<16xi32>
        %swap3A_1676 = arith.index_cast %add3A_1378 : i32 to index
        %swap3A_1677 = arith.constant 112 : index
        %swap3A_1678 = tpu.vector_load %arg6[%swap3A_1676, %swap3A_1677] {strides = array<i32>} : memref<50x128xi32, #tpu.memory_space<vmem>>, vector<1x16xi32>,
        %swap3A_1679 = vector.shape_cast %swap3A_1678 : vector<1x16xi32> to vector<16xi32>
        %swap3A_1680 = vector.shape_cast %select_n3A_1675 : vector<16xi32> to vector<1x16xi32>
        tpu.vector_store %arg6[%swap3A_1676, %swap3A_1677], %swap3A_1680 {strides = array<i32>} : memref<50x128xi32, #tpu.memory_space<vmem>>, vector<1x16xi32>,
        %mul3A_1681 = arith.constant 128 : i32
        %mul3A_1682 = arith.muli %add3A_1343, %mul3A_1681 : i32
        %add3A_1683 = arith.addi %mul3A_2, %mul3A_1682 : i32
        %dma_wait3A_1684 = arith.constant 2 : i32
        %dma_wait3A_1685 = arith.constant 2 : i32
        %dma_wait3A_1686 = arith.constant 0 : i32
        %dma_wait3A_1687 = arith.constant 0 : i32
        %dma_wait3A_1688 = tpu.memref_slice %arg7[%dma_wait3A_1684, %dma_wait3A_1686, %dma_wait3A_1687] : memref<5x128x128xf32, #tpu.memory_space<vmem>> -> memref<1x128x128xf32, #tpu.memory_space<vmem>>
        %dma_wait3A_1689 = tpu.memref_squeeze %dma_wait3A_1688 : memref<1x128x128xf32, #tpu.memory_space<vmem>> -> memref<128x128xf32, #tpu.memory_space<vmem>>
        %dma_wait3A_1690 = arith.constant 0 : i32
        %dma_wait3A_1691 = tpu.memref_slice %arg5[%add3A_1683, %dma_wait3A_1690] : memref<204800x128xf32, #tpu.memory_space<hbm>> -> memref<128x128xf32, #tpu.memory_space<hbm>>
        %dma_wait3A_1692 = tpu.memref_slice %arg11[%dma_wait3A_1685] : memref<5x!tpu.dma_semaphore, #tpu.memory_space<semaphore_mem>> -> memref<1x!tpu.dma_semaphore, #tpu.memory_space<semaphore_mem>>
        %dma_wait3A_1693 = tpu.memref_squeeze %dma_wait3A_1692 : memref<1x!tpu.dma_semaphore, #tpu.memory_space<semaphore_mem>> -> memref<!tpu.dma_semaphore, #tpu.memory_space<semaphore_mem>>
        %dma_wait3A_1694 = arith.constant 0 : i32
        %dma_wait3A_1695 = tpu.memref_slice %arg5[%add3A_1683, %dma_wait3A_1694] : memref<204800x128xf32, #tpu.memory_space<hbm>> -> memref<128x128xf32, #tpu.memory_space<hbm>>
        %dma_wait3A_1696 = arith.constant 0 : i32
        %dma_wait3A_1697 = arith.constant 0 : i32
        %dma_wait3A_1698 = tpu.memref_slice %arg7[%dma_wait3A_1684, %dma_wait3A_1696, %dma_wait3A_1697] : memref<5x128x128xf32, #tpu.memory_space<vmem>> -> memref<1x128x128xf32, #tpu.memory_space<vmem>>
        %dma_wait3A_1699 = tpu.memref_squeeze %dma_wait3A_1698 : memref<1x128x128xf32, #tpu.memory_space<vmem>> -> memref<128x128xf32, #tpu.memory_space<vmem>>
        tpu.wait_dma2 semaphore(%dma_wait3A_1693 : memref<!tpu.dma_semaphore, #tpu.memory_space<semaphore_mem>>) src(%dma_wait3A_1699 : memref<128x128xf32, #tpu.memory_space<vmem>>) dst(%dma_wait3A_1695 : memref<128x128xf32, #tpu.memory_space<hbm>>)
        %dma_start3A_1700 = arith.constant 2 : i32
        %dma_start3A_1701 = arith.constant 2 : i32
        %dma_start3A_1702 = arith.constant 0 : i32
        %dma_start3A_1703 = arith.constant 0 : i32
        %dma_start3A_1704 = tpu.memref_slice %arg7[%dma_start3A_1700, %dma_start3A_1702, %dma_start3A_1703] : memref<5x128x128xf32, #tpu.memory_space<vmem>> -> memref<1x128x128xf32, #tpu.memory_space<vmem>>
        %dma_start3A_1705 = tpu.memref_squeeze %dma_start3A_1704 : memref<1x128x128xf32, #tpu.memory_space<vmem>> -> memref<128x128xf32, #tpu.memory_space<vmem>>
        %dma_start3A_1706 = arith.constant 0 : i32
        %dma_start3A_1707 = tpu.memref_slice %arg6[%add3A_1378, %dma_start3A_1706] : memref<50x128xi32, #tpu.memory_space<vmem>> -> memref<1x128xi32, #tpu.memory_space<vmem>>
        %dma_start3A_1708 = tpu.memref_squeeze %dma_start3A_1707 : memref<1x128xi32, #tpu.memory_space<vmem>> -> memref<128xi32, #tpu.memory_space<vmem>>
        %dma_start3A_1709 = arith.constant 0 : i32
        %dma_start3A_1710 = arith.constant 0 : i32
        %dma_start3A_1711 = tpu.memref_slice %arg9[%dma_start3A_1709, %dma_start3A_1710] : memref<158x128xf32, #tpu.memory_space<vmem_shared>> -> memref<158x128xf32, #tpu.memory_space<vmem_shared>>
        %dma_start3A_1712 = tpu.memref_slice %arg10[%dma_start3A_1701] : memref<5x!tpu.dma_semaphore, #tpu.memory_space<semaphore_mem>> -> memref<1x!tpu.dma_semaphore, #tpu.memory_space<semaphore_mem>>
        %dma_start3A_1713 = tpu.memref_squeeze %dma_start3A_1712 : memref<1x!tpu.dma_semaphore, #tpu.memory_space<semaphore_mem>> -> memref<!tpu.dma_semaphore, #tpu.memory_space<semaphore_mem>>
        tpu.enqueue_indirect_dma source(%dma_start3A_1711 : memref<158x128xf32, #tpu.memory_space<vmem_shared>>) target(%dma_start3A_1705 : memref<128x128xf32, #tpu.memory_space<vmem>>) offsets(%dma_start3A_1708 : memref<128xi32, #tpu.memory_space<vmem>>) semaphore(%dma_start3A_1713 : memref<!tpu.dma_semaphore, #tpu.memory_space<semaphore_mem>>)
      } else {
      }
      %mul3A_1384 = arith.constant 5 : i32
      %mul3A_1385 = arith.muli %scan3A_1250, %mul3A_1384 : i32
      %add3A_1386 = arith.constant 3 : i32
      %add3A_1387 = arith.addi %mul3A_1385, %add3A_1386 : i32
      %dma_wait3A_1388 = arith.constant 3 : i32
      %dma_wait3A_1389 = arith.constant 3 : i32
      %dma_wait3A_1390 = arith.constant 0 : i32
      %dma_wait3A_1391 = arith.constant 0 : i32
      %dma_wait3A_1392 = tpu.memref_slice %arg7[%dma_wait3A_1388, %dma_wait3A_1390, %dma_wait3A_1391] : memref<5x128x128xf32, #tpu.memory_space<vmem>> -> memref<1x128x128xf32, #tpu.memory_space<vmem>>
      %dma_wait3A_1393 = tpu.memref_squeeze %dma_wait3A_1392 : memref<1x128x128xf32, #tpu.memory_space<vmem>> -> memref<128x128xf32, #tpu.memory_space<vmem>>
      %dma_wait3A_1394 = arith.constant 0 : i32
      %dma_wait3A_1395 = tpu.memref_slice %arg6[%add3A_1387, %dma_wait3A_1394] : memref<50x128xi32, #tpu.memory_space<vmem>> -> memref<1x128xi32, #tpu.memory_space<vmem>>
      %dma_wait3A_1396 = tpu.memref_squeeze %dma_wait3A_1395 : memref<1x128xi32, #tpu.memory_space<vmem>> -> memref<128xi32, #tpu.memory_space<vmem>>
      %dma_wait3A_1397 = arith.constant 0 : i32
      %dma_wait3A_1398 = arith.constant 0 : i32
      %dma_wait3A_1399 = tpu.memref_slice %arg9[%dma_wait3A_1397, %dma_wait3A_1398] : memref<158x128xf32, #tpu.memory_space<vmem_shared>> -> memref<158x128xf32, #tpu.memory_space<vmem_shared>>
      %dma_wait3A_1400 = tpu.memref_slice %arg10[%dma_wait3A_1389] : memref<5x!tpu.dma_semaphore, #tpu.memory_space<semaphore_mem>> -> memref<1x!tpu.dma_semaphore, #tpu.memory_space<semaphore_mem>>
      %dma_wait3A_1401 = tpu.memref_squeeze %dma_wait3A_1400 : memref<1x!tpu.dma_semaphore, #tpu.memory_space<semaphore_mem>> -> memref<!tpu.dma_semaphore, #tpu.memory_space<semaphore_mem>>
      tpu.wait_indirect_dma semaphore(%dma_wait3A_1401 : memref<!tpu.dma_semaphore, #tpu.memory_space<semaphore_mem>>) src(%dma_wait3A_1399 : memref<158x128xf32, #tpu.memory_space<vmem_shared>>) dst(%dma_wait3A_1393 : memref<128x128xf32, #tpu.memory_space<vmem>>)
      %mul3A_1402 = arith.constant 128 : i32
      %mul3A_1403 = arith.muli %add3A_1387, %mul3A_1402 : i32
      %add3A_1404 = arith.addi %mul3A_2, %mul3A_1403 : i32
      %dma_start3A_1405 = arith.constant 3 : i32
      %dma_start3A_1406 = arith.constant 3 : i32
      %dma_start3A_1407 = arith.constant 0 : i32
      %dma_start3A_1408 = arith.constant 0 : i32
      %dma_start3A_1409 = tpu.memref_slice %arg7[%dma_start3A_1405, %dma_start3A_1407, %dma_start3A_1408] : memref<5x128x128xf32, #tpu.memory_space<vmem>> -> memref<1x128x128xf32, #tpu.memory_space<vmem>>
      %dma_start3A_1410 = tpu.memref_squeeze %dma_start3A_1409 : memref<1x128x128xf32, #tpu.memory_space<vmem>> -> memref<128x128xf32, #tpu.memory_space<vmem>>
      %dma_start3A_1411 = arith.constant 0 : i32
      %dma_start3A_1412 = tpu.memref_slice %arg5[%add3A_1404, %dma_start3A_1411] : memref<204800x128xf32, #tpu.memory_space<hbm>> -> memref<128x128xf32, #tpu.memory_space<hbm>>
      %dma_start3A_1413 = tpu.memref_slice %arg11[%dma_start3A_1406] : memref<5x!tpu.dma_semaphore, #tpu.memory_space<semaphore_mem>> -> memref<1x!tpu.dma_semaphore, #tpu.memory_space<semaphore_mem>>
      %dma_start3A_1414 = tpu.memref_squeeze %dma_start3A_1413 : memref<1x!tpu.dma_semaphore, #tpu.memory_space<semaphore_mem>> -> memref<!tpu.dma_semaphore, #tpu.memory_space<semaphore_mem>>
      %dma_start3A_1415 = arith.constant 0 : i32
      %dma_start3A_1416 = tpu.memref_slice %arg5[%add3A_1404, %dma_start3A_1415] : memref<204800x128xf32, #tpu.memory_space<hbm>> -> memref<128x128xf32, #tpu.memory_space<hbm>>
      %dma_start3A_1417 = arith.constant 0 : i32
      %dma_start3A_1418 = arith.constant 0 : i32
      %dma_start3A_1419 = tpu.memref_slice %arg7[%dma_start3A_1405, %dma_start3A_1417, %dma_start3A_1418] : memref<5x128x128xf32, #tpu.memory_space<vmem>> -> memref<1x128x128xf32, #tpu.memory_space<vmem>>
      %dma_start3A_1420 = tpu.memref_squeeze %dma_start3A_1419 : memref<1x128x128xf32, #tpu.memory_space<vmem>> -> memref<128x128xf32, #tpu.memory_space<vmem>>
      tpu.enqueue_dma source(%dma_start3A_1420 : memref<128x128xf32, #tpu.memory_space<vmem>>) target(%dma_start3A_1416 : memref<128x128xf32, #tpu.memory_space<hbm>>) target_semaphore(%dma_start3A_1414 : memref<!tpu.dma_semaphore, #tpu.memory_space<semaphore_mem>>)
      %add3A_1421 = arith.constant 5 : i32
      %add3A_1422 = arith.addi %add3A_1387, %add3A_1421 : i32
      %lt3A_1423 = arith.constant 50 : i32
      %lt3A_1424 = arith.cmpi slt, %add3A_1422, %lt3A_1423 : i32
      %convert_element_type3A_1425 = arith.extui %lt3A_1424 : i1 to i32
      %cond3A_1426 = arith.constant 0 : i32
      %cond3A_1427 = arith.cmpi ne, %convert_element_type3A_1425, %cond3A_1426 : i32
      scf.if %cond3A_1427 {
        %mul3A_1473 = arith.constant 128 : i32
        %mul3A_1474 = arith.muli %add3A_1422, %mul3A_1473 : i32
        %add3A_1475 = arith.addi %mul3A_2, %mul3A_1474 : i32
        %add3A_1476 = arith.constant 0 : i32
        %add3A_1477 = arith.addi %add3A_1475, %add3A_1476 : i32
        %add3A_1478 = vector.broadcast %add3A_1477 : i32 to vector<16xi32>
        %add3A_1479 = arith.addi %add3A_1478, %iota3A : vector<16xi32>
        %rem3A_1480 = arith.constant 200 : i32
        %rem3A_1481 = vector.broadcast %rem3A_1480 : i32 to vector<16xi32>
        %rem3A_1482 = arith.remsi %add3A_1479, %rem3A_1481 : vector<16xi32>
        %get3A_1483 = arith.index_cast %add3A_1422 : i32 to index
        %get3A_1484 = arith.constant 0 : index
        %get3A_1485 = tpu.vector_load %arg6[%get3A_1483, %get3A_1484] {strides = array<i32>} : memref<50x128xi32, #tpu.memory_space<vmem>>, vector<1x16xi32>,
        %get3A_1486 = vector.shape_cast %get3A_1485 : vector<1x16xi32> to vector<16xi32>
        %lt3A_1487 = arith.cmpi slt, %rem3A_1482, %get3A_6 : vector<16xi32>
        %add3A_1488 = arith.constant 1 : i32
        %add3A_1489 = vector.broadcast %add3A_1488 : i32 to vector<16xi32>
        %add3A_1490 = arith.addi %get3A_1486, %add3A_1489 : vector<16xi32>
        %jit3A_1491 = arith.constant 0 : i32
        %broadcast_in_dim3A_1492 = vector.broadcast %jit3A_1491 : i32 to vector<16xi32>
        %select_n3A_1493 = arith.select %lt3A_1487, %add3A_1490, %broadcast_in_dim3A_1492 : vector<16xi1>, vector<16xi32>
        %swap3A_1494 = arith.index_cast %add3A_1422 : i32 to index
        %swap3A_1495 = arith.constant 0 : index
        %swap3A_1496 = tpu.vector_load %arg6[%swap3A_1494, %swap3A_1495] {strides = array<i32>} : memref<50x128xi32, #tpu.memory_space<vmem>>, vector<1x16xi32>,
        %swap3A_1497 = vector.shape_cast %swap3A_1496 : vector<1x16xi32> to vector<16xi32>
        %swap3A_1498 = vector.shape_cast %select_n3A_1493 : vector<16xi32> to vector<1x16xi32>
        tpu.vector_store %arg6[%swap3A_1494, %swap3A_1495], %swap3A_1498 {strides = array<i32>} : memref<50x128xi32, #tpu.memory_space<vmem>>, vector<1x16xi32>,
        %mul3A_1499 = arith.constant 128 : i32
        %mul3A_1500 = arith.muli %add3A_1422, %mul3A_1499 : i32
        %add3A_1501 = arith.addi %mul3A_2, %mul3A_1500 : i32
        %add3A_1502 = arith.constant 16 : i32
        %add3A_1503 = arith.addi %add3A_1501, %add3A_1502 : i32
        %add3A_1504 = vector.broadcast %add3A_1503 : i32 to vector<16xi32>
        %add3A_1505 = arith.addi %add3A_1504, %iota3A : vector<16xi32>
        %rem3A_1506 = arith.constant 200 : i32
        %rem3A_1507 = vector.broadcast %rem3A_1506 : i32 to vector<16xi32>
        %rem3A_1508 = arith.remsi %add3A_1505, %rem3A_1507 : vector<16xi32>
        %get3A_1509 = arith.index_cast %add3A_1422 : i32 to index
        %get3A_1510 = arith.constant 16 : index
        %get3A_1511 = tpu.vector_load %arg6[%get3A_1509, %get3A_1510] {strides = array<i32>} : memref<50x128xi32, #tpu.memory_space<vmem>>, vector<1x16xi32>,
        %get3A_1512 = vector.shape_cast %get3A_1511 : vector<1x16xi32> to vector<16xi32>
        %lt3A_1513 = arith.cmpi slt, %rem3A_1508, %get3A_6 : vector<16xi32>
        %add3A_1514 = arith.constant 1 : i32
        %add3A_1515 = vector.broadcast %add3A_1514 : i32 to vector<16xi32>
        %add3A_1516 = arith.addi %get3A_1512, %add3A_1515 : vector<16xi32>
        %jit3A_1517 = arith.constant 0 : i32
        %broadcast_in_dim3A_1518 = vector.broadcast %jit3A_1517 : i32 to vector<16xi32>
        %select_n3A_1519 = arith.select %lt3A_1513, %add3A_1516, %broadcast_in_dim3A_1518 : vector<16xi1>, vector<16xi32>
        %swap3A_1520 = arith.index_cast %add3A_1422 : i32 to index
        %swap3A_1521 = arith.constant 16 : index
        %swap3A_1522 = tpu.vector_load %arg6[%swap3A_1520, %swap3A_1521] {strides = array<i32>} : memref<50x128xi32, #tpu.memory_space<vmem>>, vector<1x16xi32>,
        %swap3A_1523 = vector.shape_cast %swap3A_1522 : vector<1x16xi32> to vector<16xi32>
        %swap3A_1524 = vector.shape_cast %select_n3A_1519 : vector<16xi32> to vector<1x16xi32>
        tpu.vector_store %arg6[%swap3A_1520, %swap3A_1521], %swap3A_1524 {strides = array<i32>} : memref<50x128xi32, #tpu.memory_space<vmem>>, vector<1x16xi32>,
        %mul3A_1525 = arith.constant 128 : i32
        %mul3A_1526 = arith.muli %add3A_1422, %mul3A_1525 : i32
        %add3A_1527 = arith.addi %mul3A_2, %mul3A_1526 : i32
        %add3A_1528 = arith.constant 32 : i32
        %add3A_1529 = arith.addi %add3A_1527, %add3A_1528 : i32
        %add3A_1530 = vector.broadcast %add3A_1529 : i32 to vector<16xi32>
        %add3A_1531 = arith.addi %add3A_1530, %iota3A : vector<16xi32>
        %rem3A_1532 = arith.constant 200 : i32
        %rem3A_1533 = vector.broadcast %rem3A_1532 : i32 to vector<16xi32>
        %rem3A_1534 = arith.remsi %add3A_1531, %rem3A_1533 : vector<16xi32>
        %get3A_1535 = arith.index_cast %add3A_1422 : i32 to index
        %get3A_1536 = arith.constant 32 : index
        %get3A_1537 = tpu.vector_load %arg6[%get3A_1535, %get3A_1536] {strides = array<i32>} : memref<50x128xi32, #tpu.memory_space<vmem>>, vector<1x16xi32>,
        %get3A_1538 = vector.shape_cast %get3A_1537 : vector<1x16xi32> to vector<16xi32>
        %lt3A_1539 = arith.cmpi slt, %rem3A_1534, %get3A_6 : vector<16xi32>
        %add3A_1540 = arith.constant 1 : i32
        %add3A_1541 = vector.broadcast %add3A_1540 : i32 to vector<16xi32>
        %add3A_1542 = arith.addi %get3A_1538, %add3A_1541 : vector<16xi32>
        %jit3A_1543 = arith.constant 0 : i32
        %broadcast_in_dim3A_1544 = vector.broadcast %jit3A_1543 : i32 to vector<16xi32>
        %select_n3A_1545 = arith.select %lt3A_1539, %add3A_1542, %broadcast_in_dim3A_1544 : vector<16xi1>, vector<16xi32>
        %swap3A_1546 = arith.index_cast %add3A_1422 : i32 to index
        %swap3A_1547 = arith.constant 32 : index
        %swap3A_1548 = tpu.vector_load %arg6[%swap3A_1546, %swap3A_1547] {strides = array<i32>} : memref<50x128xi32, #tpu.memory_space<vmem>>, vector<1x16xi32>,
        %swap3A_1549 = vector.shape_cast %swap3A_1548 : vector<1x16xi32> to vector<16xi32>
        %swap3A_1550 = vector.shape_cast %select_n3A_1545 : vector<16xi32> to vector<1x16xi32>
        tpu.vector_store %arg6[%swap3A_1546, %swap3A_1547], %swap3A_1550 {strides = array<i32>} : memref<50x128xi32, #tpu.memory_space<vmem>>, vector<1x16xi32>,
        %mul3A_1551 = arith.constant 128 : i32
        %mul3A_1552 = arith.muli %add3A_1422, %mul3A_1551 : i32
        %add3A_1553 = arith.addi %mul3A_2, %mul3A_1552 : i32
        %add3A_1554 = arith.constant 48 : i32
        %add3A_1555 = arith.addi %add3A_1553, %add3A_1554 : i32
        %add3A_1556 = vector.broadcast %add3A_1555 : i32 to vector<16xi32>
        %add3A_1557 = arith.addi %add3A_1556, %iota3A : vector<16xi32>
        %rem3A_1558 = arith.constant 200 : i32
        %rem3A_1559 = vector.broadcast %rem3A_1558 : i32 to vector<16xi32>
        %rem3A_1560 = arith.remsi %add3A_1557, %rem3A_1559 : vector<16xi32>
        %get3A_1561 = arith.index_cast %add3A_1422 : i32 to index
        %get3A_1562 = arith.constant 48 : index
        %get3A_1563 = tpu.vector_load %arg6[%get3A_1561, %get3A_1562] {strides = array<i32>} : memref<50x128xi32, #tpu.memory_space<vmem>>, vector<1x16xi32>,
        %get3A_1564 = vector.shape_cast %get3A_1563 : vector<1x16xi32> to vector<16xi32>
        %lt3A_1565 = arith.cmpi slt, %rem3A_1560, %get3A_6 : vector<16xi32>
        %add3A_1566 = arith.constant 1 : i32
        %add3A_1567 = vector.broadcast %add3A_1566 : i32 to vector<16xi32>
        %add3A_1568 = arith.addi %get3A_1564, %add3A_1567 : vector<16xi32>
        %jit3A_1569 = arith.constant 0 : i32
        %broadcast_in_dim3A_1570 = vector.broadcast %jit3A_1569 : i32 to vector<16xi32>
        %select_n3A_1571 = arith.select %lt3A_1565, %add3A_1568, %broadcast_in_dim3A_1570 : vector<16xi1>, vector<16xi32>
        %swap3A_1572 = arith.index_cast %add3A_1422 : i32 to index
        %swap3A_1573 = arith.constant 48 : index
        %swap3A_1574 = tpu.vector_load %arg6[%swap3A_1572, %swap3A_1573] {strides = array<i32>} : memref<50x128xi32, #tpu.memory_space<vmem>>, vector<1x16xi32>,
        %swap3A_1575 = vector.shape_cast %swap3A_1574 : vector<1x16xi32> to vector<16xi32>
        %swap3A_1576 = vector.shape_cast %select_n3A_1571 : vector<16xi32> to vector<1x16xi32>
        tpu.vector_store %arg6[%swap3A_1572, %swap3A_1573], %swap3A_1576 {strides = array<i32>} : memref<50x128xi32, #tpu.memory_space<vmem>>, vector<1x16xi32>,
        %mul3A_1577 = arith.constant 128 : i32
        %mul3A_1578 = arith.muli %add3A_1422, %mul3A_1577 : i32
        %add3A_1579 = arith.addi %mul3A_2, %mul3A_1578 : i32
        %add3A_1580 = arith.constant 64 : i32
        %add3A_1581 = arith.addi %add3A_1579, %add3A_1580 : i32
        %add3A_1582 = vector.broadcast %add3A_1581 : i32 to vector<16xi32>
        %add3A_1583 = arith.addi %add3A_1582, %iota3A : vector<16xi32>
        %rem3A_1584 = arith.constant 200 : i32
        %rem3A_1585 = vector.broadcast %rem3A_1584 : i32 to vector<16xi32>
        %rem3A_1586 = arith.remsi %add3A_1583, %rem3A_1585 : vector<16xi32>
        %get3A_1587 = arith.index_cast %add3A_1422 : i32 to index
        %get3A_1588 = arith.constant 64 : index
        %get3A_1589 = tpu.vector_load %arg6[%get3A_1587, %get3A_1588] {strides = array<i32>} : memref<50x128xi32, #tpu.memory_space<vmem>>, vector<1x16xi32>,
        %get3A_1590 = vector.shape_cast %get3A_1589 : vector<1x16xi32> to vector<16xi32>
        %lt3A_1591 = arith.cmpi slt, %rem3A_1586, %get3A_6 : vector<16xi32>
        %add3A_1592 = arith.constant 1 : i32
        %add3A_1593 = vector.broadcast %add3A_1592 : i32 to vector<16xi32>
        %add3A_1594 = arith.addi %get3A_1590, %add3A_1593 : vector<16xi32>
        %jit3A_1595 = arith.constant 0 : i32
        %broadcast_in_dim3A_1596 = vector.broadcast %jit3A_1595 : i32 to vector<16xi32>
        %select_n3A_1597 = arith.select %lt3A_1591, %add3A_1594, %broadcast_in_dim3A_1596 : vector<16xi1>, vector<16xi32>
        %swap3A_1598 = arith.index_cast %add3A_1422 : i32 to index
        %swap3A_1599 = arith.constant 64 : index
        %swap3A_1600 = tpu.vector_load %arg6[%swap3A_1598, %swap3A_1599] {strides = array<i32>} : memref<50x128xi32, #tpu.memory_space<vmem>>, vector<1x16xi32>,
        %swap3A_1601 = vector.shape_cast %swap3A_1600 : vector<1x16xi32> to vector<16xi32>
        %swap3A_1602 = vector.shape_cast %select_n3A_1597 : vector<16xi32> to vector<1x16xi32>
        tpu.vector_store %arg6[%swap3A_1598, %swap3A_1599], %swap3A_1602 {strides = array<i32>} : memref<50x128xi32, #tpu.memory_space<vmem>>, vector<1x16xi32>,
        %mul3A_1603 = arith.constant 128 : i32
        %mul3A_1604 = arith.muli %add3A_1422, %mul3A_1603 : i32
        %add3A_1605 = arith.addi %mul3A_2, %mul3A_1604 : i32
        %add3A_1606 = arith.constant 80 : i32
        %add3A_1607 = arith.addi %add3A_1605, %add3A_1606 : i32
        %add3A_1608 = vector.broadcast %add3A_1607 : i32 to vector<16xi32>
        %add3A_1609 = arith.addi %add3A_1608, %iota3A : vector<16xi32>
        %rem3A_1610 = arith.constant 200 : i32
        %rem3A_1611 = vector.broadcast %rem3A_1610 : i32 to vector<16xi32>
        %rem3A_1612 = arith.remsi %add3A_1609, %rem3A_1611 : vector<16xi32>
        %get3A_1613 = arith.index_cast %add3A_1422 : i32 to index
        %get3A_1614 = arith.constant 80 : index
        %get3A_1615 = tpu.vector_load %arg6[%get3A_1613, %get3A_1614] {strides = array<i32>} : memref<50x128xi32, #tpu.memory_space<vmem>>, vector<1x16xi32>,
        %get3A_1616 = vector.shape_cast %get3A_1615 : vector<1x16xi32> to vector<16xi32>
        %lt3A_1617 = arith.cmpi slt, %rem3A_1612, %get3A_6 : vector<16xi32>
        %add3A_1618 = arith.constant 1 : i32
        %add3A_1619 = vector.broadcast %add3A_1618 : i32 to vector<16xi32>
        %add3A_1620 = arith.addi %get3A_1616, %add3A_1619 : vector<16xi32>
        %jit3A_1621 = arith.constant 0 : i32
        %broadcast_in_dim3A_1622 = vector.broadcast %jit3A_1621 : i32 to vector<16xi32>
        %select_n3A_1623 = arith.select %lt3A_1617, %add3A_1620, %broadcast_in_dim3A_1622 : vector<16xi1>, vector<16xi32>
        %swap3A_1624 = arith.index_cast %add3A_1422 : i32 to index
        %swap3A_1625 = arith.constant 80 : index
        %swap3A_1626 = tpu.vector_load %arg6[%swap3A_1624, %swap3A_1625] {strides = array<i32>} : memref<50x128xi32, #tpu.memory_space<vmem>>, vector<1x16xi32>,
        %swap3A_1627 = vector.shape_cast %swap3A_1626 : vector<1x16xi32> to vector<16xi32>
        %swap3A_1628 = vector.shape_cast %select_n3A_1623 : vector<16xi32> to vector<1x16xi32>
        tpu.vector_store %arg6[%swap3A_1624, %swap3A_1625], %swap3A_1628 {strides = array<i32>} : memref<50x128xi32, #tpu.memory_space<vmem>>, vector<1x16xi32>,
        %mul3A_1629 = arith.constant 128 : i32
        %mul3A_1630 = arith.muli %add3A_1422, %mul3A_1629 : i32
        %add3A_1631 = arith.addi %mul3A_2, %mul3A_1630 : i32
        %add3A_1632 = arith.constant 96 : i32
        %add3A_1633 = arith.addi %add3A_1631, %add3A_1632 : i32
        %add3A_1634 = vector.broadcast %add3A_1633 : i32 to vector<16xi32>
        %add3A_1635 = arith.addi %add3A_1634, %iota3A : vector<16xi32>
        %rem3A_1636 = arith.constant 200 : i32
        %rem3A_1637 = vector.broadcast %rem3A_1636 : i32 to vector<16xi32>
        %rem3A_1638 = arith.remsi %add3A_1635, %rem3A_1637 : vector<16xi32>
        %get3A_1639 = arith.index_cast %add3A_1422 : i32 to index
        %get3A_1640 = arith.constant 96 : index
        %get3A_1641 = tpu.vector_load %arg6[%get3A_1639, %get3A_1640] {strides = array<i32>} : memref<50x128xi32, #tpu.memory_space<vmem>>, vector<1x16xi32>,
        %get3A_1642 = vector.shape_cast %get3A_1641 : vector<1x16xi32> to vector<16xi32>
        %lt3A_1643 = arith.cmpi slt, %rem3A_1638, %get3A_6 : vector<16xi32>
        %add3A_1644 = arith.constant 1 : i32
        %add3A_1645 = vector.broadcast %add3A_1644 : i32 to vector<16xi32>
        %add3A_1646 = arith.addi %get3A_1642, %add3A_1645 : vector<16xi32>
        %jit3A_1647 = arith.constant 0 : i32
        %broadcast_in_dim3A_1648 = vector.broadcast %jit3A_1647 : i32 to vector<16xi32>
        %select_n3A_1649 = arith.select %lt3A_1643, %add3A_1646, %broadcast_in_dim3A_1648 : vector<16xi1>, vector<16xi32>
        %swap3A_1650 = arith.index_cast %add3A_1422 : i32 to index
        %swap3A_1651 = arith.constant 96 : index
        %swap3A_1652 = tpu.vector_load %arg6[%swap3A_1650, %swap3A_1651] {strides = array<i32>} : memref<50x128xi32, #tpu.memory_space<vmem>>, vector<1x16xi32>,
        %swap3A_1653 = vector.shape_cast %swap3A_1652 : vector<1x16xi32> to vector<16xi32>
        %swap3A_1654 = vector.shape_cast %select_n3A_1649 : vector<16xi32> to vector<1x16xi32>
        tpu.vector_store %arg6[%swap3A_1650, %swap3A_1651], %swap3A_1654 {strides = array<i32>} : memref<50x128xi32, #tpu.memory_space<vmem>>, vector<1x16xi32>,
        %mul3A_1655 = arith.constant 128 : i32
        %mul3A_1656 = arith.muli %add3A_1422, %mul3A_1655 : i32
        %add3A_1657 = arith.addi %mul3A_2, %mul3A_1656 : i32
        %add3A_1658 = arith.constant 112 : i32
        %add3A_1659 = arith.addi %add3A_1657, %add3A_1658 : i32
        %add3A_1660 = vector.broadcast %add3A_1659 : i32 to vector<16xi32>
        %add3A_1661 = arith.addi %add3A_1660, %iota3A : vector<16xi32>
        %rem3A_1662 = arith.constant 200 : i32
        %rem3A_1663 = vector.broadcast %rem3A_1662 : i32 to vector<16xi32>
        %rem3A_1664 = arith.remsi %add3A_1661, %rem3A_1663 : vector<16xi32>
        %get3A_1665 = arith.index_cast %add3A_1422 : i32 to index
        %get3A_1666 = arith.constant 112 : index
        %get3A_1667 = tpu.vector_load %arg6[%get3A_1665, %get3A_1666] {strides = array<i32>} : memref<50x128xi32, #tpu.memory_space<vmem>>, vector<1x16xi32>,
        %get3A_1668 = vector.shape_cast %get3A_1667 : vector<1x16xi32> to vector<16xi32>
        %lt3A_1669 = arith.cmpi slt, %rem3A_1664, %get3A_6 : vector<16xi32>
        %add3A_1670 = arith.constant 1 : i32
        %add3A_1671 = vector.broadcast %add3A_1670 : i32 to vector<16xi32>
        %add3A_1672 = arith.addi %get3A_1668, %add3A_1671 : vector<16xi32>
        %jit3A_1673 = arith.constant 0 : i32
        %broadcast_in_dim3A_1674 = vector.broadcast %jit3A_1673 : i32 to vector<16xi32>
        %select_n3A_1675 = arith.select %lt3A_1669, %add3A_1672, %broadcast_in_dim3A_1674 : vector<16xi1>, vector<16xi32>
        %swap3A_1676 = arith.index_cast %add3A_1422 : i32 to index
        %swap3A_1677 = arith.constant 112 : index
        %swap3A_1678 = tpu.vector_load %arg6[%swap3A_1676, %swap3A_1677] {strides = array<i32>} : memref<50x128xi32, #tpu.memory_space<vmem>>, vector<1x16xi32>,
        %swap3A_1679 = vector.shape_cast %swap3A_1678 : vector<1x16xi32> to vector<16xi32>
        %swap3A_1680 = vector.shape_cast %select_n3A_1675 : vector<16xi32> to vector<1x16xi32>
        tpu.vector_store %arg6[%swap3A_1676, %swap3A_1677], %swap3A_1680 {strides = array<i32>} : memref<50x128xi32, #tpu.memory_space<vmem>>, vector<1x16xi32>,
        %mul3A_1681 = arith.constant 128 : i32
        %mul3A_1682 = arith.muli %add3A_1387, %mul3A_1681 : i32
        %add3A_1683 = arith.addi %mul3A_2, %mul3A_1682 : i32
        %dma_wait3A_1684 = arith.constant 3 : i32
        %dma_wait3A_1685 = arith.constant 3 : i32
        %dma_wait3A_1686 = arith.constant 0 : i32
        %dma_wait3A_1687 = arith.constant 0 : i32
        %dma_wait3A_1688 = tpu.memref_slice %arg7[%dma_wait3A_1684, %dma_wait3A_1686, %dma_wait3A_1687] : memref<5x128x128xf32, #tpu.memory_space<vmem>> -> memref<1x128x128xf32, #tpu.memory_space<vmem>>
        %dma_wait3A_1689 = tpu.memref_squeeze %dma_wait3A_1688 : memref<1x128x128xf32, #tpu.memory_space<vmem>> -> memref<128x128xf32, #tpu.memory_space<vmem>>
        %dma_wait3A_1690 = arith.constant 0 : i32
        %dma_wait3A_1691 = tpu.memref_slice %arg5[%add3A_1683, %dma_wait3A_1690] : memref<204800x128xf32, #tpu.memory_space<hbm>> -> memref<128x128xf32, #tpu.memory_space<hbm>>
        %dma_wait3A_1692 = tpu.memref_slice %arg11[%dma_wait3A_1685] : memref<5x!tpu.dma_semaphore, #tpu.memory_space<semaphore_mem>> -> memref<1x!tpu.dma_semaphore, #tpu.memory_space<semaphore_mem>>
        %dma_wait3A_1693 = tpu.memref_squeeze %dma_wait3A_1692 : memref<1x!tpu.dma_semaphore, #tpu.memory_space<semaphore_mem>> -> memref<!tpu.dma_semaphore, #tpu.memory_space<semaphore_mem>>
        %dma_wait3A_1694 = arith.constant 0 : i32
        %dma_wait3A_1695 = tpu.memref_slice %arg5[%add3A_1683, %dma_wait3A_1694] : memref<204800x128xf32, #tpu.memory_space<hbm>> -> memref<128x128xf32, #tpu.memory_space<hbm>>
        %dma_wait3A_1696 = arith.constant 0 : i32
        %dma_wait3A_1697 = arith.constant 0 : i32
        %dma_wait3A_1698 = tpu.memref_slice %arg7[%dma_wait3A_1684, %dma_wait3A_1696, %dma_wait3A_1697] : memref<5x128x128xf32, #tpu.memory_space<vmem>> -> memref<1x128x128xf32, #tpu.memory_space<vmem>>
        %dma_wait3A_1699 = tpu.memref_squeeze %dma_wait3A_1698 : memref<1x128x128xf32, #tpu.memory_space<vmem>> -> memref<128x128xf32, #tpu.memory_space<vmem>>
        tpu.wait_dma2 semaphore(%dma_wait3A_1693 : memref<!tpu.dma_semaphore, #tpu.memory_space<semaphore_mem>>) src(%dma_wait3A_1699 : memref<128x128xf32, #tpu.memory_space<vmem>>) dst(%dma_wait3A_1695 : memref<128x128xf32, #tpu.memory_space<hbm>>)
        %dma_start3A_1700 = arith.constant 3 : i32
        %dma_start3A_1701 = arith.constant 3 : i32
        %dma_start3A_1702 = arith.constant 0 : i32
        %dma_start3A_1703 = arith.constant 0 : i32
        %dma_start3A_1704 = tpu.memref_slice %arg7[%dma_start3A_1700, %dma_start3A_1702, %dma_start3A_1703] : memref<5x128x128xf32, #tpu.memory_space<vmem>> -> memref<1x128x128xf32, #tpu.memory_space<vmem>>
        %dma_start3A_1705 = tpu.memref_squeeze %dma_start3A_1704 : memref<1x128x128xf32, #tpu.memory_space<vmem>> -> memref<128x128xf32, #tpu.memory_space<vmem>>
        %dma_start3A_1706 = arith.constant 0 : i32
        %dma_start3A_1707 = tpu.memref_slice %arg6[%add3A_1422, %dma_start3A_1706] : memref<50x128xi32, #tpu.memory_space<vmem>> -> memref<1x128xi32, #tpu.memory_space<vmem>>
        %dma_start3A_1708 = tpu.memref_squeeze %dma_start3A_1707 : memref<1x128xi32, #tpu.memory_space<vmem>> -> memref<128xi32, #tpu.memory_space<vmem>>
        %dma_start3A_1709 = arith.constant 0 : i32
        %dma_start3A_1710 = arith.constant 0 : i32
        %dma_start3A_1711 = tpu.memref_slice %arg9[%dma_start3A_1709, %dma_start3A_1710] : memref<158x128xf32, #tpu.memory_space<vmem_shared>> -> memref<158x128xf32, #tpu.memory_space<vmem_shared>>
        %dma_start3A_1712 = tpu.memref_slice %arg10[%dma_start3A_1701] : memref<5x!tpu.dma_semaphore, #tpu.memory_space<semaphore_mem>> -> memref<1x!tpu.dma_semaphore, #tpu.memory_space<semaphore_mem>>
        %dma_start3A_1713 = tpu.memref_squeeze %dma_start3A_1712 : memref<1x!tpu.dma_semaphore, #tpu.memory_space<semaphore_mem>> -> memref<!tpu.dma_semaphore, #tpu.memory_space<semaphore_mem>>
        tpu.enqueue_indirect_dma source(%dma_start3A_1711 : memref<158x128xf32, #tpu.memory_space<vmem_shared>>) target(%dma_start3A_1705 : memref<128x128xf32, #tpu.memory_space<vmem>>) offsets(%dma_start3A_1708 : memref<128xi32, #tpu.memory_space<vmem>>) semaphore(%dma_start3A_1713 : memref<!tpu.dma_semaphore, #tpu.memory_space<semaphore_mem>>)
      } else {
      }
      %mul3A_1428 = arith.constant 5 : i32
      %mul3A_1429 = arith.muli %scan3A_1250, %mul3A_1428 : i32
      %add3A_1430 = arith.constant 4 : i32
      %add3A_1431 = arith.addi %mul3A_1429, %add3A_1430 : i32
      %dma_wait3A_1432 = arith.constant 4 : i32
      %dma_wait3A_1433 = arith.constant 4 : i32
      %dma_wait3A_1434 = arith.constant 0 : i32
      %dma_wait3A_1435 = arith.constant 0 : i32
      %dma_wait3A_1436 = tpu.memref_slice %arg7[%dma_wait3A_1432, %dma_wait3A_1434, %dma_wait3A_1435] : memref<5x128x128xf32, #tpu.memory_space<vmem>> -> memref<1x128x128xf32, #tpu.memory_space<vmem>>
      %dma_wait3A_1437 = tpu.memref_squeeze %dma_wait3A_1436 : memref<1x128x128xf32, #tpu.memory_space<vmem>> -> memref<128x128xf32, #tpu.memory_space<vmem>>
      %dma_wait3A_1438 = arith.constant 0 : i32
      %dma_wait3A_1439 = tpu.memref_slice %arg6[%add3A_1431, %dma_wait3A_1438] : memref<50x128xi32, #tpu.memory_space<vmem>> -> memref<1x128xi32, #tpu.memory_space<vmem>>
      %dma_wait3A_1440 = tpu.memref_squeeze %dma_wait3A_1439 : memref<1x128xi32, #tpu.memory_space<vmem>> -> memref<128xi32, #tpu.memory_space<vmem>>
      %dma_wait3A_1441 = arith.constant 0 : i32
      %dma_wait3A_1442 = arith.constant 0 : i32
      %dma_wait3A_1443 = tpu.memref_slice %arg9[%dma_wait3A_1441, %dma_wait3A_1442] : memref<158x128xf32, #tpu.memory_space<vmem_shared>> -> memref<158x128xf32, #tpu.memory_space<vmem_shared>>
      %dma_wait3A_1444 = tpu.memref_slice %arg10[%dma_wait3A_1433] : memref<5x!tpu.dma_semaphore, #tpu.memory_space<semaphore_mem>> -> memref<1x!tpu.dma_semaphore, #tpu.memory_space<semaphore_mem>>
      %dma_wait3A_1445 = tpu.memref_squeeze %dma_wait3A_1444 : memref<1x!tpu.dma_semaphore, #tpu.memory_space<semaphore_mem>> -> memref<!tpu.dma_semaphore, #tpu.memory_space<semaphore_mem>>
      tpu.wait_indirect_dma semaphore(%dma_wait3A_1445 : memref<!tpu.dma_semaphore, #tpu.memory_space<semaphore_mem>>) src(%dma_wait3A_1443 : memref<158x128xf32, #tpu.memory_space<vmem_shared>>) dst(%dma_wait3A_1437 : memref<128x128xf32, #tpu.memory_space<vmem>>)
      %mul3A_1446 = arith.constant 128 : i32
      %mul3A_1447 = arith.muli %add3A_1431, %mul3A_1446 : i32
      %add3A_1448 = arith.addi %mul3A_2, %mul3A_1447 : i32
      %dma_start3A_1449 = arith.constant 4 : i32
      %dma_start3A_1450 = arith.constant 4 : i32
      %dma_start3A_1451 = arith.constant 0 : i32
      %dma_start3A_1452 = arith.constant 0 : i32
      %dma_start3A_1453 = tpu.memref_slice %arg7[%dma_start3A_1449, %dma_start3A_1451, %dma_start3A_1452] : memref<5x128x128xf32, #tpu.memory_space<vmem>> -> memref<1x128x128xf32, #tpu.memory_space<vmem>>
      %dma_start3A_1454 = tpu.memref_squeeze %dma_start3A_1453 : memref<1x128x128xf32, #tpu.memory_space<vmem>> -> memref<128x128xf32, #tpu.memory_space<vmem>>
      %dma_start3A_1455 = arith.constant 0 : i32
      %dma_start3A_1456 = tpu.memref_slice %arg5[%add3A_1448, %dma_start3A_1455] : memref<204800x128xf32, #tpu.memory_space<hbm>> -> memref<128x128xf32, #tpu.memory_space<hbm>>
      %dma_start3A_1457 = tpu.memref_slice %arg11[%dma_start3A_1450] : memref<5x!tpu.dma_semaphore, #tpu.memory_space<semaphore_mem>> -> memref<1x!tpu.dma_semaphore, #tpu.memory_space<semaphore_mem>>
      %dma_start3A_1458 = tpu.memref_squeeze %dma_start3A_1457 : memref<1x!tpu.dma_semaphore, #tpu.memory_space<semaphore_mem>> -> memref<!tpu.dma_semaphore, #tpu.memory_space<semaphore_mem>>
      %dma_start3A_1459 = arith.constant 0 : i32
      %dma_start3A_1460 = tpu.memref_slice %arg5[%add3A_1448, %dma_start3A_1459] : memref<204800x128xf32, #tpu.memory_space<hbm>> -> memref<128x128xf32, #tpu.memory_space<hbm>>
      %dma_start3A_1461 = arith.constant 0 : i32
      %dma_start3A_1462 = arith.constant 0 : i32
      %dma_start3A_1463 = tpu.memref_slice %arg7[%dma_start3A_1449, %dma_start3A_1461, %dma_start3A_1462] : memref<5x128x128xf32, #tpu.memory_space<vmem>> -> memref<1x128x128xf32, #tpu.memory_space<vmem>>
      %dma_start3A_1464 = tpu.memref_squeeze %dma_start3A_1463 : memref<1x128x128xf32, #tpu.memory_space<vmem>> -> memref<128x128xf32, #tpu.memory_space<vmem>>
      tpu.enqueue_dma source(%dma_start3A_1464 : memref<128x128xf32, #tpu.memory_space<vmem>>) target(%dma_start3A_1460 : memref<128x128xf32, #tpu.memory_space<hbm>>) target_semaphore(%dma_start3A_1458 : memref<!tpu.dma_semaphore, #tpu.memory_space<semaphore_mem>>)
      %add3A_1465 = arith.constant 5 : i32
      %add3A_1466 = arith.addi %add3A_1431, %add3A_1465 : i32
      %lt3A_1467 = arith.constant 50 : i32
      %lt3A_1468 = arith.cmpi slt, %add3A_1466, %lt3A_1467 : i32
      %convert_element_type3A_1469 = arith.extui %lt3A_1468 : i1 to i32
      %cond3A_1470 = arith.constant 0 : i32
      %cond3A_1471 = arith.cmpi ne, %convert_element_type3A_1469, %cond3A_1470 : i32
      scf.if %cond3A_1471 {
        %mul3A_1473 = arith.constant 128 : i32
        %mul3A_1474 = arith.muli %add3A_1466, %mul3A_1473 : i32
        %add3A_1475 = arith.addi %mul3A_2, %mul3A_1474 : i32
        %add3A_1476 = arith.constant 0 : i32
        %add3A_1477 = arith.addi %add3A_1475, %add3A_1476 : i32
        %add3A_1478 = vector.broadcast %add3A_1477 : i32 to vector<16xi32>
        %add3A_1479 = arith.addi %add3A_1478, %iota3A : vector<16xi32>
        %rem3A_1480 = arith.constant 200 : i32
        %rem3A_1481 = vector.broadcast %rem3A_1480 : i32 to vector<16xi32>
        %rem3A_1482 = arith.remsi %add3A_1479, %rem3A_1481 : vector<16xi32>
        %get3A_1483 = arith.index_cast %add3A_1466 : i32 to index
        %get3A_1484 = arith.constant 0 : index
        %get3A_1485 = tpu.vector_load %arg6[%get3A_1483, %get3A_1484] {strides = array<i32>} : memref<50x128xi32, #tpu.memory_space<vmem>>, vector<1x16xi32>,
        %get3A_1486 = vector.shape_cast %get3A_1485 : vector<1x16xi32> to vector<16xi32>
        %lt3A_1487 = arith.cmpi slt, %rem3A_1482, %get3A_6 : vector<16xi32>
        %add3A_1488 = arith.constant 1 : i32
        %add3A_1489 = vector.broadcast %add3A_1488 : i32 to vector<16xi32>
        %add3A_1490 = arith.addi %get3A_1486, %add3A_1489 : vector<16xi32>
        %jit3A_1491 = arith.constant 0 : i32
        %broadcast_in_dim3A_1492 = vector.broadcast %jit3A_1491 : i32 to vector<16xi32>
        %select_n3A_1493 = arith.select %lt3A_1487, %add3A_1490, %broadcast_in_dim3A_1492 : vector<16xi1>, vector<16xi32>
        %swap3A_1494 = arith.index_cast %add3A_1466 : i32 to index
        %swap3A_1495 = arith.constant 0 : index
        %swap3A_1496 = tpu.vector_load %arg6[%swap3A_1494, %swap3A_1495] {strides = array<i32>} : memref<50x128xi32, #tpu.memory_space<vmem>>, vector<1x16xi32>,
        %swap3A_1497 = vector.shape_cast %swap3A_1496 : vector<1x16xi32> to vector<16xi32>
        %swap3A_1498 = vector.shape_cast %select_n3A_1493 : vector<16xi32> to vector<1x16xi32>
        tpu.vector_store %arg6[%swap3A_1494, %swap3A_1495], %swap3A_1498 {strides = array<i32>} : memref<50x128xi32, #tpu.memory_space<vmem>>, vector<1x16xi32>,
        %mul3A_1499 = arith.constant 128 : i32
        %mul3A_1500 = arith.muli %add3A_1466, %mul3A_1499 : i32
        %add3A_1501 = arith.addi %mul3A_2, %mul3A_1500 : i32
        %add3A_1502 = arith.constant 16 : i32
        %add3A_1503 = arith.addi %add3A_1501, %add3A_1502 : i32
        %add3A_1504 = vector.broadcast %add3A_1503 : i32 to vector<16xi32>
        %add3A_1505 = arith.addi %add3A_1504, %iota3A : vector<16xi32>
        %rem3A_1506 = arith.constant 200 : i32
        %rem3A_1507 = vector.broadcast %rem3A_1506 : i32 to vector<16xi32>
        %rem3A_1508 = arith.remsi %add3A_1505, %rem3A_1507 : vector<16xi32>
        %get3A_1509 = arith.index_cast %add3A_1466 : i32 to index
        %get3A_1510 = arith.constant 16 : index
        %get3A_1511 = tpu.vector_load %arg6[%get3A_1509, %get3A_1510] {strides = array<i32>} : memref<50x128xi32, #tpu.memory_space<vmem>>, vector<1x16xi32>,
        %get3A_1512 = vector.shape_cast %get3A_1511 : vector<1x16xi32> to vector<16xi32>
        %lt3A_1513 = arith.cmpi slt, %rem3A_1508, %get3A_6 : vector<16xi32>
        %add3A_1514 = arith.constant 1 : i32
        %add3A_1515 = vector.broadcast %add3A_1514 : i32 to vector<16xi32>
        %add3A_1516 = arith.addi %get3A_1512, %add3A_1515 : vector<16xi32>
        %jit3A_1517 = arith.constant 0 : i32
        %broadcast_in_dim3A_1518 = vector.broadcast %jit3A_1517 : i32 to vector<16xi32>
        %select_n3A_1519 = arith.select %lt3A_1513, %add3A_1516, %broadcast_in_dim3A_1518 : vector<16xi1>, vector<16xi32>
        %swap3A_1520 = arith.index_cast %add3A_1466 : i32 to index
        %swap3A_1521 = arith.constant 16 : index
        %swap3A_1522 = tpu.vector_load %arg6[%swap3A_1520, %swap3A_1521] {strides = array<i32>} : memref<50x128xi32, #tpu.memory_space<vmem>>, vector<1x16xi32>,
        %swap3A_1523 = vector.shape_cast %swap3A_1522 : vector<1x16xi32> to vector<16xi32>
        %swap3A_1524 = vector.shape_cast %select_n3A_1519 : vector<16xi32> to vector<1x16xi32>
        tpu.vector_store %arg6[%swap3A_1520, %swap3A_1521], %swap3A_1524 {strides = array<i32>} : memref<50x128xi32, #tpu.memory_space<vmem>>, vector<1x16xi32>,
        %mul3A_1525 = arith.constant 128 : i32
        %mul3A_1526 = arith.muli %add3A_1466, %mul3A_1525 : i32
        %add3A_1527 = arith.addi %mul3A_2, %mul3A_1526 : i32
        %add3A_1528 = arith.constant 32 : i32
        %add3A_1529 = arith.addi %add3A_1527, %add3A_1528 : i32
        %add3A_1530 = vector.broadcast %add3A_1529 : i32 to vector<16xi32>
        %add3A_1531 = arith.addi %add3A_1530, %iota3A : vector<16xi32>
        %rem3A_1532 = arith.constant 200 : i32
        %rem3A_1533 = vector.broadcast %rem3A_1532 : i32 to vector<16xi32>
        %rem3A_1534 = arith.remsi %add3A_1531, %rem3A_1533 : vector<16xi32>
        %get3A_1535 = arith.index_cast %add3A_1466 : i32 to index
        %get3A_1536 = arith.constant 32 : index
        %get3A_1537 = tpu.vector_load %arg6[%get3A_1535, %get3A_1536] {strides = array<i32>} : memref<50x128xi32, #tpu.memory_space<vmem>>, vector<1x16xi32>,
        %get3A_1538 = vector.shape_cast %get3A_1537 : vector<1x16xi32> to vector<16xi32>
        %lt3A_1539 = arith.cmpi slt, %rem3A_1534, %get3A_6 : vector<16xi32>
        %add3A_1540 = arith.constant 1 : i32
        %add3A_1541 = vector.broadcast %add3A_1540 : i32 to vector<16xi32>
        %add3A_1542 = arith.addi %get3A_1538, %add3A_1541 : vector<16xi32>
        %jit3A_1543 = arith.constant 0 : i32
        %broadcast_in_dim3A_1544 = vector.broadcast %jit3A_1543 : i32 to vector<16xi32>
        %select_n3A_1545 = arith.select %lt3A_1539, %add3A_1542, %broadcast_in_dim3A_1544 : vector<16xi1>, vector<16xi32>
        %swap3A_1546 = arith.index_cast %add3A_1466 : i32 to index
        %swap3A_1547 = arith.constant 32 : index
        %swap3A_1548 = tpu.vector_load %arg6[%swap3A_1546, %swap3A_1547] {strides = array<i32>} : memref<50x128xi32, #tpu.memory_space<vmem>>, vector<1x16xi32>,
        %swap3A_1549 = vector.shape_cast %swap3A_1548 : vector<1x16xi32> to vector<16xi32>
        %swap3A_1550 = vector.shape_cast %select_n3A_1545 : vector<16xi32> to vector<1x16xi32>
        tpu.vector_store %arg6[%swap3A_1546, %swap3A_1547], %swap3A_1550 {strides = array<i32>} : memref<50x128xi32, #tpu.memory_space<vmem>>, vector<1x16xi32>,
        %mul3A_1551 = arith.constant 128 : i32
        %mul3A_1552 = arith.muli %add3A_1466, %mul3A_1551 : i32
        %add3A_1553 = arith.addi %mul3A_2, %mul3A_1552 : i32
        %add3A_1554 = arith.constant 48 : i32
        %add3A_1555 = arith.addi %add3A_1553, %add3A_1554 : i32
        %add3A_1556 = vector.broadcast %add3A_1555 : i32 to vector<16xi32>
        %add3A_1557 = arith.addi %add3A_1556, %iota3A : vector<16xi32>
        %rem3A_1558 = arith.constant 200 : i32
        %rem3A_1559 = vector.broadcast %rem3A_1558 : i32 to vector<16xi32>
        %rem3A_1560 = arith.remsi %add3A_1557, %rem3A_1559 : vector<16xi32>
        %get3A_1561 = arith.index_cast %add3A_1466 : i32 to index
        %get3A_1562 = arith.constant 48 : index
        %get3A_1563 = tpu.vector_load %arg6[%get3A_1561, %get3A_1562] {strides = array<i32>} : memref<50x128xi32, #tpu.memory_space<vmem>>, vector<1x16xi32>,
        %get3A_1564 = vector.shape_cast %get3A_1563 : vector<1x16xi32> to vector<16xi32>
        %lt3A_1565 = arith.cmpi slt, %rem3A_1560, %get3A_6 : vector<16xi32>
        %add3A_1566 = arith.constant 1 : i32
        %add3A_1567 = vector.broadcast %add3A_1566 : i32 to vector<16xi32>
        %add3A_1568 = arith.addi %get3A_1564, %add3A_1567 : vector<16xi32>
        %jit3A_1569 = arith.constant 0 : i32
        %broadcast_in_dim3A_1570 = vector.broadcast %jit3A_1569 : i32 to vector<16xi32>
        %select_n3A_1571 = arith.select %lt3A_1565, %add3A_1568, %broadcast_in_dim3A_1570 : vector<16xi1>, vector<16xi32>
        %swap3A_1572 = arith.index_cast %add3A_1466 : i32 to index
        %swap3A_1573 = arith.constant 48 : index
        %swap3A_1574 = tpu.vector_load %arg6[%swap3A_1572, %swap3A_1573] {strides = array<i32>} : memref<50x128xi32, #tpu.memory_space<vmem>>, vector<1x16xi32>,
        %swap3A_1575 = vector.shape_cast %swap3A_1574 : vector<1x16xi32> to vector<16xi32>
        %swap3A_1576 = vector.shape_cast %select_n3A_1571 : vector<16xi32> to vector<1x16xi32>
        tpu.vector_store %arg6[%swap3A_1572, %swap3A_1573], %swap3A_1576 {strides = array<i32>} : memref<50x128xi32, #tpu.memory_space<vmem>>, vector<1x16xi32>,
        %mul3A_1577 = arith.constant 128 : i32
        %mul3A_1578 = arith.muli %add3A_1466, %mul3A_1577 : i32
        %add3A_1579 = arith.addi %mul3A_2, %mul3A_1578 : i32
        %add3A_1580 = arith.constant 64 : i32
        %add3A_1581 = arith.addi %add3A_1579, %add3A_1580 : i32
        %add3A_1582 = vector.broadcast %add3A_1581 : i32 to vector<16xi32>
        %add3A_1583 = arith.addi %add3A_1582, %iota3A : vector<16xi32>
        %rem3A_1584 = arith.constant 200 : i32
        %rem3A_1585 = vector.broadcast %rem3A_1584 : i32 to vector<16xi32>
        %rem3A_1586 = arith.remsi %add3A_1583, %rem3A_1585 : vector<16xi32>
        %get3A_1587 = arith.index_cast %add3A_1466 : i32 to index
        %get3A_1588 = arith.constant 64 : index
        %get3A_1589 = tpu.vector_load %arg6[%get3A_1587, %get3A_1588] {strides = array<i32>} : memref<50x128xi32, #tpu.memory_space<vmem>>, vector<1x16xi32>,
        %get3A_1590 = vector.shape_cast %get3A_1589 : vector<1x16xi32> to vector<16xi32>
        %lt3A_1591 = arith.cmpi slt, %rem3A_1586, %get3A_6 : vector<16xi32>
        %add3A_1592 = arith.constant 1 : i32
        %add3A_1593 = vector.broadcast %add3A_1592 : i32 to vector<16xi32>
        %add3A_1594 = arith.addi %get3A_1590, %add3A_1593 : vector<16xi32>
        %jit3A_1595 = arith.constant 0 : i32
        %broadcast_in_dim3A_1596 = vector.broadcast %jit3A_1595 : i32 to vector<16xi32>
        %select_n3A_1597 = arith.select %lt3A_1591, %add3A_1594, %broadcast_in_dim3A_1596 : vector<16xi1>, vector<16xi32>
        %swap3A_1598 = arith.index_cast %add3A_1466 : i32 to index
        %swap3A_1599 = arith.constant 64 : index
        %swap3A_1600 = tpu.vector_load %arg6[%swap3A_1598, %swap3A_1599] {strides = array<i32>} : memref<50x128xi32, #tpu.memory_space<vmem>>, vector<1x16xi32>,
        %swap3A_1601 = vector.shape_cast %swap3A_1600 : vector<1x16xi32> to vector<16xi32>
        %swap3A_1602 = vector.shape_cast %select_n3A_1597 : vector<16xi32> to vector<1x16xi32>
        tpu.vector_store %arg6[%swap3A_1598, %swap3A_1599], %swap3A_1602 {strides = array<i32>} : memref<50x128xi32, #tpu.memory_space<vmem>>, vector<1x16xi32>,
        %mul3A_1603 = arith.constant 128 : i32
        %mul3A_1604 = arith.muli %add3A_1466, %mul3A_1603 : i32
        %add3A_1605 = arith.addi %mul3A_2, %mul3A_1604 : i32
        %add3A_1606 = arith.constant 80 : i32
        %add3A_1607 = arith.addi %add3A_1605, %add3A_1606 : i32
        %add3A_1608 = vector.broadcast %add3A_1607 : i32 to vector<16xi32>
        %add3A_1609 = arith.addi %add3A_1608, %iota3A : vector<16xi32>
        %rem3A_1610 = arith.constant 200 : i32
        %rem3A_1611 = vector.broadcast %rem3A_1610 : i32 to vector<16xi32>
        %rem3A_1612 = arith.remsi %add3A_1609, %rem3A_1611 : vector<16xi32>
        %get3A_1613 = arith.index_cast %add3A_1466 : i32 to index
        %get3A_1614 = arith.constant 80 : index
        %get3A_1615 = tpu.vector_load %arg6[%get3A_1613, %get3A_1614] {strides = array<i32>} : memref<50x128xi32, #tpu.memory_space<vmem>>, vector<1x16xi32>,
        %get3A_1616 = vector.shape_cast %get3A_1615 : vector<1x16xi32> to vector<16xi32>
        %lt3A_1617 = arith.cmpi slt, %rem3A_1612, %get3A_6 : vector<16xi32>
        %add3A_1618 = arith.constant 1 : i32
        %add3A_1619 = vector.broadcast %add3A_1618 : i32 to vector<16xi32>
        %add3A_1620 = arith.addi %get3A_1616, %add3A_1619 : vector<16xi32>
        %jit3A_1621 = arith.constant 0 : i32
        %broadcast_in_dim3A_1622 = vector.broadcast %jit3A_1621 : i32 to vector<16xi32>
        %select_n3A_1623 = arith.select %lt3A_1617, %add3A_1620, %broadcast_in_dim3A_1622 : vector<16xi1>, vector<16xi32>
        %swap3A_1624 = arith.index_cast %add3A_1466 : i32 to index
        %swap3A_1625 = arith.constant 80 : index
        %swap3A_1626 = tpu.vector_load %arg6[%swap3A_1624, %swap3A_1625] {strides = array<i32>} : memref<50x128xi32, #tpu.memory_space<vmem>>, vector<1x16xi32>,
        %swap3A_1627 = vector.shape_cast %swap3A_1626 : vector<1x16xi32> to vector<16xi32>
        %swap3A_1628 = vector.shape_cast %select_n3A_1623 : vector<16xi32> to vector<1x16xi32>
        tpu.vector_store %arg6[%swap3A_1624, %swap3A_1625], %swap3A_1628 {strides = array<i32>} : memref<50x128xi32, #tpu.memory_space<vmem>>, vector<1x16xi32>,
        %mul3A_1629 = arith.constant 128 : i32
        %mul3A_1630 = arith.muli %add3A_1466, %mul3A_1629 : i32
        %add3A_1631 = arith.addi %mul3A_2, %mul3A_1630 : i32
        %add3A_1632 = arith.constant 96 : i32
        %add3A_1633 = arith.addi %add3A_1631, %add3A_1632 : i32
        %add3A_1634 = vector.broadcast %add3A_1633 : i32 to vector<16xi32>
        %add3A_1635 = arith.addi %add3A_1634, %iota3A : vector<16xi32>
        %rem3A_1636 = arith.constant 200 : i32
        %rem3A_1637 = vector.broadcast %rem3A_1636 : i32 to vector<16xi32>
        %rem3A_1638 = arith.remsi %add3A_1635, %rem3A_1637 : vector<16xi32>
        %get3A_1639 = arith.index_cast %add3A_1466 : i32 to index
        %get3A_1640 = arith.constant 96 : index
        %get3A_1641 = tpu.vector_load %arg6[%get3A_1639, %get3A_1640] {strides = array<i32>} : memref<50x128xi32, #tpu.memory_space<vmem>>, vector<1x16xi32>,
        %get3A_1642 = vector.shape_cast %get3A_1641 : vector<1x16xi32> to vector<16xi32>
        %lt3A_1643 = arith.cmpi slt, %rem3A_1638, %get3A_6 : vector<16xi32>
        %add3A_1644 = arith.constant 1 : i32
        %add3A_1645 = vector.broadcast %add3A_1644 : i32 to vector<16xi32>
        %add3A_1646 = arith.addi %get3A_1642, %add3A_1645 : vector<16xi32>
        %jit3A_1647 = arith.constant 0 : i32
        %broadcast_in_dim3A_1648 = vector.broadcast %jit3A_1647 : i32 to vector<16xi32>
        %select_n3A_1649 = arith.select %lt3A_1643, %add3A_1646, %broadcast_in_dim3A_1648 : vector<16xi1>, vector<16xi32>
        %swap3A_1650 = arith.index_cast %add3A_1466 : i32 to index
        %swap3A_1651 = arith.constant 96 : index
        %swap3A_1652 = tpu.vector_load %arg6[%swap3A_1650, %swap3A_1651] {strides = array<i32>} : memref<50x128xi32, #tpu.memory_space<vmem>>, vector<1x16xi32>,
        %swap3A_1653 = vector.shape_cast %swap3A_1652 : vector<1x16xi32> to vector<16xi32>
        %swap3A_1654 = vector.shape_cast %select_n3A_1649 : vector<16xi32> to vector<1x16xi32>
        tpu.vector_store %arg6[%swap3A_1650, %swap3A_1651], %swap3A_1654 {strides = array<i32>} : memref<50x128xi32, #tpu.memory_space<vmem>>, vector<1x16xi32>,
        %mul3A_1655 = arith.constant 128 : i32
        %mul3A_1656 = arith.muli %add3A_1466, %mul3A_1655 : i32
        %add3A_1657 = arith.addi %mul3A_2, %mul3A_1656 : i32
        %add3A_1658 = arith.constant 112 : i32
        %add3A_1659 = arith.addi %add3A_1657, %add3A_1658 : i32
        %add3A_1660 = vector.broadcast %add3A_1659 : i32 to vector<16xi32>
        %add3A_1661 = arith.addi %add3A_1660, %iota3A : vector<16xi32>
        %rem3A_1662 = arith.constant 200 : i32
        %rem3A_1663 = vector.broadcast %rem3A_1662 : i32 to vector<16xi32>
        %rem3A_1664 = arith.remsi %add3A_1661, %rem3A_1663 : vector<16xi32>
        %get3A_1665 = arith.index_cast %add3A_1466 : i32 to index
        %get3A_1666 = arith.constant 112 : index
        %get3A_1667 = tpu.vector_load %arg6[%get3A_1665, %get3A_1666] {strides = array<i32>} : memref<50x128xi32, #tpu.memory_space<vmem>>, vector<1x16xi32>,
        %get3A_1668 = vector.shape_cast %get3A_1667 : vector<1x16xi32> to vector<16xi32>
        %lt3A_1669 = arith.cmpi slt, %rem3A_1664, %get3A_6 : vector<16xi32>
        %add3A_1670 = arith.constant 1 : i32
        %add3A_1671 = vector.broadcast %add3A_1670 : i32 to vector<16xi32>
        %add3A_1672 = arith.addi %get3A_1668, %add3A_1671 : vector<16xi32>
        %jit3A_1673 = arith.constant 0 : i32
        %broadcast_in_dim3A_1674 = vector.broadcast %jit3A_1673 : i32 to vector<16xi32>
        %select_n3A_1675 = arith.select %lt3A_1669, %add3A_1672, %broadcast_in_dim3A_1674 : vector<16xi1>, vector<16xi32>
        %swap3A_1676 = arith.index_cast %add3A_1466 : i32 to index
        %swap3A_1677 = arith.constant 112 : index
        %swap3A_1678 = tpu.vector_load %arg6[%swap3A_1676, %swap3A_1677] {strides = array<i32>} : memref<50x128xi32, #tpu.memory_space<vmem>>, vector<1x16xi32>,
        %swap3A_1679 = vector.shape_cast %swap3A_1678 : vector<1x16xi32> to vector<16xi32>
        %swap3A_1680 = vector.shape_cast %select_n3A_1675 : vector<16xi32> to vector<1x16xi32>
        tpu.vector_store %arg6[%swap3A_1676, %swap3A_1677], %swap3A_1680 {strides = array<i32>} : memref<50x128xi32, #tpu.memory_space<vmem>>, vector<1x16xi32>,
        %mul3A_1681 = arith.constant 128 : i32
        %mul3A_1682 = arith.muli %add3A_1431, %mul3A_1681 : i32
        %add3A_1683 = arith.addi %mul3A_2, %mul3A_1682 : i32
        %dma_wait3A_1684 = arith.constant 4 : i32
        %dma_wait3A_1685 = arith.constant 4 : i32
        %dma_wait3A_1686 = arith.constant 0 : i32
        %dma_wait3A_1687 = arith.constant 0 : i32
        %dma_wait3A_1688 = tpu.memref_slice %arg7[%dma_wait3A_1684, %dma_wait3A_1686, %dma_wait3A_1687] : memref<5x128x128xf32, #tpu.memory_space<vmem>> -> memref<1x128x128xf32, #tpu.memory_space<vmem>>
        %dma_wait3A_1689 = tpu.memref_squeeze %dma_wait3A_1688 : memref<1x128x128xf32, #tpu.memory_space<vmem>> -> memref<128x128xf32, #tpu.memory_space<vmem>>
        %dma_wait3A_1690 = arith.constant 0 : i32
        %dma_wait3A_1691 = tpu.memref_slice %arg5[%add3A_1683, %dma_wait3A_1690] : memref<204800x128xf32, #tpu.memory_space<hbm>> -> memref<128x128xf32, #tpu.memory_space<hbm>>
        %dma_wait3A_1692 = tpu.memref_slice %arg11[%dma_wait3A_1685] : memref<5x!tpu.dma_semaphore, #tpu.memory_space<semaphore_mem>> -> memref<1x!tpu.dma_semaphore, #tpu.memory_space<semaphore_mem>>
        %dma_wait3A_1693 = tpu.memref_squeeze %dma_wait3A_1692 : memref<1x!tpu.dma_semaphore, #tpu.memory_space<semaphore_mem>> -> memref<!tpu.dma_semaphore, #tpu.memory_space<semaphore_mem>>
        %dma_wait3A_1694 = arith.constant 0 : i32
        %dma_wait3A_1695 = tpu.memref_slice %arg5[%add3A_1683, %dma_wait3A_1694] : memref<204800x128xf32, #tpu.memory_space<hbm>> -> memref<128x128xf32, #tpu.memory_space<hbm>>
        %dma_wait3A_1696 = arith.constant 0 : i32
        %dma_wait3A_1697 = arith.constant 0 : i32
        %dma_wait3A_1698 = tpu.memref_slice %arg7[%dma_wait3A_1684, %dma_wait3A_1696, %dma_wait3A_1697] : memref<5x128x128xf32, #tpu.memory_space<vmem>> -> memref<1x128x128xf32, #tpu.memory_space<vmem>>
        %dma_wait3A_1699 = tpu.memref_squeeze %dma_wait3A_1698 : memref<1x128x128xf32, #tpu.memory_space<vmem>> -> memref<128x128xf32, #tpu.memory_space<vmem>>
        tpu.wait_dma2 semaphore(%dma_wait3A_1693 : memref<!tpu.dma_semaphore, #tpu.memory_space<semaphore_mem>>) src(%dma_wait3A_1699 : memref<128x128xf32, #tpu.memory_space<vmem>>) dst(%dma_wait3A_1695 : memref<128x128xf32, #tpu.memory_space<hbm>>)
        %dma_start3A_1700 = arith.constant 4 : i32
        %dma_start3A_1701 = arith.constant 4 : i32
        %dma_start3A_1702 = arith.constant 0 : i32
        %dma_start3A_1703 = arith.constant 0 : i32
        %dma_start3A_1704 = tpu.memref_slice %arg7[%dma_start3A_1700, %dma_start3A_1702, %dma_start3A_1703] : memref<5x128x128xf32, #tpu.memory_space<vmem>> -> memref<1x128x128xf32, #tpu.memory_space<vmem>>
        %dma_start3A_1705 = tpu.memref_squeeze %dma_start3A_1704 : memref<1x128x128xf32, #tpu.memory_space<vmem>> -> memref<128x128xf32, #tpu.memory_space<vmem>>
        %dma_start3A_1706 = arith.constant 0 : i32
        %dma_start3A_1707 = tpu.memref_slice %arg6[%add3A_1466, %dma_start3A_1706] : memref<50x128xi32, #tpu.memory_space<vmem>> -> memref<1x128xi32, #tpu.memory_space<vmem>>
        %dma_start3A_1708 = tpu.memref_squeeze %dma_start3A_1707 : memref<1x128xi32, #tpu.memory_space<vmem>> -> memref<128xi32, #tpu.memory_space<vmem>>
        %dma_start3A_1709 = arith.constant 0 : i32
        %dma_start3A_1710 = arith.constant 0 : i32
        %dma_start3A_1711 = tpu.memref_slice %arg9[%dma_start3A_1709, %dma_start3A_1710] : memref<158x128xf32, #tpu.memory_space<vmem_shared>> -> memref<158x128xf32, #tpu.memory_space<vmem_shared>>
        %dma_start3A_1712 = tpu.memref_slice %arg10[%dma_start3A_1701] : memref<5x!tpu.dma_semaphore, #tpu.memory_space<semaphore_mem>> -> memref<1x!tpu.dma_semaphore, #tpu.memory_space<semaphore_mem>>
        %dma_start3A_1713 = tpu.memref_squeeze %dma_start3A_1712 : memref<1x!tpu.dma_semaphore, #tpu.memory_space<semaphore_mem>> -> memref<!tpu.dma_semaphore, #tpu.memory_space<semaphore_mem>>
        tpu.enqueue_indirect_dma source(%dma_start3A_1711 : memref<158x128xf32, #tpu.memory_space<vmem_shared>>) target(%dma_start3A_1705 : memref<128x128xf32, #tpu.memory_space<vmem>>) offsets(%dma_start3A_1708 : memref<128xi32, #tpu.memory_space<vmem>>) semaphore(%dma_start3A_1713 : memref<!tpu.dma_semaphore, #tpu.memory_space<semaphore_mem>>)
      } else {
      }
      %scan3A_1472 = arith.constant 0 : i32
      scf.yield %scan3A_1472 : i32
    }
    %scan3A_1160 = arith.constant 10 : i32
    %add3A_1161 = arith.constant 5760 : i32
    %add3A_1162 = arith.addi %mul3A_2, %add3A_1161 : i32
    %dma_wait3A = arith.constant 0 : i32
    %dma_wait3A_1163 = arith.constant 0 : i32
    %dma_wait3A_1164 = arith.constant 0 : i32
    %dma_wait3A_1165 = arith.constant 0 : i32
    %dma_wait3A_1166 = tpu.memref_slice %arg7[%dma_wait3A, %dma_wait3A_1164, %dma_wait3A_1165] : memref<5x128x128xf32, #tpu.memory_space<vmem>> -> memref<1x128x128xf32, #tpu.memory_space<vmem>>
    %dma_wait3A_1167 = tpu.memref_squeeze %dma_wait3A_1166 : memref<1x128x128xf32, #tpu.memory_space<vmem>> -> memref<128x128xf32, #tpu.memory_space<vmem>>
    %dma_wait3A_1168 = arith.constant 0 : i32
    %dma_wait3A_1169 = tpu.memref_slice %arg5[%add3A_1162, %dma_wait3A_1168] : memref<204800x128xf32, #tpu.memory_space<hbm>> -> memref<128x128xf32, #tpu.memory_space<hbm>>
    %dma_wait3A_1170 = tpu.memref_slice %arg11[%dma_wait3A_1163] : memref<5x!tpu.dma_semaphore, #tpu.memory_space<semaphore_mem>> -> memref<1x!tpu.dma_semaphore, #tpu.memory_space<semaphore_mem>>
    %dma_wait3A_1171 = tpu.memref_squeeze %dma_wait3A_1170 : memref<1x!tpu.dma_semaphore, #tpu.memory_space<semaphore_mem>> -> memref<!tpu.dma_semaphore, #tpu.memory_space<semaphore_mem>>
    %dma_wait3A_1172 = arith.constant 0 : i32
    %dma_wait3A_1173 = tpu.memref_slice %arg5[%add3A_1162, %dma_wait3A_1172] : memref<204800x128xf32, #tpu.memory_space<hbm>> -> memref<128x128xf32, #tpu.memory_space<hbm>>
    %dma_wait3A_1174 = arith.constant 0 : i32
    %dma_wait3A_1175 = arith.constant 0 : i32
    %dma_wait3A_1176 = tpu.memref_slice %arg7[%dma_wait3A, %dma_wait3A_1174, %dma_wait3A_1175] : memref<5x128x128xf32, #tpu.memory_space<vmem>> -> memref<1x128x128xf32, #tpu.memory_space<vmem>>
    %dma_wait3A_1177 = tpu.memref_squeeze %dma_wait3A_1176 : memref<1x128x128xf32, #tpu.memory_space<vmem>> -> memref<128x128xf32, #tpu.memory_space<vmem>>
    tpu.wait_dma2 semaphore(%dma_wait3A_1171 : memref<!tpu.dma_semaphore, #tpu.memory_space<semaphore_mem>>) src(%dma_wait3A_1177 : memref<128x128xf32, #tpu.memory_space<vmem>>) dst(%dma_wait3A_1173 : memref<128x128xf32, #tpu.memory_space<hbm>>)
    %add3A_1178 = arith.constant 5888 : i32
    %add3A_1179 = arith.addi %mul3A_2, %add3A_1178 : i32
    %dma_wait3A_1180 = arith.constant 1 : i32
    %dma_wait3A_1181 = arith.constant 1 : i32
    %dma_wait3A_1182 = arith.constant 0 : i32
    %dma_wait3A_1183 = arith.constant 0 : i32
    %dma_wait3A_1184 = tpu.memref_slice %arg7[%dma_wait3A_1180, %dma_wait3A_1182, %dma_wait3A_1183] : memref<5x128x128xf32, #tpu.memory_space<vmem>> -> memref<1x128x128xf32, #tpu.memory_space<vmem>>
    %dma_wait3A_1185 = tpu.memref_squeeze %dma_wait3A_1184 : memref<1x128x128xf32, #tpu.memory_space<vmem>> -> memref<128x128xf32, #tpu.memory_space<vmem>>
    %dma_wait3A_1186 = arith.constant 0 : i32
    %dma_wait3A_1187 = tpu.memref_slice %arg5[%add3A_1179, %dma_wait3A_1186] : memref<204800x128xf32, #tpu.memory_space<hbm>> -> memref<128x128xf32, #tpu.memory_space<hbm>>
    %dma_wait3A_1188 = tpu.memref_slice %arg11[%dma_wait3A_1181] : memref<5x!tpu.dma_semaphore, #tpu.memory_space<semaphore_mem>> -> memref<1x!tpu.dma_semaphore, #tpu.memory_space<semaphore_mem>>
    %dma_wait3A_1189 = tpu.memref_squeeze %dma_wait3A_1188 : memref<1x!tpu.dma_semaphore, #tpu.memory_space<semaphore_mem>> -> memref<!tpu.dma_semaphore, #tpu.memory_space<semaphore_mem>>
    %dma_wait3A_1190 = arith.constant 0 : i32
    %dma_wait3A_1191 = tpu.memref_slice %arg5[%add3A_1179, %dma_wait3A_1190] : memref<204800x128xf32, #tpu.memory_space<hbm>> -> memref<128x128xf32, #tpu.memory_space<hbm>>
    %dma_wait3A_1192 = arith.constant 0 : i32
    %dma_wait3A_1193 = arith.constant 0 : i32
    %dma_wait3A_1194 = tpu.memref_slice %arg7[%dma_wait3A_1180, %dma_wait3A_1192, %dma_wait3A_1193] : memref<5x128x128xf32, #tpu.memory_space<vmem>> -> memref<1x128x128xf32, #tpu.memory_space<vmem>>
    %dma_wait3A_1195 = tpu.memref_squeeze %dma_wait3A_1194 : memref<1x128x128xf32, #tpu.memory_space<vmem>> -> memref<128x128xf32, #tpu.memory_space<vmem>>
    tpu.wait_dma2 semaphore(%dma_wait3A_1189 : memref<!tpu.dma_semaphore, #tpu.memory_space<semaphore_mem>>) src(%dma_wait3A_1195 : memref<128x128xf32, #tpu.memory_space<vmem>>) dst(%dma_wait3A_1191 : memref<128x128xf32, #tpu.memory_space<hbm>>)
    %add3A_1196 = arith.constant 6016 : i32
    %add3A_1197 = arith.addi %mul3A_2, %add3A_1196 : i32
    %dma_wait3A_1198 = arith.constant 2 : i32
    %dma_wait3A_1199 = arith.constant 2 : i32
    %dma_wait3A_1200 = arith.constant 0 : i32
    %dma_wait3A_1201 = arith.constant 0 : i32
    %dma_wait3A_1202 = tpu.memref_slice %arg7[%dma_wait3A_1198, %dma_wait3A_1200, %dma_wait3A_1201] : memref<5x128x128xf32, #tpu.memory_space<vmem>> -> memref<1x128x128xf32, #tpu.memory_space<vmem>>
    %dma_wait3A_1203 = tpu.memref_squeeze %dma_wait3A_1202 : memref<1x128x128xf32, #tpu.memory_space<vmem>> -> memref<128x128xf32, #tpu.memory_space<vmem>>
    %dma_wait3A_1204 = arith.constant 0 : i32
    %dma_wait3A_1205 = tpu.memref_slice %arg5[%add3A_1197, %dma_wait3A_1204] : memref<204800x128xf32, #tpu.memory_space<hbm>> -> memref<128x128xf32, #tpu.memory_space<hbm>>
    %dma_wait3A_1206 = tpu.memref_slice %arg11[%dma_wait3A_1199] : memref<5x!tpu.dma_semaphore, #tpu.memory_space<semaphore_mem>> -> memref<1x!tpu.dma_semaphore, #tpu.memory_space<semaphore_mem>>
    %dma_wait3A_1207 = tpu.memref_squeeze %dma_wait3A_1206 : memref<1x!tpu.dma_semaphore, #tpu.memory_space<semaphore_mem>> -> memref<!tpu.dma_semaphore, #tpu.memory_space<semaphore_mem>>
    %dma_wait3A_1208 = arith.constant 0 : i32
    %dma_wait3A_1209 = tpu.memref_slice %arg5[%add3A_1197, %dma_wait3A_1208] : memref<204800x128xf32, #tpu.memory_space<hbm>> -> memref<128x128xf32, #tpu.memory_space<hbm>>
    %dma_wait3A_1210 = arith.constant 0 : i32
    %dma_wait3A_1211 = arith.constant 0 : i32
    %dma_wait3A_1212 = tpu.memref_slice %arg7[%dma_wait3A_1198, %dma_wait3A_1210, %dma_wait3A_1211] : memref<5x128x128xf32, #tpu.memory_space<vmem>> -> memref<1x128x128xf32, #tpu.memory_space<vmem>>
    %dma_wait3A_1213 = tpu.memref_squeeze %dma_wait3A_1212 : memref<1x128x128xf32, #tpu.memory_space<vmem>> -> memref<128x128xf32, #tpu.memory_space<vmem>>
    tpu.wait_dma2 semaphore(%dma_wait3A_1207 : memref<!tpu.dma_semaphore, #tpu.memory_space<semaphore_mem>>) src(%dma_wait3A_1213 : memref<128x128xf32, #tpu.memory_space<vmem>>) dst(%dma_wait3A_1209 : memref<128x128xf32, #tpu.memory_space<hbm>>)
    %add3A_1214 = arith.constant 6144 : i32
    %add3A_1215 = arith.addi %mul3A_2, %add3A_1214 : i32
    %dma_wait3A_1216 = arith.constant 3 : i32
    %dma_wait3A_1217 = arith.constant 3 : i32
    %dma_wait3A_1218 = arith.constant 0 : i32
    %dma_wait3A_1219 = arith.constant 0 : i32
    %dma_wait3A_1220 = tpu.memref_slice %arg7[%dma_wait3A_1216, %dma_wait3A_1218, %dma_wait3A_1219] : memref<5x128x128xf32, #tpu.memory_space<vmem>> -> memref<1x128x128xf32, #tpu.memory_space<vmem>>
    %dma_wait3A_1221 = tpu.memref_squeeze %dma_wait3A_1220 : memref<1x128x128xf32, #tpu.memory_space<vmem>> -> memref<128x128xf32, #tpu.memory_space<vmem>>
    %dma_wait3A_1222 = arith.constant 0 : i32
    %dma_wait3A_1223 = tpu.memref_slice %arg5[%add3A_1215, %dma_wait3A_1222] : memref<204800x128xf32, #tpu.memory_space<hbm>> -> memref<128x128xf32, #tpu.memory_space<hbm>>
    %dma_wait3A_1224 = tpu.memref_slice %arg11[%dma_wait3A_1217] : memref<5x!tpu.dma_semaphore, #tpu.memory_space<semaphore_mem>> -> memref<1x!tpu.dma_semaphore, #tpu.memory_space<semaphore_mem>>
    %dma_wait3A_1225 = tpu.memref_squeeze %dma_wait3A_1224 : memref<1x!tpu.dma_semaphore, #tpu.memory_space<semaphore_mem>> -> memref<!tpu.dma_semaphore, #tpu.memory_space<semaphore_mem>>
    %dma_wait3A_1226 = arith.constant 0 : i32
    %dma_wait3A_1227 = tpu.memref_slice %arg5[%add3A_1215, %dma_wait3A_1226] : memref<204800x128xf32, #tpu.memory_space<hbm>> -> memref<128x128xf32, #tpu.memory_space<hbm>>
    %dma_wait3A_1228 = arith.constant 0 : i32
    %dma_wait3A_1229 = arith.constant 0 : i32
    %dma_wait3A_1230 = tpu.memref_slice %arg7[%dma_wait3A_1216, %dma_wait3A_1228, %dma_wait3A_1229] : memref<5x128x128xf32, #tpu.memory_space<vmem>> -> memref<1x128x128xf32, #tpu.memory_space<vmem>>
    %dma_wait3A_1231 = tpu.memref_squeeze %dma_wait3A_1230 : memref<1x128x128xf32, #tpu.memory_space<vmem>> -> memref<128x128xf32, #tpu.memory_space<vmem>>
    tpu.wait_dma2 semaphore(%dma_wait3A_1225 : memref<!tpu.dma_semaphore, #tpu.memory_space<semaphore_mem>>) src(%dma_wait3A_1231 : memref<128x128xf32, #tpu.memory_space<vmem>>) dst(%dma_wait3A_1227 : memref<128x128xf32, #tpu.memory_space<hbm>>)
    %add3A_1232 = arith.constant 6272 : i32
    %add3A_1233 = arith.addi %mul3A_2, %add3A_1232 : i32
    %dma_wait3A_1234 = arith.constant 4 : i32
    %dma_wait3A_1235 = arith.constant 4 : i32
    %dma_wait3A_1236 = arith.constant 0 : i32
    %dma_wait3A_1237 = arith.constant 0 : i32
    %dma_wait3A_1238 = tpu.memref_slice %arg7[%dma_wait3A_1234, %dma_wait3A_1236, %dma_wait3A_1237] : memref<5x128x128xf32, #tpu.memory_space<vmem>> -> memref<1x128x128xf32, #tpu.memory_space<vmem>>
    %dma_wait3A_1239 = tpu.memref_squeeze %dma_wait3A_1238 : memref<1x128x128xf32, #tpu.memory_space<vmem>> -> memref<128x128xf32, #tpu.memory_space<vmem>>
    %dma_wait3A_1240 = arith.constant 0 : i32
    %dma_wait3A_1241 = tpu.memref_slice %arg5[%add3A_1233, %dma_wait3A_1240] : memref<204800x128xf32, #tpu.memory_space<hbm>> -> memref<128x128xf32, #tpu.memory_space<hbm>>
    %dma_wait3A_1242 = tpu.memref_slice %arg11[%dma_wait3A_1235] : memref<5x!tpu.dma_semaphore, #tpu.memory_space<semaphore_mem>> -> memref<1x!tpu.dma_semaphore, #tpu.memory_space<semaphore_mem>>
    %dma_wait3A_1243 = tpu.memref_squeeze %dma_wait3A_1242 : memref<1x!tpu.dma_semaphore, #tpu.memory_space<semaphore_mem>> -> memref<!tpu.dma_semaphore, #tpu.memory_space<semaphore_mem>>
    %dma_wait3A_1244 = arith.constant 0 : i32
    %dma_wait3A_1245 = tpu.memref_slice %arg5[%add3A_1233, %dma_wait3A_1244] : memref<204800x128xf32, #tpu.memory_space<hbm>> -> memref<128x128xf32, #tpu.memory_space<hbm>>
    %dma_wait3A_1246 = arith.constant 0 : i32
    %dma_wait3A_1247 = arith.constant 0 : i32
    %dma_wait3A_1248 = tpu.memref_slice %arg7[%dma_wait3A_1234, %dma_wait3A_1246, %dma_wait3A_1247] : memref<5x128x128xf32, #tpu.memory_space<vmem>> -> memref<1x128x128xf32, #tpu.memory_space<vmem>>
    %dma_wait3A_1249 = tpu.memref_squeeze %dma_wait3A_1248 : memref<1x128x128xf32, #tpu.memory_space<vmem>> -> memref<128x128xf32, #tpu.memory_space<vmem>>
    tpu.wait_dma2 semaphore(%dma_wait3A_1243 : memref<!tpu.dma_semaphore, #tpu.memory_space<semaphore_mem>>) src(%dma_wait3A_1249 : memref<128x128xf32, #tpu.memory_space<vmem>>) dst(%dma_wait3A_1245 : memref<128x128xf32, #tpu.memory_space<hbm>>)
    return
  }
}

</mosaic_0001>

<sc_bundles>
// kernel: kernel.3.cloned.1.call-start
scs
__scs_entry_jumppad:
0x0: {  	(pc) =	sbr.rel $0x88, $3  }
0x1: {  	(tag) =	ssettag $0x0;
	lr =	simm.s32 $0x1  }
0x2: {  	[smem:$0x3F9E] =	sst lr;
	_ =	strace $0xD0000000  }
0x3: {  	_ = 	snop  }
0x4: {  	_ = 	snop  }
0x5: {  	_ = 	snop  }
0x6: {  	_ = 	snop  }
0x7: {  	_ = 	snop  }
__scs_overlays_trampoline_lowered:
0x8: {  	[smem:$0x3FAD] =	sst s0  }
0x9: {  	[smem:$0x3FAE] =	sst s1  }
0xa: {  	[smem:$0x3FAF] =	sst s2  }
0xb: {  	[smem:$0x3FB0] =	sst s3  }
0xc: {  	[smem:$0x3FB1] =	sst s4  }
0xd: {  	[smem:$0x3FB2] =	sst s5  }
0xe: {  	[smem:$0x3FB3] =	sst s6  }
0xf: {  	[smem:$0x3FB4] =	sst s7  }
0x10: {  	[smem:$0x3FB5] =	sst s8  }
0x11: {  	[smem:$0x3FB6] =	sst s9;
	s0 =	simm.s32 @!p0 $0x0  }
0x12: {  	s1 =	sld [smem:$0x3F9C];
	s0 =	simm.s32 @p0 $0x1  }
0x13: {  	[smem:$0x3FB7] =	sst s0;
	s0 =	simm.s32 @!p1 $0x0  }
0x14: {  	s2 =	sld [smem:$0x3F9B];
	s0 =	simm.s32 @p1 $0x1  }
0x15: {  	[smem:$0x3FB8] =	sst s0;
	s0 =	simm.s32 @!p2 $0x0  }
0x16: {  	s3 =	sld [smem:$0x3FDB];
	s0 =	simm.s32 @p2 $0x1  }
0x17: {  	s4 =	simm.s32 $0x1BF5;
	[smem:$0x3FBA] =	sst s0  }
0x18: {  	s0 =	sld [smem:$0x3F9D];
	_ =	swait.ge [sflag:s4], $0x0  }
0x19: {  	s7 =	sld [smem:$0x3F9E]  }
0x1a: {  	s8 =	sadd.s32 $0xFFFFE003, lr  }
0x1b: {  	s9 =	sadd.s32 $0xFFFFFEF7, lr;
	s5 =	simm.s32 $0xFFFFFFFF;
	p2 =	slt.u32 s8, $0xFFFFF086  }
0x1c: {  	p1 =	slt.u32 s9, $0xF7A;
	s5 =	simm.s32 @!p2 $0x0  }
0x1d: {  	s5 =	simm.s32 @p1 $0x1;
	p0 =	seq.s32 s7, s2  }
0x1e: {  	s7 =	smul.u32 @!p0 $0xF7A, s2;
	p2 =	seq.s32 @!p0 s5, $0x0  }
0x1f: {  	s9 =	smul.u32 $0xF7A, s1;
	s8 =	simm.s32 @!p0 $0x1BF5;
	p2 =	por !p2, p0  }
0x20: {  	[sflag:s8] =	ssyncset.s32 @!p0 $0xFFFFF086;
	s6 =	sadd.s32 @!p0 s3, s7;
	s7 =	simm.s32 @!p0 $0x108  }
0x21: {  	s3 =	sadd.s32 s3, s9;
	s6 =	sadd.s32 @!p0 $0x88, s6;
	s7 =	simm.s32 @p2 $0x1082  }
0x22: {  	[simem:s7], [sflag:s8] =	dma.local @!p0 [hbm:s6], $0xF7A  }
0x23: {  	s9 =	sor.u32 $0xD0000000, s2;
	s6 =	simm.s32 $0x108;
	_ =	swait.ge @!p0 [sflag:s8], $0x0  }
0x24: {  	s3 =	sadd.s32 $0x88, s3;
	s6 =	simm.s32 @!p1 $0x1082;
	[sflag:s4] =	ssyncset.s32 $0xFFFFF086  }
0x25: {  	[simem:s6], [sflag:s4] =	dma.local [hbm:s3], $0xF7A  }
0x26: {  	[smem:$0x3F9E] =	sst s1;
	(tag) =	ssettag s2;
	_ =	strace s9  }
0x27: {  	s1 =	sld [smem:$0x3FAE]  }
0x28: {  	s2 =	sld [smem:$0x3FAF]  }
0x29: {  	s4 =	sld [smem:$0x3FB1]  }
0x2a: {  	p0 =	seq.s32 s5, $0x0;
	s5 =	sld [smem:$0x3FB2]  }
0x2b: {  	s6 =	sld [smem:$0x3FB3]  }
0x2c: {  	s7 =	sld [smem:$0x3FB4]  }
0x2d: {  	s3 =	simm.s32 $0x108;
	s8 =	sld [smem:$0x3FB5]  }
0x2e: {  	s3 =	simm.s32 @!p0 $0x1082;
	s9 =	sld [smem:$0x3FB6]  }
0x2f: {  	lr =	sadd.s32 s0, s3;
	s0 =	sld [smem:$0x3FAD]  }
0x30: {  	s3 =	sld [smem:$0x3FB0]  }
0x31: {  	[smem:$0x3FB9] =	sst s10  }
0x32: {  	s10 =	sld [smem:$0x3FB7];
	_ =	sdelay $0x3  }
0x33: {  	p0 =	seq.s32 s10, $0x1;
	s10 =	sld [smem:$0x3FB9];
	_ =	sdelay $0x3  }
0x34: {  	[smem:$0x3FB9] =	sst s10  }
0x35: {  	s10 =	sld [smem:$0x3FB8];
	_ =	sdelay $0x3  }
0x36: {  	p1 =	seq.s32 s10, $0x1;
	s10 =	sld [smem:$0x3FB9];
	_ =	sdelay $0x3  }
0x37: {  	[smem:$0x3FB9] =	sst s10  }
0x38: {  	s10 =	sld [smem:$0x3FBA]  }
0x39: {  	_ = 	snop;
	(pc) =	sbr.ind lr, $3  }
0x3a: {  	_ = 	snop  }
0x3b: {  	_ = 	snop  }
0x3c: {  	p2 =	seq.s32 s10, $0x1;
	s10 =	sld [smem:$0x3FB9]  }
0x3d: {  	_ =	shalt  }
0x3e: {  	_ =	shalt  }
0x3f: {  	_ =	shalt  }
0x40: {  	_ =	shalt  }
0x41: {  	_ =	shalt  }
0x42: {  	_ =	shalt  }
0x43: {  	_ =	shalt  }
0x44: {  	_ =	shalt  }
0x45: {  	_ =	shalt  }
0x46: {  	_ =	shalt  }
0x47: {  	_ =	shalt  }
0x48: {  	_ =	shalt  }
0x49: {  	_ =	shalt  }
0x4a: {  	_ =	shalt  }
0x4b: {  	_ =	shalt  }
0x4c: {  	_ =	shalt  }
0x4d: {  	_ =	shalt  }
0x4e: {  	_ =	shalt  }
0x4f: {  	_ =	shalt  }
0x50: {  	_ =	shalt  }
0x51: {  	_ =	shalt  }
0x52: {  	_ =	shalt  }
0x53: {  	_ =	shalt  }
0x54: {  	_ =	shalt  }
0x55: {  	_ =	shalt  }
0x56: {  	_ =	shalt  }
0x57: {  	_ =	shalt  }
0x58: {  	_ =	shalt  }
0x59: {  	_ =	shalt  }
0x5a: {  	_ =	shalt  }
0x5b: {  	_ =	shalt  }
0x5c: {  	_ =	shalt  }
0x5d: {  	_ =	shalt  }
0x5e: {  	_ =	shalt  }
0x5f: {  	_ =	shalt  }
0x60: {  	_ =	shalt  }
0x61: {  	_ =	shalt  }
0x62: {  	_ =	shalt  }
0x63: {  	_ =	shalt  }
0x64: {  	_ =	shalt  }
0x65: {  	_ =	shalt  }
0x66: {  	_ =	shalt  }
0x67: {  	_ =	shalt  }
0x68: {  	_ =	shalt  }
0x69: {  	_ =	shalt  }
0x6a: {  	_ =	shalt  }
0x6b: {  	_ =	shalt  }
0x6c: {  	_ =	shalt  }
0x6d: {  	_ =	shalt  }
0x6e: {  	_ =	shalt  }
0x6f: {  	_ =	shalt  }
0x70: {  	_ =	shalt  }
0x71: {  	_ =	shalt  }
0x72: {  	_ =	shalt  }
0x73: {  	_ =	shalt  }
0x74: {  	_ =	shalt  }
0x75: {  	_ =	shalt  }
0x76: {  	_ =	shalt  }
0x77: {  	_ =	shalt  }
0x78: {  	_ =	shalt  }
0x79: {  	_ =	shalt  }
0x7a: {  	_ =	shalt  }
0x7b: {  	_ =	shalt  }
0x7c: {  	_ =	shalt  }
0x7d: {  	_ =	shalt  }
0x7e: {  	_ =	shalt  }
0x7f: {  	_ =	shalt  }
0x80: {  	_ =	shalt  }
0x81: {  	_ =	shalt  }
0x82: {  	_ =	shalt  }
0x83: {  	_ =	shalt  }
0x84: {  	_ =	shalt  }
0x85: {  	_ =	shalt  }
0x86: {  	_ =	shalt  }
0x87: {  	_ =	shalt  }
.Lfunc_end0:
.L_simem_size_0:
called_computation_lowered:
.L_overlay_start_0:
0x88: {  	s2 =	sld [smem:$0x3FD9]  }
0x89: {  	s3 =	sld [smem:$0x3FFE];
	_ =	sdelay $0x1  }
0x8a: {  	s1 =	srdreg.scid  }
0x8b: {  	s0 =	sand.u32 $0x1, s1  }
0x8c: {  	s17 =	sshll.u32 s0, $0xA;
	s2 =	sadd.s32 s3, s2  }
0x8d: {  	s2 =	sadd.s32 s2, s17  }
0x8e: {  	[smem:$0x3FC5] =	sst s2  }
0x8f: {  	_ = 	snop  }
0x90: {  	s2 =	sld [smem:$0x3FC7]  }
0x91: {  	s18 =	sld [smem:$0x3FD0];
	(tm) =	ssettm $0x1  }
0x92: {  	s4 =	sld [smem:$0x3FFB];
	_ =	sdelay $0x3  }
0x93: {  	_ =	strace s4  }
0x94: {  	s4 =	sld [smem:$0x3FFC];
	_ =	sdelay $0x3  }
0x95: {  	_ =	strace s4  }
0x96: {  	s4 =	sld [smem:$0x3FFD];
	_ =	sdelay $0x3  }
0x97: {  	_ =	strace s4  }
0x98: {  	_ =	strace $0x8FFFFFFF  }
0x99: {  	s19 =	sld [smem:$0x3FDB];
	_ =	sdelay $0x1  }
0x9a: {  	s5 =	simm.s32 $_scs_section_size  }
0x9b: {  	s6 =	simm.s32 $_size__tile_overlayer_lowered;
	s7 =	simm.s32 $_tile_overlayer_lowered  }
0x9c: {  	s22 =	simm.s32 $0x1BFF;
	s21 =	sshll.u32 s7, $0x1;
	s4 =	sadd.s32 s5, s19  }
0x9d: {  	s8 =	simm.s32 $0x0;
	s20 =	sshll.u32 s6, $0x1;
	s6 =	sadd.s32 s21, s4  }
0x9e: {  	[timem:s8], [sflag:s22] =	dma.local [hbm:s6], s20  }
0x9f: {  	_ =	swait.ge [sflag:s22], s20  }
0xa0: {  	s5 =	ssub.s32 $0x0, s20;
	[sflag:s22] =	ssyncset.done $0x0  }
0xa1: {  	[sflag:s22] =	ssyncadd.s32 s5;
	_ =	sdelay $0x1  }
0xa2: {  	s23 =	simm.s32 $0x1B8B  }
0xa3: {  	_ =	swait.ge [sflag:s23], $0x1  }
0xa4: {  	[sflag:s23] =	ssyncset.done $0x0  }
0xa5: {  	s25 =	simm.s32 $0x1B8E;
	s24 =	sld [smem:$0x3FFE];
	[sflag:s23] =	ssyncadd.s32 $0xFFFFFFFF  }
0xa6: {  	s26 =	simm.s32 $execute0_lowered;
	[smem:$0x3FD2] =	sst s25  }
0xa7: {  	s6 =	sshll.u32 s26, $0x1;
	_ =	strace $0x80000046;
	[dreg:$0x1] =	wrdreg $0xFFFFFFFF  }
0xa8: {  	s28 =	simm.s32 $_size_execute0_lowered;
	s4 =	sadd.s32 s4, s6;
	[dreg:$0x0] =	wrdreg $0x0  }
0xa9: {  	s6 =	sshll.u32 s28, $0x1;
	[dreg:$0x2] =	wrdreg s4  }
0xaa: {  	[dreg:$0x3] =	wrdreg s6  }
0xab: {  	[dreg:$0x4] =	wrdreg $0xC0  }
0xac: {  	_ =	task [dreg:s8], $0x5FFFF  }
0xad: {  	[dreg:$0x1] =	wrdreg $0xFFFFFFFF  }
0xae: {  	[dreg:$0x0] =	wrdreg $0x60  }
0xaf: {  	[dreg:$0x2] =	wrdreg s24  }
0xb0: {  	[dreg:$0x3] =	wrdreg s2  }
0xb1: {  	[dreg:$0x4] =	wrdreg s18  }
0xb2: {  	[dreg:$0x5] =	wrdreg $0x15C800  }
0xb3: {  	[dreg:$0x6] =	wrdreg $0x9  }
0xb4: {  	_ =	task.clear_ibuf [dreg:s8], $0x7FFFF;
	_ =	strace $0x90000046  }
0xb5: {  	s29 =	simm.s32 $0x9;
	_ =	strace $0x80000048  }
0xb6: {  	_ =	swait.ge [sflag:s29], $0x1  }
0xb7: {  	[sflag:s29] =	ssyncadd.s32 $0xFFFFFFFF  }
0xb8: {  	_ =	strace $0x90000048  }
0xb9: {  	_ =	sfence  }
0xba: {  	s30 =	sld [smem:$0x0];
	_ =	sdelay $0x2  }
0xbb: {  	s31 =	sshll.u32 s1, $0xD;
	s1 =	sshrl.u32 s1, $0x2  }
0xbc: {  	s3 =	sand.u32 $0x4000, s31;
	s1 =	sadd.s32 s1, s30  }
0xbd: {  	s0 =	sor.u32 s3, s0;
	s1 =	sshll.u32 s1, $0x11  }
0xbe: {  	s0 =	sor.u32 s1, s0  }
0xbf: {  	s0 =	sadd.s32 $0x8F2B, s0  }
0xc0: {  	[sflag:s0] =	ssyncadd.remote.s32 $0x1  }
0xc1: {  	_ =	sfence.sel $0xFFFF  }
0xc2: {  	[dreg:$0x0] =	wrdreg $0xFFFFFFFF;
	(pc) =	sbr.abs _section_cstart, $3  }
0xc3: {  	[dreg:$0x1] =	wrdreg $0xFFFFFFFF  }
0xc4: {  	_ =	task.clear_ibuf [dreg:s8], $0x2FFFF;
	_ =	strace $0x9FFFFFFF  }
0xc5: {  	(tm) =	ssettm $0x7FFFFFFF  }
tec
execute0_lowered:
.L_overlay_start_1:
0x0: {  	(tag) =	ssettag $0x1  }
0x1: {  	s1 =	srdreg.scid;
	s0 =	stileid.u32  }
0x2: {  	s1 =	sand.u32 $0x1, s1;
	s2 =	sshll.u32 s0, $0x1  }
0x3: {  	s7 =	sor.u32 s1, s2  }
0x4: {  	s6 =	smul.u32 $0x1900, s7  }
0x5: {  	v0 =	vlaneseq.u32  }
0x6: {  	v1 =	vor.u32 s6, v0;
	s10 =	sor.u32 $0x10, s6  }
0x7: {  	s11 =	sor.u32 $0x20, s6;
	v2 =	vmulhi.u32 $0x51EB851F, v1;
	v3 =	vor.u32 s10, v0  }
0x8: {  	s12 =	sor.u32 $0x30, s6;
	v5 =	vor.u32 s11, v0;
	v4 =	vmulhi.u32 $0x51EB851F, v3  }
0x9: {  	s13 =	sor.u32 $0x40, s6;
	v7 =	vor.u32 s12, v0;
	v6 =	vmulhi.u32 $0x51EB851F, v5  }
0xa: {  	s17 =	sor.u32 $0x80, s6;
	v9 =	vor.u32 s13, v0;
	v8 =	vmulhi.u32 $0x51EB851F, v7  }
0xb: {  	s18 =	sor.u32 $0x90, s6;
	v12 =	vor.u32 s17, v0;
	v10 =	vmulhi.u32 $0x51EB851F, v9  }
0xc: {  	s5 =	sadd.s32 $0x140, s6;
	v14 =	vor.u32 s18, v0;
	v13 =	vmulhi.u32 $0x51EB851F, v12  }
0xd: {  	s8 =	sadd.s32 $0x150, s6;
	v24 =	vor.u32 s5, v0;
	v15 =	vmulhi.u32 $0x51EB851F, v14  }
0xe: {  	s16 =	sor.u32 $0x70, s6;
	s9 =	sadd.s32 $0x160, s6;
	v26 =	vor.u32 s8, v0;
	v25 =	vmulhi.u32 $0x51EB851F, v24  }
0xf: {  	s19 =	sor.u32 $0xA0, s6;
	v11 =	vor.u32 s16, v0;
	v28 =	vor.u32 s9, v0;
	s13 =	sadd.s32 $0x1A0, s6;
	v27 =	vmulhi.u32 $0x51EB851F, v26  }
0x10: {  	s21 =	sor.u32 $0xC0, s6;
	v16 =	vor.u32 s19, v0;
	s5 =	sadd.s32 $0x1E0, s6;
	v29 =	vmulhi.u32 $0x51EB851F, v28;
	v30 =	vor.u32 s13, v0  }
0x11: {  	s22 =	sor.u32 $0xD0, s6;
	v17 =	vor.u32 s21, v0;
	s16 =	sadd.s32 $0x1F0, s6;
	v49 =	vor.u32 s5, v0;
	v31 =	vmulhi.u32 $0x51EB851F, v30  }
0x12: {  	s25 =	sadd.s32 $0x100, s6;
	v18 =	vor.u32 s22, v0;
	s21 =	sadd.s32 $0x220, s6;
	v51 =	vor.u32 s16, v0;
	v50 =	vmulhi.u32 $0x51EB851F, v49  }
0x13: {  	v23 =	vor.u32 s25, v0;
	s22 =	sadd.s32 $0x230, s6;
	v55 =	vor.u32 s21, v0;
	v52 =	vmulhi.u32 $0x51EB851F, v51  }
0x14: {  	s13 =	sadd.s32 $0x260, s6;
	v39 =	vor.u32 s22, v0;
	v2 =	vshrl.u32 v2, $0x6;
	v57 =	vmulhi.u32 $0x51EB851F, v55  }
0x15: {  	v40 =	vmulhi.u32 $0x51EB851F, v39;
	v43 =	vor.u32 s13, v0;
	v2 =	vmul.u32 $0xC8, v2  }
0x16: {  	v4 =	vshrl.u32 v4, $0x6;
	v6 =	vshrl.u32 v6, $0x6;
	v13 =	vshrl.u32 v13, $0x6  }
0x17: {  	v25 =	vshrl.u32 v25, $0x6;
	v4 =	vmul.u32 $0xC8, v4;
	v6 =	vmul.u32 $0xC8, v6  }
0x18: {  	v44 =	vmulhi.u32 $0x51EB851F, v43;
	v13 =	vmul.u32 $0xC8, v13;
	v25 =	vmul.u32 $0xC8, v25  }
0x19: {  	s14 =	sor.u32 $0x50, s6;
	v1 =	vsub.s32 v1, v2;
	v2 =	vsub.s32 v3, v4;
	v3 =	vsub.s32 v5, v6  }
0x1a: {  	s15 =	sor.u32 $0x60, s6;
	v4 =	vshrl.u32 v8, $0x6;
	v5 =	vshrl.u32 v10, $0x6;
	v6 =	vor.u32 s14, v0;
	s14 =	sadd.s32 $0x1B0, s6  }
0x1b: {  	v10 =	vor.u32 s15, v0;
	s15 =	sadd.s32 $0x1C0, s6;
	v8 =	vmulhi.u32 $0x51EB851F, v6;
	v32 =	vor.u32 s14, v0  }
0x1c: {  	v4 =	vmul.u32 $0xC8, v4;
	v34 =	vor.u32 s15, v0;
	v33 =	vmulhi.u32 $0x51EB851F, v32  }
0x1d: {  	v31 =	vshrl.u32 v31, $0x6;
	v5 =	vmul.u32 $0xC8, v5;
	v35 =	vmulhi.u32 $0x51EB851F, v34  }
0x1e: {  	v40 =	vshrl.u32 v40, $0x6;
	v4 =	vsub.s32 v7, v4;
	v7 =	vmulhi.u32 $0x51EB851F, v10  }
0x1f: {  	v31 =	vmul.u32 $0xC8, v31;
	s15 =	sadd.s32 $0x270, s6;
	v5 =	vsub.s32 v9, v5;
	v9 =	vmulhi.u32 $0x51EB851F, v11  }
0x20: {  	v45 =	vor.u32 s15, v0;
	v8 =	vshrl.u32 v8, $0x6;
	v7 =	vshrl.u32 v7, $0x6  }
0x21: {  	v8 =	vmul.u32 $0xC8, v8;
	v9 =	vshrl.u32 v9, $0x6;
	v7 =	vmul.u32 $0xC8, v7  }
0x22: {  	v40 =	vmul.u32 $0xC8, v40;
	v46 =	vmulhi.u32 $0x51EB851F, v45;
	v9 =	vmul.u32 $0xC8, v9  }
0x23: {  	v6 =	vsub.s32 v6, v8;
	v7 =	vsub.s32 v10, v7;
	v10 =	vmulhi.u32 $0x51EB851F, v16  }
0x24: {  	s20 =	sor.u32 $0xB0, s6;
	v8 =	vsub.s32 v11, v9;
	v9 =	vsub.s32 v12, v13;
	v11 =	vshrl.u32 v15, $0x6  }
0x25: {  	v12 =	vor.u32 s20, v0;
	v11 =	vmul.u32 $0xC8, v11;
	v10 =	vshrl.u32 v10, $0x6  }
0x26: {  	v61 =	vshrl.u32 v44, $0x6;
	v15 =	vmulhi.u32 $0x51EB851F, v12;
	v13 =	vmul.u32 $0xC8, v10  }
0x27: {  	s23 =	sor.u32 $0xE0, s6;
	v48 =	vmul.u32 $0xC8, v61;
	v10 =	vsub.s32 v14, v11;
	v14 =	vmulhi.u32 $0x51EB851F, v17  }
0x28: {  	v11 =	vsub.s32 v16, v13;
	v13 =	vmulhi.u32 $0x51EB851F, v18;
	v16 =	vor.u32 s23, v0  }
0x29: {  	v15 =	vshrl.u32 v15, $0x6;
	v14 =	vshrl.u32 v14, $0x6;
	v19 =	vmulhi.u32 $0x51EB851F, v16  }
0x2a: {  	s24 =	sor.u32 $0xF0, s6;
	v15 =	vmul.u32 $0xC8, v15;
	v14 =	vmul.u32 $0xC8, v14;
	v13 =	vshrl.u32 v13, $0x6  }
0x2b: {  	v20 =	vmul.u32 $0xC8, v13;
	v13 =	vshrl.u32 v19, $0x6;
	v19 =	vor.u32 s24, v0  }
0x2c: {  	v62 =	vshrl.u32 v46, $0x6;
	v21 =	vmul.u32 $0xC8, v13;
	v22 =	vmulhi.u32 $0x51EB851F, v19  }
0x2d: {  	v12 =	vsub.s32 v12, v15;
	v13 =	vsub.s32 v17, v14;
	v17 =	vmulhi.u32 $0x51EB851F, v23  }
0x2e: {  	s26 =	sadd.s32 $0x110, s6;
	v14 =	vsub.s32 v18, v20;
	v15 =	vsub.s32 v16, v21;
	v16 =	vshrl.u32 v22, $0x6  }
0x2f: {  	s3 =	sadd.s32 $0x120, s6;
	v18 =	vor.u32 s26, v0;
	v17 =	vshrl.u32 v17, $0x6;
	v16 =	vmul.u32 $0xC8, v16  }
0x30: {  	s4 =	sadd.s32 $0x130, s6;
	v20 =	vmulhi.u32 $0x51EB851F, v18;
	v21 =	vor.u32 s3, v0;
	v17 =	vmul.u32 $0xC8, v17  }
0x31: {  	v22 =	vor.u32 s4, v0;
	v16 =	vsub.s32 v19, v16;
	v19 =	vmulhi.u32 $0x51EB851F, v21  }
0x32: {  	v44 =	vmul.u32 $0xC8, v62;
	s20 =	sadd.s32 $0x210, s6;
	v17 =	vsub.s32 v23, v17;
	v23 =	vmulhi.u32 $0x51EB851F, v22  }
0x33: {  	v38 =	vor.u32 s20, v0;
	v20 =	vshrl.u32 v20, $0x6;
	v19 =	vshrl.u32 v19, $0x6  }
0x34: {  	s23 =	sadd.s32 $0x240, s6;
	v20 =	vmul.u32 $0xC8, v20;
	v23 =	vshrl.u32 v23, $0x6;
	v19 =	vmul.u32 $0xC8, v19  }
0x35: {  	v54 =	vmulhi.u32 $0x51EB851F, v38;
	v41 =	vor.u32 s23, v0;
	v23 =	vmul.u32 $0xC8, v23  }
0x36: {  	v58 =	vmulhi.u32 $0x51EB851F, v41;
	v18 =	vsub.s32 v18, v20;
	v19 =	vsub.s32 v21, v19  }
0x37: {  	s10 =	sadd.s32 $0x170, s6;
	s11 =	sadd.s32 $0x180, s6;
	v20 =	vsub.s32 v22, v23;
	v21 =	vsub.s32 v24, v25;
	v22 =	vshrl.u32 v27, $0x6  }
0x38: {  	v23 =	vshrl.u32 v29, $0x6;
	v24 =	vor.u32 s10, v0;
	v27 =	vor.u32 s11, v0;
	s11 =	sadd.s32 $0x200, s6  }
0x39: {  	v22 =	vmul.u32 $0xC8, v22;
	v25 =	vmulhi.u32 $0x51EB851F, v24;
	v36 =	vor.u32 s11, v0  }
0x3a: {  	s28 =	simm.s32 $0x5;
	s12 =	sadd.s32 $0x190, s6;
	v56 =	vshrl.u32 v54, $0x6;
	v23 =	vmul.u32 $0xC8, v23;
	v37 =	vmulhi.u32 $0x51EB851F, v36  }
0x3b: {  	s29 =	simm.s32 $0x6;
	s9 =	smul.u32 $0x380, s7;
	v29 =	vor.u32 s12, v0;
	s12 =	sadd.s32 $0x250, s6;
	v22 =	vsub.s32 v26, v22;
	v26 =	vmulhi.u32 $0x51EB851F, v27  }
0x3c: {  	s30 =	simm.s32 $0x7;
	s2 =	rddreg [dreg:$0x3];
	s7 =	smul.u32 $0x19000, s7;
	v42 =	vor.u32 s12, v0;
	v23 =	vsub.s32 v28, v23;
	v28 =	vmulhi.u32 $0x51EB851F, v29  }
0x3d: {  	s31 =	simm.s32 $0x8;
	p0 =	sne.s32 s0, $0x0;
	s8 =	rddreg [dreg:$0x2];
	v59 =	vmulhi.u32 $0x51EB851F, v42;
	v25 =	vshrl.u32 v25, $0x6;
	v26 =	vshrl.u32 v26, $0x6  }
0x3e: {  	s16 =	simm.s32 $0x5C00;
	s25 =	sadd.s32 s8, s7;
	s14 =	smul.u32 $0x32000, s0;
	v25 =	vmul.u32 $0xC8, v25;
	v28 =	vshrl.u32 v28, $0x6;
	v26 =	vmul.u32 $0xC8, v26  }
0x3f: {  	s22 =	simm.s32 $0x11C00;
	s13 =	simm.s32 $0x0;
	s7 =	sadd.s32 $0x17000, s25;
	v53 =	vshrl.u32 v37, $0x6;
	v37 =	vshrl.u32 v57, $0x6;
	v28 =	vmul.u32 $0xC8, v28  }
0x40: {  	s15 =	simm.s32 $0x1C00;
	s8 =	sadd.s32 s14, s8;
	s14 =	simm.s32 $0x80;
	v60 =	vshrl.u32 v59, $0x6;
	v24 =	vsub.s32 v24, v25;
	v25 =	vsub.s32 v27, v26  }
0x41: {  	s20 =	simm.s32 $0xDC00;
	s24 =	smul.u32 $0x19000, s1;
	s3 =	sadd.s32 $0x1D0, s6;
	v26 =	vsub.s32 v29, v28;
	v27 =	vsub.s32 v30, v31;
	v28 =	vshrl.u32 v33, $0x6  }
0x42: {  	s23 =	simm.s32 $0x1;
	s26 =	smul.u32 $0x3200, s0;
	s4 =	rddreg [dreg:$0x0];
	v29 =	vshrl.u32 v35, $0x6;
	v30 =	vor.u32 s3, v0;
	v33 =	vmul.u32 $0xC8, v53  }
0x43: {  	s0 =	simm.s32 $0xA;
	s9 =	sadd.s32 s9, s4;
	s4 =	sadd.s32 $0x7400, s4;
	v28 =	vmul.u32 $0xC8, v28;
	v29 =	vmul.u32 $0xC8, v29;
	v31 =	vmulhi.u32 $0x51EB851F, v30  }
0x44: {  	s19 =	sadd.s32 $0x400, s9;
	s10 =	ssub.s32 $0x2, s1;
	s1 =	smul.u32 $0x1900, s1;
	v37 =	vmul.u32 $0xC8, v37;
	v63 =	vmul.u32 $0xC8, v60;
	v33 =	vsub.s32 v36, v33  }
0x45: {  	s17 =	sshrl.u32 s10, $0x1;
	s11 =	sshrl.u32 @!p0 s2, $0x3;
	s12 =	simm.s32 $0xB;
	v28 =	vsub.s32 v32, v28;
	v29 =	vsub.s32 v34, v29;
	v31 =	vshrl.u32 v31, $0x6  }
0x46: {  	s18 =	ssub.s32 s10, s17;
	s10 =	sadd.s32 s1, s26;
	s3 =	simm.s32 $0x0;
	v32 =	vshrl.u32 v50, $0x6;
	v34 =	vshrl.u32 v52, $0x6;
	v31 =	vmul.u32 $0xC8, v31  }
.Ltmp0:
0x47: {  	s26 =	simm.s32 $0x4;
	[smem:$0x7FF] =	sst s3;
	v36 =	vshrl.u32 v58, $0x6;
	v32 =	vmul.u32 $0xC8, v32;
	v34 =	vmul.u32 $0xC8, v34;
	(pc) =	sbr.rel .LBB2_1-.Ltmp0, $4  }
0x48: {  	s1 =	simm.s32 $0x9;
	v35 =	vsub.s32 v55, v37;
	_ =	strace $0x80000047;
	[dreg:$0x5] =	wrdreg s4;
	v47 =	vmul.u32 $0xC8, v36;
	v30 =	vsub.s32 v30, v31  }
0x49: {  	[dreg:$0x6] =	wrdreg s19;
	s4 =	smax.u32 s18, $0x1;
	s18 =	simm.s32 $0x9C00;
	v31 =	vsub.s32 v49, v32;
	v32 =	vsub.s32 v51, v34;
	v34 =	vmul.u32 $0xC8, v56  }
0x4a: {  	[dreg:$0x7] =	wrdreg s4;
	s4 =	sadd.s32 s24, s8;
	s8 =	sadd.s32 $0x18000, s25;
	v36 =	vsub.s32 v39, v40;
	v39 =	vsub.s32 v43, v48;
	v40 =	vsub.s32 v45, v44  }
0x4b: {  	s24 =	simm.s32 $0x2;
	s25 =	simm.s32 $0x3;
	s21 =	sadd.s32 $0x2000, s4;
	v37 =	vsub.s32 v41, v47;
	v34 =	vsub.s32 v38, v34;
	v38 =	vsub.s32 v42, v63  }
.LBB2_10:
0x4c: {  	_ =	swait.ge [sflag:s29], $0x4000  }
0x4d: {  	[sflag:s29] =	ssyncset.done $0x0  }
0x4e: {  	[sflag:s29] =	ssyncadd.s32 $0xFFFFC000  }
0x4f: {  	_ =	swait.ge [sflag:s30], $0x4000  }
0x50: {  	[sflag:s30] =	ssyncset.done $0x0  }
0x51: {  	[sflag:s30] =	ssyncadd.s32 $0xFFFFC000  }
0x52: {  	_ =	swait.ge [sflag:s31], $0x4000  }
0x53: {  	[sflag:s31] =	ssyncset.done $0x0  }
0x54: {  	[sflag:s31] =	ssyncadd.s32 $0xFFFFC000  }
0x55: {  	_ =	swait.ge [sflag:s1], $0x4000  }
0x56: {  	[sflag:s1] =	ssyncset.done $0x0  }
0x57: {  	[sflag:s1] =	ssyncadd.s32 $0xFFFFC000  }
0x58: {  	_ =	swait.ge [sflag:s0], $0x4000  }
0x59: {  	s13 =	sadd.s32 $0x1, s13;
	s4 =	rddreg [dreg:$0x7]  }
0x5a: {  	p1 =	sne.s32 s13, s4  }
.Ltmp1:
0x5b: {  	_ = 	snop;
	(pc) =	sbr.rel @!p1 .LBB2_11-.Ltmp1, $3  }
0x5c: {  	_ =	sdelay $0x1  }
0x5d: {  	[sflag:s0] =	ssyncset.done $0x0  }
0x5e: {  	[sflag:s0] =	ssyncadd.s32 $0xFFFFC000  }
.LBB2_1:
0x5f: {  	s4 =	simm.s32 @!p0 $0x1C0B;
	s5 =	rddreg [dreg:$0x1]  }
0x60: {  	[spmem:s11], [sflag:s4] =	dma.local @!p0 [hbm:s5], $0x9E0  }
0x61: {  	s4 =	simm.s32 @!p0 $0xB  }
0x62: {  	_ =	swait.ge @!p0 [sflag:s4], $0x9E0  }
0x63: {  	[sflag:s4] =	ssyncset.done @!p0 $0x0  }
0x64: {  	s19 =	rddreg [dreg:$0x6];
	[sflag:s4] =	ssyncadd.s32 @!p0 $0xFFFFF620  }
0x65: {  	[tilespmem:s3], [sflag:$0xB] =	stream.linear.gather [hbm4b:s19+s3], $0x1900, $0x38;
	[tilespmem:$0x16170] =	vst v63  }
0x66: {  	_ =	swait.ge [sflag:s12], $0x1900  }
0x67: {  	[sflag:s12] =	ssyncset.done $0x0  }
0x68: {  	s6 =	simm.s32 $0x15C00;
	s5 =	rddreg [dreg:$0x5];
	[sflag:s12] =	ssyncadd.s32 $0xFFFFE700  }
0x69: {  	[tilespmem:s6], [sflag:$0xB] =	stream.linear.gather [hbm4b:s5+s3], $0x80, $0x38;
	[tilespmem:$0x16170] =	vst v63  }
0x6a: {  	_ =	swait.ge [sflag:s12], $0x80  }
0x6b: {  	[sflag:s12] =	ssyncset.done $0x0  }
0x6c: {  	[sflag:s12] =	ssyncadd.s32 $0xFFFFFF80  }
0x6d: {  	v41 =	vld [tilespmem:$0x15C00]  }
0x6e: {  	v42 =	vld [tilespmem:$0x0]  }
0x6f: {  	v43 =	vld [tilespmem:$0x10]  }
0x70: {  	v44 =	vld [tilespmem:$0x20]  }
0x71: {  	v45 =	vld [tilespmem:$0x30]  }
0x72: {  	v46 =	vld [tilespmem:$0x40]  }
0x73: {  	v47 =	vld [tilespmem:$0x50]  }
0x74: {  	v48 =	vld [tilespmem:$0x60];
	vm0 =	vlt.s32 v1, v41;
	v42 =	vadd.s32 $0x1, v42;
	vm13 =	vlt.s32 v2, v41  }
0x75: {  	v60 =	vld [tilespmem:$0x70];
	v43 =	vadd.s32 $0x1, v43;
	vm14 =	vlt.s32 v3, v41;
	v42 =	vnsel vm0, $0x0, v42  }
0x76: {  	v63 =	vld [tilespmem:$0x80];
	v59 =	vadd.s32 $0x1, v44;
	vm15 =	vlt.s32 v4, v41;
	v58 =	vnsel vm13, $0x0, v43;
	[tilespmem:$0x0] =	vst v42  }
0x77: {  	v54 =	vld [tilespmem:$0xA0];
	v62 =	vadd.s32 $0x1, v45;
	vm4 =	vlt.s32 v5, v41;
	v61 =	vnsel vm14, $0x0, v59;
	[tilespmem:$0x10] =	vst v58  }
0x78: {  	v57 =	vld [tilespmem:$0xB0];
	v51 =	vadd.s32 $0x1, v46;
	vm5 =	vlt.s32 v6, v41;
	v50 =	vnsel vm15, $0x0, v62;
	[tilespmem:$0x20] =	vst v61  }
0x79: {  	v46 =	vld [tilespmem:$0x90];
	v53 =	vadd.s32 $0x1, v47;
	vm6 =	vlt.s32 v7, v41;
	v52 =	vnsel vm4, $0x0, v51;
	[tilespmem:$0x30] =	vst v50  }
0x7a: {  	v56 =	vadd.s32 $0x1, v48;
	v55 =	vnsel vm5, $0x0, v53;
	v59 =	vadd.s32 $0x1, v60;
	v60 =	vld [tilespmem:$0xC0];
	[tilespmem:$0x40] =	vst v52  }
0x7b: {  	vm7 =	vlt.s32 v8, v41;
	v62 =	vadd.s32 $0x1, v63;
	v63 =	vld [tilespmem:$0xD0];
	[tilespmem:$0x50] =	vst v55;
	v58 =	vnsel vm6, $0x0, v56  }
0x7c: {  	vm8 =	vlt.s32 v9, v41;
	v53 =	vadd.s32 $0x1, v54;
	v54 =	vld [tilespmem:$0xF0];
	v61 =	vnsel vm7, $0x0, v59;
	[tilespmem:$0x60] =	vst v58  }
0x7d: {  	vm10 =	vlt.s32 v11, v41;
	v50 =	vnsel vm8, $0x0, v62;
	v56 =	vadd.s32 $0x1, v57;
	v57 =	vld [tilespmem:$0x100];
	[tilespmem:$0x70] =	vst v61  }
0x7e: {  	vm11 =	vlt.s32 v12, v41;
	v55 =	vnsel vm10, $0x0, v53;
	[tilespmem:$0x80] =	vst v50;
	v51 =	vadd.s32 $0x1, v46;
	v46 =	vld [tilespmem:$0xE0]  }
0x7f: {  	vm9 =	vlt.s32 v10, v41;
	[tilespmem:$0xA0] =	vst v55;
	v58 =	vnsel vm11, $0x0, v56;
	v59 =	vadd.s32 $0x1, v60;
	v60 =	vld [tilespmem:$0x110]  }
0x80: {  	vm12 =	vlt.s32 v13, v41;
	[tilespmem:$0xB0] =	vst v58;
	v52 =	vnsel vm9, $0x0, v51;
	v62 =	vadd.s32 $0x1, v63;
	v63 =	vld [tilespmem:$0x120]  }
0x81: {  	vm13 =	vlt.s32 v14, v41;
	v53 =	vadd.s32 $0x1, v54;
	v54 =	vld [tilespmem:$0x140];
	[tilespmem:$0x90] =	vst v52;
	v61 =	vnsel vm12, $0x0, v59  }
0x82: {  	vm15 =	vlt.s32 v16, v41;
	v50 =	vnsel vm13, $0x0, v62;
	v56 =	vadd.s32 $0x1, v57;
	v57 =	vld [tilespmem:$0x150];
	[tilespmem:$0xC0] =	vst v61  }
0x83: {  	vm4 =	vlt.s32 v17, v41;
	v55 =	vnsel vm15, $0x0, v53;
	[tilespmem:$0xD0] =	vst v50;
	v51 =	vadd.s32 $0x1, v46;
	v46 =	vld [tilespmem:$0x130]  }
0x84: {  	vm14 =	vlt.s32 v15, v41;
	[tilespmem:$0xF0] =	vst v55;
	v58 =	vnsel vm4, $0x0, v56;
	v59 =	vadd.s32 $0x1, v60;
	v60 =	vld [tilespmem:$0x160]  }
0x85: {  	vm5 =	vlt.s32 v18, v41;
	[tilespmem:$0x100] =	vst v58;
	v52 =	vnsel vm14, $0x0, v51;
	v62 =	vadd.s32 $0x1, v63;
	v63 =	vld [tilespmem:$0x170]  }
0x86: {  	vm6 =	vlt.s32 v19, v41;
	v53 =	vadd.s32 $0x1, v54;
	v54 =	vld [tilespmem:$0x190];
	[tilespmem:$0xE0] =	vst v52;
	v61 =	vnsel vm5, $0x0, v59  }
0x87: {  	vm8 =	vlt.s32 v21, v41;
	v50 =	vnsel vm6, $0x0, v62;
	v56 =	vadd.s32 $0x1, v57;
	v57 =	vld [tilespmem:$0x1A0];
	[tilespmem:$0x110] =	vst v61  }
0x88: {  	vm9 =	vlt.s32 v22, v41;
	v55 =	vnsel vm8, $0x0, v53;
	[tilespmem:$0x120] =	vst v50;
	v51 =	vadd.s32 $0x1, v46;
	v46 =	vld [tilespmem:$0x180]  }
0x89: {  	vm7 =	vlt.s32 v20, v41;
	[tilespmem:$0x140] =	vst v55;
	v58 =	vnsel vm9, $0x0, v56;
	v59 =	vadd.s32 $0x1, v60;
	v60 =	vld [tilespmem:$0x1B0]  }
0x8a: {  	vm10 =	vlt.s32 v23, v41;
	[tilespmem:$0x150] =	vst v58;
	v52 =	vnsel vm7, $0x0, v51;
	v62 =	vadd.s32 $0x1, v63;
	v63 =	vld [tilespmem:$0x1C0]  }
0x8b: {  	vm13 =	vlt.s32 v26, v41;
	v53 =	vadd.s32 $0x1, v54;
	v54 =	vld [tilespmem:$0x1E0];
	[tilespmem:$0x130] =	vst v52;
	v61 =	vnsel vm10, $0x0, v59  }
0x8c: {  	vm14 =	vlt.s32 v27, v41;
	v55 =	vnsel vm13, $0x0, v53;
	v56 =	vadd.s32 $0x1, v57;
	v57 =	vld [tilespmem:$0x1F0];
	[tilespmem:$0x160] =	vst v61  }
0x8d: {  	vm11 =	vlt.s32 v24, v41;
	vm12 =	vlt.s32 v25, v41;
	[tilespmem:$0x190] =	vst v55;
	v58 =	vnsel vm14, $0x0, v56;
	v55 =	vld [tilespmem:$0x230]  }
0x8e: {  	vm15 =	vlt.s32 v28, v41;
	v50 =	vnsel vm11, $0x0, v62;
	[tilespmem:$0x1A0] =	vst v58;
	v58 =	vld [tilespmem:$0x240];
	v51 =	vadd.s32 $0x1, v46  }
0x8f: {  	vm4 =	vlt.s32 v29, v41;
	[tilespmem:$0x170] =	vst v50;
	v46 =	vld [tilespmem:$0x1D0];
	v52 =	vnsel vm12, $0x0, v51;
	v59 =	vadd.s32 $0x1, v60  }
0x90: {  	vm5 =	vlt.s32 v30, v41;
	v60 =	vld [tilespmem:$0x200];
	v62 =	vadd.s32 $0x1, v63;
	[tilespmem:$0x180] =	vst v52;
	v61 =	vnsel vm15, $0x0, v59  }
0x91: {  	vm6 =	vlt.s32 v31, v41;
	v54 =	vadd.s32 $0x1, v54;
	v50 =	vnsel vm4, $0x0, v62;
	v52 =	vld [tilespmem:$0x220];
	[tilespmem:$0x1B0] =	vst v61  }
0x92: {  	vm7 =	vlt.s32 v32, v41;
	v63 =	vld [tilespmem:$0x210];
	v56 =	vnsel vm6, $0x0, v54;
	v57 =	vadd.s32 $0x1, v57;
	[tilespmem:$0x1C0] =	vst v50  }
0x93: {  	vm11 =	vlt.s32 v36, v41;
	[tilespmem:$0x1E0] =	vst v56;
	v59 =	vnsel vm7, $0x0, v57;
	v54 =	vadd.s32 $0x1, v55  }
0x94: {  	v49 =	vld [tilespmem:$0x260];
	vm12 =	vlt.s32 v37, v41;
	[tilespmem:$0x1F0] =	vst v59;
	v55 =	vnsel vm11, $0x0, v54;
	v56 =	vadd.s32 $0x1, v58  }
0x95: {  	vm8 =	vlt.s32 v33, v41;
	v61 =	vld [tilespmem:$0x250];
	v51 =	vadd.s32 $0x1, v46;
	[tilespmem:$0x230] =	vst v55;
	v57 =	vnsel vm12, $0x0, v56  }
0x96: {  	v53 =	vnsel vm5, $0x0, v51;
	v60 =	vadd.s32 $0x1, v60;
	[tilespmem:$0x240] =	vst v57;
	v51 =	vadd.s32 $0x1, v52;
	v52 =	vld [tilespmem:$0x270]  }
0x97: {  	vm9 =	vlt.s32 v34, v41;
	v63 =	vadd.s32 $0x1, v63;
	[tilespmem:$0x1D0] =	vst v53;
	v62 =	vnsel vm8, $0x0, v60  }
0x98: {  	vm10 =	vlt.s32 v35, v41;
	v50 =	vnsel vm9, $0x0, v63;
	[tilespmem:$0x200] =	vst v62  }
0x99: {  	vm14 =	vlt.s32 v39, v41;
	v60 =	vadd.s32 $0x1, v49;
	[tilespmem:$0x210] =	vst v50;
	v53 =	vnsel vm10, $0x0, v51  }
0x9a: {  	vm13 =	vlt.s32 v38, v41;
	v58 =	vadd.s32 $0x1, v61;
	v61 =	vnsel vm14, $0x0, v60;
	[tilespmem:$0x220] =	vst v53  }
0x9b: {  	vm15 =	vlt.s32 v40, v41;
	v59 =	vnsel vm13, $0x0, v58;
	[tilespmem:$0x260] =	vst v61;
	v62 =	vadd.s32 $0x1, v52  }
0x9c: {  	[tilespmem:$0x250] =	vst v59;
	v63 =	vnsel vm15, $0x0, v62  }
0x9d: {  	[tilespmem:$0x270] =	vst v63  }
0x9e: {  	[bflag:$0x0] =	sbarrier.arrive $0xFFFF  }
0x9f: {  	[tilespmem:s15], [sflag:$0x1] =	stream.indirect.gather [spmem:s2], $0x80, s3, s14, $0xb8;
	[tilespmem:$0x16170] =	vst v63  }
0xa0: {  	_ = 	snop  }
0xa1: {  	[tilespmem:s16], [sflag:$0x2] =	stream.indirect.gather [spmem:s2], $0x80, s14, s14, $0xb8;
	[tilespmem:$0x16170] =	vst v63  }
0xa2: {  	s9 =	simm.s32 $0x100  }
0xa3: {  	[tilespmem:s18], [sflag:$0x3] =	stream.indirect.gather [spmem:s2], $0x80, s9, s14, $0xb8;
	[tilespmem:$0x16170] =	vst v63  }
0xa4: {  	s17 =	simm.s32 $0x180  }
0xa5: {  	[tilespmem:s20], [sflag:$0x4] =	stream.indirect.gather [spmem:s2], $0x80, s17, s14, $0xb8;
	[tilespmem:$0x16170] =	vst v63  }
0xa6: {  	s19 =	simm.s32 $0x200  }
0xa7: {  	[tilespmem:s22], [sflag:$0x5] =	stream.indirect.gather [spmem:s2], $0x80, s19, s14, $0xb8;
	[tilespmem:$0x16170] =	vst v63  }
0xa8: {  	s9 =	smov.u32 s21;
	s17 =	simm.s32 $0x280;
	s19 =	simm.s32 $0x0  }
.LBB2_2:
0xa9: {  	p1 =	seq.s32 s19, $0x1680  }
.Ltmp2:
0xaa: {  	_ = 	snop;
	(pc) =	sbr.rel @!p1 .LBB2_3-.Ltmp2, $4  }
0xab: {  	_ =	swait.ge [sflag:s23], $0x4000  }
0xac: {  	[sflag:s23] =	ssyncset.done $0x0  }
0xad: {  	s4 =	sadd.s32 $0xFFFFE000, s9;
	[sflag:s23] =	ssyncadd.s32 $0xFFFFC000  }
0xae: {  	[hbm4b:s4+s3] =	stream.linear.scatter [tilespmem:s15], [sflag:$0x6], $0x4000, $0x38;
	[tilespmem:$0x16170] =	vst v63  }
.Ltmp3:
0xaf: {  	(pc) =	sbr.rel .LBB2_5-.Ltmp3, $4  }
0xb0: {  	_ =	swait.ge [sflag:s24], $0x4000  }
0xb1: {  	[sflag:s24] =	ssyncset.done $0x0  }
0xb2: {  	[sflag:s24] =	ssyncadd.s32 $0xFFFFC000  }
0xb3: {  	[hbm4b:s7+s3] =	stream.linear.scatter [tilespmem:s16], [sflag:$0x7], $0x4000, $0x38;
	[tilespmem:$0x16170] =	vst v63  }
.LBB2_3:
0xb4: {  	s4 =	sadd.s32 s19, s10  }
0xb5: {  	s5 =	sadd.s32 $0x280, s4  }
0xb6: {  	v42 =	vor.u32 s5, v0  }
0xb7: {  	v43 =	vmulhi.u32 $0x51EB851F, v42  }
0xb8: {  	v44 =	vld [tilespmem:s17+$0x0]  }
0xb9: {  	v43 =	vshrl.u32 v43, $0x6  }
0xba: {  	v43 =	vmul.u32 $0xC8, v43  }
0xbb: {  	s6 =	sadd.s32 $0x290, s4  }
0xbc: {  	v53 =	vor.u32 s6, v0;
	v42 =	vsub.s32 v42, v43  }
0xbd: {  	v54 =	vmulhi.u32 $0x51EB851F, v53;
	v52 =	vadd.s32 $0x1, v44;
	vm0 =	vlt.s32 v42, v41  }
0xbe: {  	v55 =	vld [tilespmem:s17+$0x10];
	v42 =	vnsel vm0, $0x0, v52  }
0xbf: {  	[tilespmem:s17+$0x0] =	vst v42;
	v42 =	vshrl.u32 v54, $0x6  }
0xc0: {  	v42 =	vmul.u32 $0xC8, v42  }
0xc1: {  	s6 =	sadd.s32 $0x2A0, s4  }
0xc2: {  	v57 =	vor.u32 s6, v0;
	v42 =	vsub.s32 v53, v42  }
0xc3: {  	v58 =	vmulhi.u32 $0x51EB851F, v57;
	v56 =	vadd.s32 $0x1, v55;
	vm13 =	vlt.s32 v42, v41  }
0xc4: {  	v59 =	vld [tilespmem:s17+$0x20];
	v42 =	vnsel vm13, $0x0, v56  }
0xc5: {  	[tilespmem:s17+$0x10] =	vst v42;
	v42 =	vshrl.u32 v58, $0x6  }
0xc6: {  	v42 =	vmul.u32 $0xC8, v42  }
0xc7: {  	s6 =	sadd.s32 $0x2B0, s4  }
0xc8: {  	v61 =	vor.u32 s6, v0;
	v42 =	vsub.s32 v57, v42  }
0xc9: {  	v60 =	vadd.s32 $0x1, v59;
	v62 =	vmulhi.u32 $0x51EB851F, v61;
	vm14 =	vlt.s32 v42, v41  }
0xca: {  	v63 =	vld [tilespmem:s17+$0x30];
	v42 =	vnsel vm14, $0x0, v60  }
0xcb: {  	[tilespmem:s17+$0x20] =	vst v42;
	v42 =	vshrl.u32 v62, $0x6  }
0xcc: {  	v42 =	vmul.u32 $0xC8, v42  }
0xcd: {  	s6 =	sadd.s32 $0x2C0, s4  }
0xce: {  	v49 =	vor.u32 s6, v0;
	v42 =	vsub.s32 v61, v42  }
0xcf: {  	v48 =	vadd.s32 $0x1, v63;
	v50 =	vmulhi.u32 $0x51EB851F, v49;
	vm15 =	vlt.s32 v42, v41  }
0xd0: {  	v51 =	vld [tilespmem:s17+$0x40];
	v42 =	vnsel vm15, $0x0, v48  }
0xd1: {  	[tilespmem:s17+$0x30] =	vst v42;
	v42 =	vshrl.u32 v50, $0x6  }
0xd2: {  	v42 =	vmul.u32 $0xC8, v42  }
0xd3: {  	s6 =	sadd.s32 $0x2D0, s4  }
0xd4: {  	v53 =	vor.u32 s6, v0;
	v42 =	vsub.s32 v49, v42  }
0xd5: {  	v52 =	vadd.s32 $0x1, v51;
	v54 =	vmulhi.u32 $0x51EB851F, v53;
	vm4 =	vlt.s32 v42, v41  }
0xd6: {  	v55 =	vld [tilespmem:s17+$0x50];
	v42 =	vnsel vm4, $0x0, v52  }
0xd7: {  	[tilespmem:s17+$0x40] =	vst v42;
	v42 =	vshrl.u32 v54, $0x6  }
0xd8: {  	v42 =	vmul.u32 $0xC8, v42  }
0xd9: {  	s6 =	sadd.s32 $0x2E0, s4  }
0xda: {  	v57 =	vor.u32 s6, v0;
	v42 =	vsub.s32 v53, v42  }
0xdb: {  	v56 =	vadd.s32 $0x1, v55;
	v58 =	vmulhi.u32 $0x51EB851F, v57;
	vm5 =	vlt.s32 v42, v41  }
0xdc: {  	v59 =	vld [tilespmem:s17+$0x60];
	v42 =	vnsel vm5, $0x0, v56  }
0xdd: {  	[tilespmem:s17+$0x50] =	vst v42;
	v42 =	vshrl.u32 v58, $0x6  }
0xde: {  	v42 =	vmul.u32 $0xC8, v42  }
0xdf: {  	s6 =	sadd.s32 $0x2F0, s4  }
0xe0: {  	v61 =	vor.u32 s6, v0;
	v42 =	vsub.s32 v57, v42  }
0xe1: {  	v60 =	vadd.s32 $0x1, v59;
	v62 =	vmulhi.u32 $0x51EB851F, v61;
	vm6 =	vlt.s32 v42, v41  }
0xe2: {  	v63 =	vld [tilespmem:s17+$0x70];
	v42 =	vnsel vm6, $0x0, v60  }
0xe3: {  	[tilespmem:s17+$0x60] =	vst v42;
	v42 =	vshrl.u32 v62, $0x6  }
0xe4: {  	v42 =	vmul.u32 $0xC8, v42;
	_ =	sdelay $0x1  }
0xe5: {  	v42 =	vsub.s32 v61, v42  }
0xe6: {  	v48 =	vadd.s32 $0x1, v63;
	vm7 =	vlt.s32 v42, v41  }
0xe7: {  	v42 =	vnsel vm7, $0x0, v48  }
0xe8: {  	[tilespmem:s17+$0x70] =	vst v42  }
0xe9: {  	_ =	swait.ge [sflag:s29], $0x4000  }
0xea: {  	[sflag:s29] =	ssyncset.done $0x0  }
0xeb: {  	[sflag:s29] =	ssyncadd.s32 $0xFFFFC000  }
0xec: {  	[tilespmem:s15], [sflag:$0x1] =	stream.indirect.gather [spmem:s2], $0x80, s17, s14, $0xb8;
	[tilespmem:$0x16170] =	vst v63  }
0xed: {  	_ =	swait.ge [sflag:s24], $0x4000  }
0xee: {  	s5 =	sadd.s32 $0x300, s4;
	[sflag:s24] =	ssyncset.done $0x0  }
0xef: {  	s6 =	sadd.s32 $0xFFFFE800, s9;
	v49 =	vor.u32 s5, v0;
	[sflag:s24] =	ssyncadd.s32 $0xFFFFC000  }
0xf0: {  	v50 =	vmulhi.u32 $0x51EB851F, v49;
	[hbm4b:s6+s3] =	stream.linear.scatter [tilespmem:s16], [sflag:$0x7], $0x4000, $0x38;
	[tilespmem:$0x16170] =	vst v63  }
0xf1: {  	v51 =	vld [tilespmem:s17+$0x80]  }
0xf2: {  	v43 =	vshrl.u32 v50, $0x6  }
0xf3: {  	v43 =	vmul.u32 $0xC8, v43  }
0xf4: {  	s6 =	sadd.s32 $0x310, s4  }
0xf5: {  	v42 =	vsub.s32 v49, v43;
	v53 =	vor.u32 s6, v0  }
0xf6: {  	vm8 =	vlt.s32 v42, v41;
	v54 =	vmulhi.u32 $0x51EB851F, v53;
	v52 =	vadd.s32 $0x1, v51  }
0xf7: {  	v55 =	vld [tilespmem:s17+$0x90];
	v42 =	vnsel vm8, $0x0, v52  }
0xf8: {  	[tilespmem:s17+$0x80] =	vst v42;
	v42 =	vshrl.u32 v54, $0x6  }
0xf9: {  	v42 =	vmul.u32 $0xC8, v42  }
0xfa: {  	s6 =	sadd.s32 $0x320, s4  }
0xfb: {  	v57 =	vor.u32 s6, v0;
	v42 =	vsub.s32 v53, v42  }
0xfc: {  	v58 =	vmulhi.u32 $0x51EB851F, v57;
	v56 =	vadd.s32 $0x1, v55;
	vm9 =	vlt.s32 v42, v41  }
0xfd: {  	v59 =	vld [tilespmem:s17+$0xA0];
	v42 =	vnsel vm9, $0x0, v56  }
0xfe: {  	[tilespmem:s17+$0x90] =	vst v42;
	v42 =	vshrl.u32 v58, $0x6  }
0xff: {  	v42 =	vmul.u32 $0xC8, v42  }
0x100: {  	s6 =	sadd.s32 $0x330, s4  }
0x101: {  	v61 =	vor.u32 s6, v0;
	v42 =	vsub.s32 v57, v42  }
0x102: {  	v62 =	vmulhi.u32 $0x51EB851F, v61;
	v60 =	vadd.s32 $0x1, v59;
	vm10 =	vlt.s32 v42, v41  }
0x103: {  	v63 =	vld [tilespmem:s17+$0xB0];
	v42 =	vnsel vm10, $0x0, v60  }
0x104: {  	[tilespmem:s17+$0xA0] =	vst v42;
	v42 =	vshrl.u32 v62, $0x6  }
0x105: {  	v42 =	vmul.u32 $0xC8, v42  }
0x106: {  	s6 =	sadd.s32 $0x340, s4  }
0x107: {  	v48 =	vor.u32 s6, v0;
	v42 =	vsub.s32 v61, v42  }
0x108: {  	v49 =	vmulhi.u32 $0x51EB851F, v48;
	v47 =	vadd.s32 $0x1, v63;
	vm11 =	vlt.s32 v42, v41  }
0x109: {  	v50 =	vld [tilespmem:s17+$0xC0];
	v42 =	vnsel vm11, $0x0, v47  }
0x10a: {  	[tilespmem:s17+$0xB0] =	vst v42;
	v42 =	vshrl.u32 v49, $0x6  }
0x10b: {  	v42 =	vmul.u32 $0xC8, v42  }
0x10c: {  	s6 =	sadd.s32 $0x350, s4  }
0x10d: {  	v52 =	vor.u32 s6, v0;
	v42 =	vsub.s32 v48, v42  }
0x10e: {  	v51 =	vadd.s32 $0x1, v50;
	v53 =	vmulhi.u32 $0x51EB851F, v52;
	vm12 =	vlt.s32 v42, v41  }
0x10f: {  	v54 =	vld [tilespmem:s17+$0xD0];
	v42 =	vnsel vm12, $0x0, v51  }
0x110: {  	[tilespmem:s17+$0xC0] =	vst v42;
	v42 =	vshrl.u32 v53, $0x6  }
0x111: {  	v42 =	vmul.u32 $0xC8, v42  }
0x112: {  	s6 =	sadd.s32 $0x360, s4  }
0x113: {  	v56 =	vor.u32 s6, v0;
	v42 =	vsub.s32 v52, v42  }
0x114: {  	v55 =	vadd.s32 $0x1, v54;
	v57 =	vmulhi.u32 $0x51EB851F, v56;
	vm13 =	vlt.s32 v42, v41  }
0x115: {  	v58 =	vld [tilespmem:s17+$0xE0];
	v42 =	vnsel vm13, $0x0, v55  }
0x116: {  	[tilespmem:s17+$0xD0] =	vst v42;
	v42 =	vshrl.u32 v57, $0x6  }
0x117: {  	v42 =	vmul.u32 $0xC8, v42  }
0x118: {  	s4 =	sadd.s32 $0x370, s4  }
0x119: {  	v60 =	vor.u32 s4, v0;
	v42 =	vsub.s32 v56, v42  }
0x11a: {  	v59 =	vadd.s32 $0x1, v58;
	v61 =	vmulhi.u32 $0x51EB851F, v60;
	vm14 =	vlt.s32 v42, v41  }
0x11b: {  	v62 =	vld [tilespmem:s17+$0xF0];
	v42 =	vnsel vm14, $0x0, v59  }
0x11c: {  	[tilespmem:s17+$0xE0] =	vst v42;
	v42 =	vshrl.u32 v61, $0x6  }
0x11d: {  	v42 =	vmul.u32 $0xC8, v42;
	_ =	sdelay $0x1  }
0x11e: {  	v42 =	vsub.s32 v60, v42  }
0x11f: {  	v63 =	vadd.s32 $0x1, v62;
	vm15 =	vlt.s32 v42, v41  }
0x120: {  	v42 =	vnsel vm15, $0x0, v63  }
0x121: {  	[tilespmem:s17+$0xF0] =	vst v42  }
0x122: {  	_ =	swait.ge [sflag:s30], $0x4000  }
0x123: {  	[sflag:s30] =	ssyncset.done $0x0  }
0x124: {  	s6 =	sadd.s32 $0x80, s17;
	[sflag:s30] =	ssyncadd.s32 $0xFFFFC000  }
0x125: {  	[tilespmem:s16], [sflag:$0x2] =	stream.indirect.gather [spmem:s2], $0x80, s6, s14, $0xb8;
	[tilespmem:$0x16170] =	vst v63  }
.LBB2_5:
.Ltmp4:
0x126: {  	(pc) =	sbr.rel @!p1 .LBB2_6-.Ltmp4, $4  }
0x127: {  	_ =	swait.ge [sflag:s25], $0x4000  }
0x128: {  	[sflag:s25] =	ssyncset.done $0x0  }
0x129: {  	s4 =	sadd.s32 $0xFFFFF000, s9;
	[sflag:s25] =	ssyncadd.s32 $0xFFFFC000  }
0x12a: {  	[hbm4b:s4+s3] =	stream.linear.scatter [tilespmem:s18], [sflag:$0x8], $0x4000, $0x38;
	[tilespmem:$0x16170] =	vst v63  }
.Ltmp5:
0x12b: {  	(pc) =	sbr.rel .LBB2_8-.Ltmp5, $4  }
0x12c: {  	_ =	swait.ge [sflag:s26], $0x4000  }
0x12d: {  	[sflag:s26] =	ssyncset.done $0x0  }
0x12e: {  	[sflag:s26] =	ssyncadd.s32 $0xFFFFC000  }
0x12f: {  	[hbm4b:s8+s3] =	stream.linear.scatter [tilespmem:s20], [sflag:$0x9], $0x4000, $0x38;
	[tilespmem:$0x16170] =	vst v63  }
.LBB2_6:
0x130: {  	s4 =	sadd.s32 s19, s10  }
0x131: {  	s5 =	sadd.s32 $0x380, s4  }
0x132: {  	v42 =	vor.u32 s5, v0  }
0x133: {  	v43 =	vmulhi.u32 $0x51EB851F, v42  }
0x134: {  	v44 =	vld [tilespmem:s17+$0x100]  }
0x135: {  	v43 =	vshrl.u32 v43, $0x6  }
0x136: {  	v43 =	vmul.u32 $0xC8, v43  }
0x137: {  	s6 =	sadd.s32 $0x390, s4  }
0x138: {  	v53 =	vor.u32 s6, v0;
	v42 =	vsub.s32 v42, v43  }
0x139: {  	v54 =	vmulhi.u32 $0x51EB851F, v53;
	v52 =	vadd.s32 $0x1, v44;
	vm0 =	vlt.s32 v42, v41  }
0x13a: {  	v55 =	vld [tilespmem:s17+$0x110];
	v42 =	vnsel vm0, $0x0, v52  }
0x13b: {  	[tilespmem:s17+$0x100] =	vst v42;
	v42 =	vshrl.u32 v54, $0x6  }
0x13c: {  	v42 =	vmul.u32 $0xC8, v42  }
0x13d: {  	s6 =	sadd.s32 $0x3A0, s4  }
0x13e: {  	v57 =	vor.u32 s6, v0;
	v42 =	vsub.s32 v53, v42  }
0x13f: {  	v58 =	vmulhi.u32 $0x51EB851F, v57;
	v56 =	vadd.s32 $0x1, v55;
	vm13 =	vlt.s32 v42, v41  }
0x140: {  	v59 =	vld [tilespmem:s17+$0x120];
	v42 =	vnsel vm13, $0x0, v56  }
0x141: {  	[tilespmem:s17+$0x110] =	vst v42;
	v42 =	vshrl.u32 v58, $0x6  }
0x142: {  	v42 =	vmul.u32 $0xC8, v42  }
0x143: {  	s6 =	sadd.s32 $0x3B0, s4  }
0x144: {  	v61 =	vor.u32 s6, v0;
	v42 =	vsub.s32 v57, v42  }
0x145: {  	v60 =	vadd.s32 $0x1, v59;
	v62 =	vmulhi.u32 $0x51EB851F, v61;
	vm14 =	vlt.s32 v42, v41  }
0x146: {  	v63 =	vld [tilespmem:s17+$0x130];
	v42 =	vnsel vm14, $0x0, v60  }
0x147: {  	[tilespmem:s17+$0x120] =	vst v42;
	v42 =	vshrl.u32 v62, $0x6  }
0x148: {  	v42 =	vmul.u32 $0xC8, v42  }
0x149: {  	s6 =	sadd.s32 $0x3C0, s4  }
0x14a: {  	v49 =	vor.u32 s6, v0;
	v42 =	vsub.s32 v61, v42  }
0x14b: {  	v48 =	vadd.s32 $0x1, v63;
	v50 =	vmulhi.u32 $0x51EB851F, v49;
	vm15 =	vlt.s32 v42, v41  }
0x14c: {  	v51 =	vld [tilespmem:s17+$0x140];
	v42 =	vnsel vm15, $0x0, v48  }
0x14d: {  	[tilespmem:s17+$0x130] =	vst v42;
	v42 =	vshrl.u32 v50, $0x6  }
0x14e: {  	v42 =	vmul.u32 $0xC8, v42  }
0x14f: {  	s6 =	sadd.s32 $0x3D0, s4  }
0x150: {  	v53 =	vor.u32 s6, v0;
	v42 =	vsub.s32 v49, v42  }
0x151: {  	v52 =	vadd.s32 $0x1, v51;
	v54 =	vmulhi.u32 $0x51EB851F, v53;
	vm4 =	vlt.s32 v42, v41  }
0x152: {  	v55 =	vld [tilespmem:s17+$0x150];
	v42 =	vnsel vm4, $0x0, v52  }
0x153: {  	[tilespmem:s17+$0x140] =	vst v42;
	v42 =	vshrl.u32 v54, $0x6  }
0x154: {  	v42 =	vmul.u32 $0xC8, v42  }
0x155: {  	s6 =	sadd.s32 $0x3E0, s4  }
0x156: {  	v57 =	vor.u32 s6, v0;
	v42 =	vsub.s32 v53, v42  }
0x157: {  	v56 =	vadd.s32 $0x1, v55;
	v58 =	vmulhi.u32 $0x51EB851F, v57;
	vm5 =	vlt.s32 v42, v41  }
0x158: {  	v59 =	vld [tilespmem:s17+$0x160];
	v42 =	vnsel vm5, $0x0, v56  }
0x159: {  	[tilespmem:s17+$0x150] =	vst v42;
	v42 =	vshrl.u32 v58, $0x6  }
0x15a: {  	v42 =	vmul.u32 $0xC8, v42  }
0x15b: {  	s6 =	sadd.s32 $0x3F0, s4  }
0x15c: {  	v61 =	vor.u32 s6, v0;
	v42 =	vsub.s32 v57, v42  }
0x15d: {  	v60 =	vadd.s32 $0x1, v59;
	v62 =	vmulhi.u32 $0x51EB851F, v61;
	vm6 =	vlt.s32 v42, v41  }
0x15e: {  	v63 =	vld [tilespmem:s17+$0x170];
	v42 =	vnsel vm6, $0x0, v60  }
0x15f: {  	[tilespmem:s17+$0x160] =	vst v42;
	v42 =	vshrl.u32 v62, $0x6  }
0x160: {  	v42 =	vmul.u32 $0xC8, v42;
	_ =	sdelay $0x1  }
0x161: {  	v42 =	vsub.s32 v61, v42  }
0x162: {  	v48 =	vadd.s32 $0x1, v63;
	vm7 =	vlt.s32 v42, v41  }
0x163: {  	v42 =	vnsel vm7, $0x0, v48  }
0x164: {  	[tilespmem:s17+$0x170] =	vst v42  }
0x165: {  	_ =	swait.ge [sflag:s31], $0x4000  }
0x166: {  	[sflag:s31] =	ssyncset.done $0x0  }
0x167: {  	s6 =	sadd.s32 $0x100, s17;
	[sflag:s31] =	ssyncadd.s32 $0xFFFFC000  }
0x168: {  	[tilespmem:s18], [sflag:$0x3] =	stream.indirect.gather [spmem:s2], $0x80, s6, s14, $0xb8;
	[tilespmem:$0x16170] =	vst v63  }
0x169: {  	_ =	swait.ge [sflag:s26], $0x4000  }
0x16a: {  	s5 =	sadd.s32 $0x400, s4;
	[sflag:s26] =	ssyncset.done $0x0  }
0x16b: {  	v49 =	vor.u32 s5, v0;
	s6 =	sadd.s32 $0xFFFFF800, s9;
	[sflag:s26] =	ssyncadd.s32 $0xFFFFC000  }
0x16c: {  	v50 =	vmulhi.u32 $0x51EB851F, v49;
	[hbm4b:s6+s3] =	stream.linear.scatter [tilespmem:s20], [sflag:$0x9], $0x4000, $0x38;
	[tilespmem:$0x16170] =	vst v63  }
0x16d: {  	v51 =	vld [tilespmem:s17+$0x180]  }
0x16e: {  	v43 =	vshrl.u32 v50, $0x6  }
0x16f: {  	v43 =	vmul.u32 $0xC8, v43  }
0x170: {  	s6 =	sadd.s32 $0x410, s4  }
0x171: {  	v42 =	vsub.s32 v49, v43;
	v53 =	vor.u32 s6, v0  }
0x172: {  	vm8 =	vlt.s32 v42, v41;
	v54 =	vmulhi.u32 $0x51EB851F, v53;
	v52 =	vadd.s32 $0x1, v51  }
0x173: {  	v55 =	vld [tilespmem:s17+$0x190];
	v42 =	vnsel vm8, $0x0, v52  }
0x174: {  	[tilespmem:s17+$0x180] =	vst v42;
	v42 =	vshrl.u32 v54, $0x6  }
0x175: {  	v42 =	vmul.u32 $0xC8, v42  }
0x176: {  	s6 =	sadd.s32 $0x420, s4  }
0x177: {  	v57 =	vor.u32 s6, v0;
	v42 =	vsub.s32 v53, v42  }
0x178: {  	v58 =	vmulhi.u32 $0x51EB851F, v57;
	v56 =	vadd.s32 $0x1, v55;
	vm9 =	vlt.s32 v42, v41  }
0x179: {  	v59 =	vld [tilespmem:s17+$0x1A0];
	v42 =	vnsel vm9, $0x0, v56  }
0x17a: {  	[tilespmem:s17+$0x190] =	vst v42;
	v42 =	vshrl.u32 v58, $0x6  }
0x17b: {  	v42 =	vmul.u32 $0xC8, v42  }
0x17c: {  	s6 =	sadd.s32 $0x430, s4  }
0x17d: {  	v61 =	vor.u32 s6, v0;
	v42 =	vsub.s32 v57, v42  }
0x17e: {  	v62 =	vmulhi.u32 $0x51EB851F, v61;
	v60 =	vadd.s32 $0x1, v59;
	vm10 =	vlt.s32 v42, v41  }
0x17f: {  	v63 =	vld [tilespmem:s17+$0x1B0];
	v42 =	vnsel vm10, $0x0, v60  }
0x180: {  	[tilespmem:s17+$0x1A0] =	vst v42;
	v42 =	vshrl.u32 v62, $0x6  }
0x181: {  	v42 =	vmul.u32 $0xC8, v42  }
0x182: {  	s6 =	sadd.s32 $0x440, s4  }
0x183: {  	v48 =	vor.u32 s6, v0;
	v42 =	vsub.s32 v61, v42  }
0x184: {  	v49 =	vmulhi.u32 $0x51EB851F, v48;
	v47 =	vadd.s32 $0x1, v63;
	vm11 =	vlt.s32 v42, v41  }
0x185: {  	v50 =	vld [tilespmem:s17+$0x1C0];
	v42 =	vnsel vm11, $0x0, v47  }
0x186: {  	[tilespmem:s17+$0x1B0] =	vst v42;
	v42 =	vshrl.u32 v49, $0x6  }
0x187: {  	v42 =	vmul.u32 $0xC8, v42  }
0x188: {  	s6 =	sadd.s32 $0x450, s4  }
0x189: {  	v52 =	vor.u32 s6, v0;
	v42 =	vsub.s32 v48, v42  }
0x18a: {  	v51 =	vadd.s32 $0x1, v50;
	v53 =	vmulhi.u32 $0x51EB851F, v52;
	vm12 =	vlt.s32 v42, v41  }
0x18b: {  	v54 =	vld [tilespmem:s17+$0x1D0];
	v42 =	vnsel vm12, $0x0, v51  }
0x18c: {  	[tilespmem:s17+$0x1C0] =	vst v42;
	v42 =	vshrl.u32 v53, $0x6  }
0x18d: {  	v42 =	vmul.u32 $0xC8, v42  }
0x18e: {  	s6 =	sadd.s32 $0x460, s4  }
0x18f: {  	v56 =	vor.u32 s6, v0;
	v42 =	vsub.s32 v52, v42  }
0x190: {  	v55 =	vadd.s32 $0x1, v54;
	v57 =	vmulhi.u32 $0x51EB851F, v56;
	vm13 =	vlt.s32 v42, v41  }
0x191: {  	v58 =	vld [tilespmem:s17+$0x1E0];
	v42 =	vnsel vm13, $0x0, v55  }
0x192: {  	[tilespmem:s17+$0x1D0] =	vst v42;
	v42 =	vshrl.u32 v57, $0x6  }
0x193: {  	v42 =	vmul.u32 $0xC8, v42  }
0x194: {  	s4 =	sadd.s32 $0x470, s4  }
0x195: {  	v60 =	vor.u32 s4, v0;
	v42 =	vsub.s32 v56, v42  }
0x196: {  	v59 =	vadd.s32 $0x1, v58;
	v61 =	vmulhi.u32 $0x51EB851F, v60;
	vm14 =	vlt.s32 v42, v41  }
0x197: {  	v62 =	vld [tilespmem:s17+$0x1F0];
	v42 =	vnsel vm14, $0x0, v59  }
0x198: {  	[tilespmem:s17+$0x1E0] =	vst v42;
	v42 =	vshrl.u32 v61, $0x6  }
0x199: {  	v42 =	vmul.u32 $0xC8, v42;
	_ =	sdelay $0x1  }
0x19a: {  	v42 =	vsub.s32 v60, v42  }
0x19b: {  	v63 =	vadd.s32 $0x1, v62;
	vm15 =	vlt.s32 v42, v41  }
0x19c: {  	v42 =	vnsel vm15, $0x0, v63  }
0x19d: {  	[tilespmem:s17+$0x1F0] =	vst v42  }
0x19e: {  	_ =	swait.ge [sflag:s1], $0x4000  }
0x19f: {  	[sflag:s1] =	ssyncset.done $0x0  }
0x1a0: {  	s6 =	sadd.s32 $0x180, s17;
	[sflag:s1] =	ssyncadd.s32 $0xFFFFC000  }
0x1a1: {  	[tilespmem:s20], [sflag:$0x4] =	stream.indirect.gather [spmem:s2], $0x80, s6, s14, $0xb8;
	[tilespmem:$0x16170] =	vst v63  }
.LBB2_8:
.Ltmp6:
0x1a2: {  	(pc) =	sbr.rel @p1 .LBB2_10-.Ltmp6, $4  }
0x1a3: {  	_ =	swait.ge [sflag:s28], $0x4000  }
0x1a4: {  	[sflag:s28] =	ssyncset.done $0x0  }
0x1a5: {  	[sflag:s28] =	ssyncadd.s32 $0xFFFFC000  }
0x1a6: {  	[hbm4b:s9+s3] =	stream.linear.scatter [tilespmem:s22], [sflag:$0xA], $0x4000, $0x38;
	[tilespmem:$0x16170] =	vst v63  }
0x1a7: {  	s4 =	sadd.s32 s19, s10  }
0x1a8: {  	s5 =	sadd.s32 $0x480, s4  }
0x1a9: {  	v42 =	vor.u32 s5, v0  }
0x1aa: {  	v43 =	vmulhi.u32 $0x51EB851F, v42  }
0x1ab: {  	v44 =	vld [tilespmem:s17+$0x200]  }
0x1ac: {  	v43 =	vshrl.u32 v43, $0x6  }
0x1ad: {  	v43 =	vmul.u32 $0xC8, v43  }
0x1ae: {  	s6 =	sadd.s32 $0x490, s4  }
0x1af: {  	v53 =	vor.u32 s6, v0;
	v42 =	vsub.s32 v42, v43  }
0x1b0: {  	v54 =	vmulhi.u32 $0x51EB851F, v53;
	v52 =	vadd.s32 $0x1, v44;
	vm0 =	vlt.s32 v42, v41  }
0x1b1: {  	v55 =	vld [tilespmem:s17+$0x210];
	v42 =	vnsel vm0, $0x0, v52  }
0x1b2: {  	[tilespmem:s17+$0x200] =	vst v42;
	v42 =	vshrl.u32 v54, $0x6  }
0x1b3: {  	v42 =	vmul.u32 $0xC8, v42  }
0x1b4: {  	s6 =	sadd.s32 $0x4A0, s4  }
0x1b5: {  	v57 =	vor.u32 s6, v0;
	v42 =	vsub.s32 v53, v42  }
0x1b6: {  	v58 =	vmulhi.u32 $0x51EB851F, v57;
	v56 =	vadd.s32 $0x1, v55;
	vm9 =	vlt.s32 v42, v41  }
0x1b7: {  	v59 =	vld [tilespmem:s17+$0x220];
	v42 =	vnsel vm9, $0x0, v56  }
0x1b8: {  	[tilespmem:s17+$0x210] =	vst v42;
	v42 =	vshrl.u32 v58, $0x6  }
0x1b9: {  	v42 =	vmul.u32 $0xC8, v42  }
0x1ba: {  	s6 =	sadd.s32 $0x4B0, s4  }
0x1bb: {  	v61 =	vor.u32 s6, v0;
	v42 =	vsub.s32 v57, v42  }
0x1bc: {  	v60 =	vadd.s32 $0x1, v59;
	v62 =	vmulhi.u32 $0x51EB851F, v61;
	vm10 =	vlt.s32 v42, v41  }
0x1bd: {  	v63 =	vld [tilespmem:s17+$0x230];
	v42 =	vnsel vm10, $0x0, v60  }
0x1be: {  	[tilespmem:s17+$0x220] =	vst v42;
	v42 =	vshrl.u32 v62, $0x6  }
0x1bf: {  	v42 =	vmul.u32 $0xC8, v42  }
0x1c0: {  	s6 =	sadd.s32 $0x4C0, s4  }
0x1c1: {  	v48 =	vor.u32 s6, v0;
	v42 =	vsub.s32 v61, v42  }
0x1c2: {  	v47 =	vadd.s32 $0x1, v63;
	v49 =	vmulhi.u32 $0x51EB851F, v48;
	vm11 =	vlt.s32 v42, v41  }
0x1c3: {  	v50 =	vld [tilespmem:s17+$0x240];
	v42 =	vnsel vm11, $0x0, v47  }
0x1c4: {  	[tilespmem:s17+$0x230] =	vst v42;
	v42 =	vshrl.u32 v49, $0x6  }
0x1c5: {  	v42 =	vmul.u32 $0xC8, v42  }
0x1c6: {  	s6 =	sadd.s32 $0x4D0, s4  }
0x1c7: {  	v52 =	vor.u32 s6, v0;
	v42 =	vsub.s32 v48, v42  }
0x1c8: {  	v51 =	vadd.s32 $0x1, v50;
	v53 =	vmulhi.u32 $0x51EB851F, v52;
	vm12 =	vlt.s32 v42, v41  }
0x1c9: {  	v54 =	vld [tilespmem:s17+$0x250];
	v42 =	vnsel vm12, $0x0, v51  }
0x1ca: {  	[tilespmem:s17+$0x240] =	vst v42;
	v42 =	vshrl.u32 v53, $0x6  }
0x1cb: {  	v42 =	vmul.u32 $0xC8, v42  }
0x1cc: {  	s6 =	sadd.s32 $0x4E0, s4  }
0x1cd: {  	v56 =	vor.u32 s6, v0;
	v42 =	vsub.s32 v52, v42  }
0x1ce: {  	v55 =	vadd.s32 $0x1, v54;
	v57 =	vmulhi.u32 $0x51EB851F, v56;
	vm13 =	vlt.s32 v42, v41  }
0x1cf: {  	v58 =	vld [tilespmem:s17+$0x260];
	v42 =	vnsel vm13, $0x0, v55  }
0x1d0: {  	[tilespmem:s17+$0x250] =	vst v42;
	v42 =	vshrl.u32 v57, $0x6  }
0x1d1: {  	v42 =	vmul.u32 $0xC8, v42  }
0x1d2: {  	s4 =	sadd.s32 $0x4F0, s4  }
0x1d3: {  	v60 =	vor.u32 s4, v0;
	v42 =	vsub.s32 v56, v42  }
0x1d4: {  	v59 =	vadd.s32 $0x1, v58;
	v61 =	vmulhi.u32 $0x51EB851F, v60;
	vm14 =	vlt.s32 v42, v41  }
0x1d5: {  	v62 =	vld [tilespmem:s17+$0x270];
	v42 =	vnsel vm14, $0x0, v59  }
0x1d6: {  	[tilespmem:s17+$0x260] =	vst v42;
	v42 =	vshrl.u32 v61, $0x6  }
0x1d7: {  	v42 =	vmul.u32 $0xC8, v42;
	_ =	sdelay $0x1  }
0x1d8: {  	v42 =	vsub.s32 v60, v42  }
0x1d9: {  	v63 =	vadd.s32 $0x1, v62;
	vm15 =	vlt.s32 v42, v41  }
0x1da: {  	v42 =	vnsel vm15, $0x0, v63  }
.Ltmp7:
0x1db: {  	[tilespmem:s17+$0x270] =	vst v42;
	(pc) =	sbr.rel .LBB2_2-.Ltmp7, $4  }
0x1dc: {  	_ =	swait.ge [sflag:s0], $0x4000  }
0x1dd: {  	s9 =	sadd.s32 $0x2800, s9;
	s19 =	sadd.s32 $0x280, s19;
	[sflag:s0] =	ssyncset.done $0x0  }
0x1de: {  	s6 =	sadd.s32 $0x200, s17;
	s17 =	sadd.s32 $0x280, s17;
	[sflag:s0] =	ssyncadd.s32 $0xFFFFC000  }
0x1df: {  	[tilespmem:s22], [sflag:$0x5] =	stream.indirect.gather [spmem:s2], $0x80, s6, s14, $0xb8;
	[tilespmem:$0x16170] =	vst v63  }
.LBB2_11:
0x1e0: {  	_ =	sfence.sel $0x180000  }
0x1e1: {  	[bflag:$0x0] =	sbarrier.arrive $0xFFFF  }
0x1e2: {  	_ =	strace $0x90000047  }
0x1e3: {  	[bflag:$0x2] =	sbarrier.arrive $0xFFFF  }
0x1e4: {  	s0 =	rddreg [dreg:$0x4]  }
0x1e5: {  	s0 =	sadd.s32 @!p0 $0x100000, s0  }
0x1e6: {  	[sflag:s0] =	ssyncadd.tile.s32 @!p0 $0x1;
	_ =	shalt  }
.Lfunc_end2:
_tile_overlayer_lowered:
.L_overlay_start_2:
0x1e7: {  	(tag) =	ssettag $0x2  }
0x1e8: {  	s0 =	rddreg [dreg:$0x0];
	s2 =	stileid.u32  }
0x1e9: {  	s1 =	rddreg [dreg:$0x1];
	p0 =	sne.s32 s2, $0x0  }
0x1ea: {  	s3 =	rddreg [dreg:$0x2];
	[bflag:$0x3] =	sbarrier.arrive $0xFFFF;
	s2 =	simm.s32 @!p0 $0x1C0B  }
0x1eb: {  	[timem:s3], [sflag:s2] =	dma.local @!p0 [hbm:s0], s1  }
0x1ec: {  	s0 =	simm.s32 @!p0 $0xB  }
0x1ed: {  	_ =	swait.ge @!p0 [sflag:s0], s1  }
0x1ee: {  	s1 =	ssub.s32 @!p0 $0x0, s1;
	[sflag:s0] =	ssyncset.done @!p0 $0x0  }
0x1ef: {  	[sflag:s0] =	ssyncadd.s32 @!p0 s1  }
0x1f0: {  	[bflag:$0x3] =	sbarrier.arrive $0xFFFF  }
0x1f1: {  	_ =	shalt  }

</sc_bundles>
